<compile_context>
chip_gen: v7x
topology: tpu7x:2x2x1
jax: 0.10.2.dev20260603
libtpu: 0.0.44.dev20260713+nightly
codegen_flags: <defaults>
</compile_context>

<pallas_src>
import math

import jax
import jax.numpy as jnp
from jax import lax
from jax.experimental import pallas as pl
from jax.experimental.pallas import tpu as pltpu
from jax.experimental.pallas import tpu_sc as plsc

EMB = 64
SCALE = math.sqrt(EMB)
SEQ = 200
NBUF = 2
SPLITS = ((0, 128), (128, 72))
IDXPAD = 16


def kernel(tokens, table):
    nbatch, seq = tokens.shape
    assert seq == SEQ
    B = nbatch * seq
    vocab = table.shape[0]
    info = plsc.get_sparse_core_info()
    n_workers = info.num_cores * info.num_subcores
    rows_per_w = nbatch // n_workers
    toks_per_w = rows_per_w * seq
    mesh = plsc.VectorSubcoreMesh(core_axis_name="c", subcore_axis_name="s")

    def body(tokens_hbm, table_hbm, out_hbm, idx_all, idx2, rows, rows_o, sg, ss):
        wid = lax.axis_index("s") * info.num_cores + lax.axis_index("c")
        wrow0 = wid * rows_per_w

        pltpu.sync_copy(
            tokens_hbm.at[pl.ds(wid * toks_per_w, toks_per_w)],
            idx_all.at[pl.ds(0, toks_per_w)],
        )

        def fire(ci, b):
            base = ci * SEQ
            for j in range((SEQ + 15) // 16):
                sl = pl.ds(j * 16, 16)
                idx2[b][sl] = lax.shift_right_logical(idx_all[pl.ds(base + j * 16, 16)], 1)
            for (off, n) in SPLITS:
                pltpu.async_copy(
                    table_hbm.at[idx2[b].at[pl.ds(off, n)]],
                    rows[b].at[pl.ds(off, n)],
                    sg[b],
                )

        def wait_gather(b):
            for (off, n) in SPLITS:
                pltpu.make_async_copy(
                    table_hbm.at[idx2[b].at[pl.ds(off, n)]],
                    rows[b].at[pl.ds(off, n)],
                    sg[b],
                ).wait()

        def store(ci, b):
            pltpu.async_copy(rows_o[b], out_hbm.at[wrow0 + ci], ss[b])

        def wait_store(b):
            pltpu.make_async_copy(rows_o[b], out_hbm.at[wrow0], ss[b]).wait()

        def scale(ci, b):
            base = ci * SEQ

            def scale_block(k, c):
                r0 = k * 8
                par_vec = (idx_all[pl.ds(base + r0, 16)] & 1) * EMB
                for j in range(8):
                    par = par_vec[j]
                    for q in range(EMB // 16):
                        v = rows[b][r0 + j, pl.ds(par + q * 16, 16)]
                        rows_o[b][r0 + j, pl.ds(q * 16, 16)] = v * SCALE
                return c

            lax.fori_loop(0, SEQ // 8, scale_block, 0)

        fire(0, 0)

        def step(ci, carry):
            for b in range(NBUF):
                i = ci * NBUF + b
                nb = (b + 1) % NBUF
                @pl.when(i >= 1)
                def _():
                    wait_store(nb)
                @pl.when(i + 1 < rows_per_w)
                def _():
                    fire(i + 1, nb)
                wait_gather(b)
                scale(i, b)
                store(i, b)
            return carry

        lax.fori_loop(0, rows_per_w // NBUF, step, 0)
        wait_store((rows_per_w - 1) % NBUF)

    return pl.kernel(
        body,
        out_type=jax.ShapeDtypeStruct((nbatch, seq, EMB), jnp.float32),
        mesh=mesh,
        scratch_types=[
            pltpu.VMEM((toks_per_w + IDXPAD,), jnp.int32),
            [pltpu.VMEM((SEQ + IDXPAD,), jnp.int32) for _ in range(NBUF)],
            [pltpu.VMEM((SEQ, 2 * EMB), jnp.float32) for _ in range(NBUF)],
            [pltpu.VMEM((SEQ, EMB), jnp.float32) for _ in range(NBUF)],
            [pltpu.SemaphoreType.DMA for _ in range(NBUF)],
            [pltpu.SemaphoreType.DMA for _ in range(NBUF)],
        ],
    )(tokens.reshape(B), table.reshape(vocab // 2, 2 * EMB))

# --- scband reference (transcript-rebuilt; emitter-appended) ---
"""Pipeline reference for scband-token-embedding-34626026340364 (READ-ONLY COPY).

The authoritative reference and input builder live on the scoring server;
editing this copy changes nothing except your own understanding.
"""

import jax, jax.numpy as jnp
import numpy as np
import math

VOCAB_SIZE = 1000000
EMB_SIZE = 64

def setup_inputs(seed: int = 0) -> dict:
    key = jax.random.key(seed)
    k1, k2 = jax.random.split(key)
    tokens = jax.random.randint(k1, (4096, 200), 0, VOCAB_SIZE, dtype=jnp.int64 if jax.config.jax_enable_x64 else jnp.int32)
    table = jax.random.normal(k2, (VOCAB_SIZE, EMB_SIZE), dtype=jnp.float32)
    return {"tokens": tokens, "table": table}

def reference(tokens, table):
    # nn.Embedding lookup followed by scaling by sqrt(emb_size)
    emb = jnp.take(table, tokens, axis=0)
    return emb * math.sqrt(EMB_SIZE)

if __name__ == "__main__":
    import jax
    _d = setup_inputs()
    print(jax.jit(kernel)(*tuple(_d.values())))

</pallas_src>

<mosaic_0001>
#map = affine_map<(d0, d1) -> (0)>
#map1 = affine_map<(d0, d1) -> (0, 0)>
#map2 = affine_map<(d0, d1) -> (0, 0, 0)>
module attributes {stable_mosaic.version = 14 : i64} {
  func.func @body(%arg0: i32, %arg1: i32, %arg2: memref<819200xi32, #tpu.memory_space<hbm>>, %arg3: memref<500000x128xf32, #tpu.memory_space<hbm>>, %arg4: memref<4096x200x64xf32, #tpu.memory_space<hbm>>, %arg5: memref<25616xi32, #tpu.memory_space<vmem>>, %arg6: memref<216xi32, #tpu.memory_space<vmem>>, %arg7: memref<216xi32, #tpu.memory_space<vmem>>, %arg8: memref<200x128xf32, #tpu.memory_space<vmem>>, %arg9: memref<200x128xf32, #tpu.memory_space<vmem>>, %arg10: memref<200x64xf32, #tpu.memory_space<vmem>>, %arg11: memref<200x64xf32, #tpu.memory_space<vmem>>, %arg12: memref<!tpu.dma_semaphore, #tpu.memory_space<semaphore_mem>>, %arg13: memref<!tpu.dma_semaphore, #tpu.memory_space<semaphore_mem>>, %arg14: memref<!tpu.dma_semaphore, #tpu.memory_space<semaphore_mem>>, %arg15: memref<!tpu.dma_semaphore, #tpu.memory_space<semaphore_mem>>) attributes {dimension_semantics = [#tpu.dimension_semantics<core_parallel>, #tpu.dimension_semantics<subcore_parallel>], iteration_bounds = array<i64: 2, 16>, scalar_prefetch = 0 : i64, scratch_operands = 11 : i64, tpu.core_type = #tpu.core_type<sc_vector_subcore>, window_params = [{transform_indices = #map}, {transform_indices = #map1}, {transform_indices = #map2}]} {
    %mul3A = arith.constant 2 : i32
    %mul3A_0 = arith.muli %arg1, %mul3A : i32
    %add3A = arith.addi %mul3A_0, %arg0 : i32
    %mul3A_1 = arith.constant 128 : i32
    %mul3A_2 = arith.muli %add3A, %mul3A_1 : i32
    %mul3A_3 = arith.constant 25600 : i32
    %mul3A_4 = arith.muli %add3A, %mul3A_3 : i32
    "tpu.region"() ({
      %run_scoped3A = tpu.sem_alloc : memref<!tpu.dma_semaphore, #tpu.memory_space<semaphore_mem>>
      %dma_start3A_159 = arith.constant 0 : i32
      %dma_start3A_160 = tpu.memref_slice %arg5[%dma_start3A_159] : memref<25616xi32, #tpu.memory_space<vmem>> -> memref<25600xi32, #tpu.memory_space<vmem>>
      %dma_start3A_161 = tpu.memref_slice %arg2[%mul3A_4] : memref<819200xi32, #tpu.memory_space<hbm>> -> memref<25600xi32, #tpu.memory_space<hbm>>
      %dma_start3A_162 = arith.constant 0 : i32
      %dma_start3A_163 = tpu.memref_slice %arg5[%dma_start3A_162] : memref<25616xi32, #tpu.memory_space<vmem>> -> memref<25600xi32, #tpu.memory_space<vmem>>
      %dma_start3A_164 = tpu.memref_slice %arg2[%mul3A_4] : memref<819200xi32, #tpu.memory_space<hbm>> -> memref<25600xi32, #tpu.memory_space<hbm>>
      tpu.enqueue_dma source(%dma_start3A_164 : memref<25600xi32, #tpu.memory_space<hbm>>) target(%dma_start3A_163 : memref<25600xi32, #tpu.memory_space<vmem>>) target_semaphore(%run_scoped3A : memref<!tpu.dma_semaphore, #tpu.memory_space<semaphore_mem>>)
      %dma_wait3A_165 = arith.constant 0 : i32
      %dma_wait3A_166 = tpu.memref_slice %arg5[%dma_wait3A_165] : memref<25616xi32, #tpu.memory_space<vmem>> -> memref<25600xi32, #tpu.memory_space<vmem>>
      %dma_wait3A_167 = tpu.memref_slice %arg2[%mul3A_4] : memref<819200xi32, #tpu.memory_space<hbm>> -> memref<25600xi32, #tpu.memory_space<hbm>>
      %dma_wait3A_168 = arith.constant 0 : i32
      %dma_wait3A_169 = tpu.memref_slice %arg5[%dma_wait3A_168] : memref<25616xi32, #tpu.memory_space<vmem>> -> memref<25600xi32, #tpu.memory_space<vmem>>
      %dma_wait3A_170 = tpu.memref_slice %arg2[%mul3A_4] : memref<819200xi32, #tpu.memory_space<hbm>> -> memref<25600xi32, #tpu.memory_space<hbm>>
      tpu.wait_dma2 semaphore(%run_scoped3A : memref<!tpu.dma_semaphore, #tpu.memory_space<semaphore_mem>>) src(%dma_wait3A_170 : memref<25600xi32, #tpu.memory_space<hbm>>) dst(%dma_wait3A_169 : memref<25600xi32, #tpu.memory_space<vmem>>)
      tpu.yield
    }) : () -> ()
    %get3A = arith.constant 0 : index
    %get3A_5 = tpu.vector_load %arg5[%get3A] {strides = array<i32>} : memref<25616xi32, #tpu.memory_space<vmem>>, vector<16xi32>,
    %get3A_6 = vector.shape_cast %get3A_5 : vector<16xi32> to vector<16xi32>
    %shift_right_logical3A = arith.constant 1 : i32
    %shift_right_logical3A_7 = vector.broadcast %shift_right_logical3A : i32 to vector<16xi32>
    %shift_right_logical3A_8 = arith.shrui %get3A_6, %shift_right_logical3A_7 : vector<16xi32>
    %swap3A = arith.constant 0 : index
    %swap3A_9 = tpu.vector_load %arg6[%swap3A] {strides = array<i32>} : memref<216xi32, #tpu.memory_space<vmem>>, vector<16xi32>,
    %swap3A_10 = vector.shape_cast %swap3A_9 : vector<16xi32> to vector<16xi32>
    %swap3A_11 = vector.shape_cast %shift_right_logical3A_8 : vector<16xi32> to vector<16xi32>
    tpu.vector_store %arg6[%swap3A], %swap3A_11 {strides = array<i32>} : memref<216xi32, #tpu.memory_space<vmem>>, vector<16xi32>,
    %get3A_12 = arith.constant 16 : index
    %get3A_13 = tpu.vector_load %arg5[%get3A_12] {strides = array<i32>} : memref<25616xi32, #tpu.memory_space<vmem>>, vector<16xi32>,
    %get3A_14 = vector.shape_cast %get3A_13 : vector<16xi32> to vector<16xi32>
    %shift_right_logical3A_15 = arith.constant 1 : i32
    %shift_right_logical3A_16 = vector.broadcast %shift_right_logical3A_15 : i32 to vector<16xi32>
    %shift_right_logical3A_17 = arith.shrui %get3A_14, %shift_right_logical3A_16 : vector<16xi32>
    %swap3A_18 = arith.constant 16 : index
    %swap3A_19 = tpu.vector_load %arg6[%swap3A_18] {strides = array<i32>} : memref<216xi32, #tpu.memory_space<vmem>>, vector<16xi32>,
    %swap3A_20 = vector.shape_cast %swap3A_19 : vector<16xi32> to vector<16xi32>
    %swap3A_21 = vector.shape_cast %shift_right_logical3A_17 : vector<16xi32> to vector<16xi32>
    tpu.vector_store %arg6[%swap3A_18], %swap3A_21 {strides = array<i32>} : memref<216xi32, #tpu.memory_space<vmem>>, vector<16xi32>,
    %get3A_22 = arith.constant 32 : index
    %get3A_23 = tpu.vector_load %arg5[%get3A_22] {strides = array<i32>} : memref<25616xi32, #tpu.memory_space<vmem>>, vector<16xi32>,
    %get3A_24 = vector.shape_cast %get3A_23 : vector<16xi32> to vector<16xi32>
    %shift_right_logical3A_25 = arith.constant 1 : i32
    %shift_right_logical3A_26 = vector.broadcast %shift_right_logical3A_25 : i32 to vector<16xi32>
    %shift_right_logical3A_27 = arith.shrui %get3A_24, %shift_right_logical3A_26 : vector<16xi32>
    %swap3A_28 = arith.constant 32 : index
    %swap3A_29 = tpu.vector_load %arg6[%swap3A_28] {strides = array<i32>} : memref<216xi32, #tpu.memory_space<vmem>>, vector<16xi32>,
    %swap3A_30 = vector.shape_cast %swap3A_29 : vector<16xi32> to vector<16xi32>
    %swap3A_31 = vector.shape_cast %shift_right_logical3A_27 : vector<16xi32> to vector<16xi32>
    tpu.vector_store %arg6[%swap3A_28], %swap3A_31 {strides = array<i32>} : memref<216xi32, #tpu.memory_space<vmem>>, vector<16xi32>,
    %get3A_32 = arith.constant 48 : index
    %get3A_33 = tpu.vector_load %arg5[%get3A_32] {strides = array<i32>} : memref<25616xi32, #tpu.memory_space<vmem>>, vector<16xi32>,
    %get3A_34 = vector.shape_cast %get3A_33 : vector<16xi32> to vector<16xi32>
    %shift_right_logical3A_35 = arith.constant 1 : i32
    %shift_right_logical3A_36 = vector.broadcast %shift_right_logical3A_35 : i32 to vector<16xi32>
    %shift_right_logical3A_37 = arith.shrui %get3A_34, %shift_right_logical3A_36 : vector<16xi32>
    %swap3A_38 = arith.constant 48 : index
    %swap3A_39 = tpu.vector_load %arg6[%swap3A_38] {strides = array<i32>} : memref<216xi32, #tpu.memory_space<vmem>>, vector<16xi32>,
    %swap3A_40 = vector.shape_cast %swap3A_39 : vector<16xi32> to vector<16xi32>
    %swap3A_41 = vector.shape_cast %shift_right_logical3A_37 : vector<16xi32> to vector<16xi32>
    tpu.vector_store %arg6[%swap3A_38], %swap3A_41 {strides = array<i32>} : memref<216xi32, #tpu.memory_space<vmem>>, vector<16xi32>,
    %get3A_42 = arith.constant 64 : index
    %get3A_43 = tpu.vector_load %arg5[%get3A_42] {strides = array<i32>} : memref<25616xi32, #tpu.memory_space<vmem>>, vector<16xi32>,
    %get3A_44 = vector.shape_cast %get3A_43 : vector<16xi32> to vector<16xi32>
    %shift_right_logical3A_45 = arith.constant 1 : i32
    %shift_right_logical3A_46 = vector.broadcast %shift_right_logical3A_45 : i32 to vector<16xi32>
    %shift_right_logical3A_47 = arith.shrui %get3A_44, %shift_right_logical3A_46 : vector<16xi32>
    %swap3A_48 = arith.constant 64 : index
    %swap3A_49 = tpu.vector_load %arg6[%swap3A_48] {strides = array<i32>} : memref<216xi32, #tpu.memory_space<vmem>>, vector<16xi32>,
    %swap3A_50 = vector.shape_cast %swap3A_49 : vector<16xi32> to vector<16xi32>
    %swap3A_51 = vector.shape_cast %shift_right_logical3A_47 : vector<16xi32> to vector<16xi32>
    tpu.vector_store %arg6[%swap3A_48], %swap3A_51 {strides = array<i32>} : memref<216xi32, #tpu.memory_space<vmem>>, vector<16xi32>,
    %get3A_52 = arith.constant 80 : index
    %get3A_53 = tpu.vector_load %arg5[%get3A_52] {strides = array<i32>} : memref<25616xi32, #tpu.memory_space<vmem>>, vector<16xi32>,
    %get3A_54 = vector.shape_cast %get3A_53 : vector<16xi32> to vector<16xi32>
    %shift_right_logical3A_55 = arith.constant 1 : i32
    %shift_right_logical3A_56 = vector.broadcast %shift_right_logical3A_55 : i32 to vector<16xi32>
    %shift_right_logical3A_57 = arith.shrui %get3A_54, %shift_right_logical3A_56 : vector<16xi32>
    %swap3A_58 = arith.constant 80 : index
    %swap3A_59 = tpu.vector_load %arg6[%swap3A_58] {strides = array<i32>} : memref<216xi32, #tpu.memory_space<vmem>>, vector<16xi32>,
    %swap3A_60 = vector.shape_cast %swap3A_59 : vector<16xi32> to vector<16xi32>
    %swap3A_61 = vector.shape_cast %shift_right_logical3A_57 : vector<16xi32> to vector<16xi32>
    tpu.vector_store %arg6[%swap3A_58], %swap3A_61 {strides = array<i32>} : memref<216xi32, #tpu.memory_space<vmem>>, vector<16xi32>,
    %get3A_62 = arith.constant 96 : index
    %get3A_63 = tpu.vector_load %arg5[%get3A_62] {strides = array<i32>} : memref<25616xi32, #tpu.memory_space<vmem>>, vector<16xi32>,
    %get3A_64 = vector.shape_cast %get3A_63 : vector<16xi32> to vector<16xi32>
    %shift_right_logical3A_65 = arith.constant 1 : i32
    %shift_right_logical3A_66 = vector.broadcast %shift_right_logical3A_65 : i32 to vector<16xi32>
    %shift_right_logical3A_67 = arith.shrui %get3A_64, %shift_right_logical3A_66 : vector<16xi32>
    %swap3A_68 = arith.constant 96 : index
    %swap3A_69 = tpu.vector_load %arg6[%swap3A_68] {strides = array<i32>} : memref<216xi32, #tpu.memory_space<vmem>>, vector<16xi32>,
    %swap3A_70 = vector.shape_cast %swap3A_69 : vector<16xi32> to vector<16xi32>
    %swap3A_71 = vector.shape_cast %shift_right_logical3A_67 : vector<16xi32> to vector<16xi32>
    tpu.vector_store %arg6[%swap3A_68], %swap3A_71 {strides = array<i32>} : memref<216xi32, #tpu.memory_space<vmem>>, vector<16xi32>,
    %get3A_72 = arith.constant 112 : index
    %get3A_73 = tpu.vector_load %arg5[%get3A_72] {strides = array<i32>} : memref<25616xi32, #tpu.memory_space<vmem>>, vector<16xi32>,
    %get3A_74 = vector.shape_cast %get3A_73 : vector<16xi32> to vector<16xi32>
    %shift_right_logical3A_75 = arith.constant 1 : i32
    %shift_right_logical3A_76 = vector.broadcast %shift_right_logical3A_75 : i32 to vector<16xi32>
    %shift_right_logical3A_77 = arith.shrui %get3A_74, %shift_right_logical3A_76 : vector<16xi32>
    %swap3A_78 = arith.constant 112 : index
    %swap3A_79 = tpu.vector_load %arg6[%swap3A_78] {strides = array<i32>} : memref<216xi32, #tpu.memory_space<vmem>>, vector<16xi32>,
    %swap3A_80 = vector.shape_cast %swap3A_79 : vector<16xi32> to vector<16xi32>
    %swap3A_81 = vector.shape_cast %shift_right_logical3A_77 : vector<16xi32> to vector<16xi32>
    tpu.vector_store %arg6[%swap3A_78], %swap3A_81 {strides = array<i32>} : memref<216xi32, #tpu.memory_space<vmem>>, vector<16xi32>,
    %get3A_82 = arith.constant 128 : index
    %get3A_83 = tpu.vector_load %arg5[%get3A_82] {strides = array<i32>} : memref<25616xi32, #tpu.memory_space<vmem>>, vector<16xi32>,
    %get3A_84 = vector.shape_cast %get3A_83 : vector<16xi32> to vector<16xi32>
    %shift_right_logical3A_85 = arith.constant 1 : i32
    %shift_right_logical3A_86 = vector.broadcast %shift_right_logical3A_85 : i32 to vector<16xi32>
    %shift_right_logical3A_87 = arith.shrui %get3A_84, %shift_right_logical3A_86 : vector<16xi32>
    %swap3A_88 = arith.constant 128 : index
    %swap3A_89 = tpu.vector_load %arg6[%swap3A_88] {strides = array<i32>} : memref<216xi32, #tpu.memory_space<vmem>>, vector<16xi32>,
    %swap3A_90 = vector.shape_cast %swap3A_89 : vector<16xi32> to vector<16xi32>
    %swap3A_91 = vector.shape_cast %shift_right_logical3A_87 : vector<16xi32> to vector<16xi32>
    tpu.vector_store %arg6[%swap3A_88], %swap3A_91 {strides = array<i32>} : memref<216xi32, #tpu.memory_space<vmem>>, vector<16xi32>,
    %get3A_92 = arith.constant 144 : index
    %get3A_93 = tpu.vector_load %arg5[%get3A_92] {strides = array<i32>} : memref<25616xi32, #tpu.memory_space<vmem>>, vector<16xi32>,
    %get3A_94 = vector.shape_cast %get3A_93 : vector<16xi32> to vector<16xi32>
    %shift_right_logical3A_95 = arith.constant 1 : i32
    %shift_right_logical3A_96 = vector.broadcast %shift_right_logical3A_95 : i32 to vector<16xi32>
    %shift_right_logical3A_97 = arith.shrui %get3A_94, %shift_right_logical3A_96 : vector<16xi32>
    %swap3A_98 = arith.constant 144 : index
    %swap3A_99 = tpu.vector_load %arg6[%swap3A_98] {strides = array<i32>} : memref<216xi32, #tpu.memory_space<vmem>>, vector<16xi32>,
    %swap3A_100 = vector.shape_cast %swap3A_99 : vector<16xi32> to vector<16xi32>
    %swap3A_101 = vector.shape_cast %shift_right_logical3A_97 : vector<16xi32> to vector<16xi32>
    tpu.vector_store %arg6[%swap3A_98], %swap3A_101 {strides = array<i32>} : memref<216xi32, #tpu.memory_space<vmem>>, vector<16xi32>,
    %get3A_102 = arith.constant 160 : index
    %get3A_103 = tpu.vector_load %arg5[%get3A_102] {strides = array<i32>} : memref<25616xi32, #tpu.memory_space<vmem>>, vector<16xi32>,
    %get3A_104 = vector.shape_cast %get3A_103 : vector<16xi32> to vector<16xi32>
    %shift_right_logical3A_105 = arith.constant 1 : i32
    %shift_right_logical3A_106 = vector.broadcast %shift_right_logical3A_105 : i32 to vector<16xi32>
    %shift_right_logical3A_107 = arith.shrui %get3A_104, %shift_right_logical3A_106 : vector<16xi32>
    %swap3A_108 = arith.constant 160 : index
    %swap3A_109 = tpu.vector_load %arg6[%swap3A_108] {strides = array<i32>} : memref<216xi32, #tpu.memory_space<vmem>>, vector<16xi32>,
    %swap3A_110 = vector.shape_cast %swap3A_109 : vector<16xi32> to vector<16xi32>
    %swap3A_111 = vector.shape_cast %shift_right_logical3A_107 : vector<16xi32> to vector<16xi32>
    tpu.vector_store %arg6[%swap3A_108], %swap3A_111 {strides = array<i32>} : memref<216xi32, #tpu.memory_space<vmem>>, vector<16xi32>,
    %get3A_112 = arith.constant 176 : index
    %get3A_113 = tpu.vector_load %arg5[%get3A_112] {strides = array<i32>} : memref<25616xi32, #tpu.memory_space<vmem>>, vector<16xi32>,
    %get3A_114 = vector.shape_cast %get3A_113 : vector<16xi32> to vector<16xi32>
    %shift_right_logical3A_115 = arith.constant 1 : i32
    %shift_right_logical3A_116 = vector.broadcast %shift_right_logical3A_115 : i32 to vector<16xi32>
    %shift_right_logical3A_117 = arith.shrui %get3A_114, %shift_right_logical3A_116 : vector<16xi32>
    %swap3A_118 = arith.constant 176 : index
    %swap3A_119 = tpu.vector_load %arg6[%swap3A_118] {strides = array<i32>} : memref<216xi32, #tpu.memory_space<vmem>>, vector<16xi32>,
    %swap3A_120 = vector.shape_cast %swap3A_119 : vector<16xi32> to vector<16xi32>
    %swap3A_121 = vector.shape_cast %shift_right_logical3A_117 : vector<16xi32> to vector<16xi32>
    tpu.vector_store %arg6[%swap3A_118], %swap3A_121 {strides = array<i32>} : memref<216xi32, #tpu.memory_space<vmem>>, vector<16xi32>,
    %get3A_122 = arith.constant 192 : index
    %get3A_123 = tpu.vector_load %arg5[%get3A_122] {strides = array<i32>} : memref<25616xi32, #tpu.memory_space<vmem>>, vector<16xi32>,
    %get3A_124 = vector.shape_cast %get3A_123 : vector<16xi32> to vector<16xi32>
    %shift_right_logical3A_125 = arith.constant 1 : i32
    %shift_right_logical3A_126 = vector.broadcast %shift_right_logical3A_125 : i32 to vector<16xi32>
    %shift_right_logical3A_127 = arith.shrui %get3A_124, %shift_right_logical3A_126 : vector<16xi32>
    %swap3A_128 = arith.constant 192 : index
    %swap3A_129 = tpu.vector_load %arg6[%swap3A_128] {strides = array<i32>} : memref<216xi32, #tpu.memory_space<vmem>>, vector<16xi32>,
    %swap3A_130 = vector.shape_cast %swap3A_129 : vector<16xi32> to vector<16xi32>
    %swap3A_131 = vector.shape_cast %shift_right_logical3A_127 : vector<16xi32> to vector<16xi32>
    tpu.vector_store %arg6[%swap3A_128], %swap3A_131 {strides = array<i32>} : memref<216xi32, #tpu.memory_space<vmem>>, vector<16xi32>,
    %dma_start3A = arith.constant 0 : i32
    %dma_start3A_132 = arith.constant 0 : i32
    %dma_start3A_133 = tpu.memref_slice %arg8[%dma_start3A, %dma_start3A_132] : memref<200x128xf32, #tpu.memory_space<vmem>> -> memref<128x128xf32, #tpu.memory_space<vmem>>
    %dma_start3A_134 = arith.constant 0 : i32
    %dma_start3A_135 = tpu.memref_slice %arg6[%dma_start3A_134] : memref<216xi32, #tpu.memory_space<vmem>> -> memref<128xi32, #tpu.memory_space<vmem>>
    %dma_start3A_136 = arith.constant 0 : i32
    %dma_start3A_137 = arith.constant 0 : i32
    %dma_start3A_138 = tpu.memref_slice %arg3[%dma_start3A_136, %dma_start3A_137] : memref<500000x128xf32, #tpu.memory_space<hbm>> -> memref<500000x128xf32, #tpu.memory_space<hbm>>
    tpu.enqueue_indirect_dma source(%dma_start3A_138 : memref<500000x128xf32, #tpu.memory_space<hbm>>) target(%dma_start3A_133 : memref<128x128xf32, #tpu.memory_space<vmem>>) offsets(%dma_start3A_135 : memref<128xi32, #tpu.memory_space<vmem>>) semaphore(%arg12 : memref<!tpu.dma_semaphore, #tpu.memory_space<semaphore_mem>>)
    %dma_start3A_139 = arith.constant 128 : i32
    %dma_start3A_140 = arith.constant 0 : i32
    %dma_start3A_141 = tpu.memref_slice %arg8[%dma_start3A_139, %dma_start3A_140] : memref<200x128xf32, #tpu.memory_space<vmem>> -> memref<72x128xf32, #tpu.memory_space<vmem>>
    %dma_start3A_142 = arith.constant 128 : i32
    %dma_start3A_143 = tpu.memref_slice %arg6[%dma_start3A_142] : memref<216xi32, #tpu.memory_space<vmem>> -> memref<72xi32, #tpu.memory_space<vmem>>
    %dma_start3A_144 = arith.constant 0 : i32
    %dma_start3A_145 = arith.constant 0 : i32
    %dma_start3A_146 = tpu.memref_slice %arg3[%dma_start3A_144, %dma_start3A_145] : memref<500000x128xf32, #tpu.memory_space<hbm>> -> memref<500000x128xf32, #tpu.memory_space<hbm>>
    tpu.enqueue_indirect_dma source(%dma_start3A_146 : memref<500000x128xf32, #tpu.memory_space<hbm>>) target(%dma_start3A_141 : memref<72x128xf32, #tpu.memory_space<vmem>>) offsets(%dma_start3A_143 : memref<72xi32, #tpu.memory_space<vmem>>) semaphore(%arg12 : memref<!tpu.dma_semaphore, #tpu.memory_space<semaphore_mem>>)
    %scan3A = arith.constant 0 : i32
    %scan3A_147 = arith.constant 0 : i32
    %scan3A_148 = arith.constant 64 : i32
    %scan3A_149 = arith.addi %scan3A_147, %scan3A_148 : i32
    %scan3A_150 = arith.constant 1 : i32
    scf.for %scan3A_159 = %scan3A_147 to %scan3A_149 step %scan3A_150  : i32 {
      %mul3A_160 = arith.constant 2 : i32
      %mul3A_161 = arith.muli %scan3A_159, %mul3A_160 : i32
      %add3A_162 = arith.constant 0 : i32
      %add3A_163 = arith.addi %mul3A_161, %add3A_162 : i32
      %ge3A = arith.constant 1 : i32
      %ge3A_164 = arith.cmpi sge, %add3A_163, %ge3A : i32
      %convert_element_type3A = arith.extui %ge3A_164 : i1 to i32
      %cond3A = arith.constant 0 : i32
      %cond3A_165 = arith.cmpi ne, %convert_element_type3A, %cond3A : i32
      scf.if %cond3A_165 {
        %dma_wait3A_254 = arith.constant 0 : i32
        %dma_wait3A_255 = arith.constant 0 : i32
        %dma_wait3A_256 = tpu.memref_slice %arg4[%mul3A_2, %dma_wait3A_254, %dma_wait3A_255] : memref<4096x200x64xf32, #tpu.memory_space<hbm>> -> memref<1x200x64xf32, #tpu.memory_space<hbm>>
        %dma_wait3A_257 = tpu.memref_squeeze %dma_wait3A_256 : memref<1x200x64xf32, #tpu.memory_space<hbm>> -> memref<200x64xf32, #tpu.memory_space<hbm>>
        %dma_wait3A_258 = arith.constant 0 : i32
        %dma_wait3A_259 = arith.constant 0 : i32
        %dma_wait3A_260 = tpu.memref_slice %arg4[%mul3A_2, %dma_wait3A_258, %dma_wait3A_259] : memref<4096x200x64xf32, #tpu.memory_space<hbm>> -> memref<1x200x64xf32, #tpu.memory_space<hbm>>
        %dma_wait3A_261 = tpu.memref_squeeze %dma_wait3A_260 : memref<1x200x64xf32, #tpu.memory_space<hbm>> -> memref<200x64xf32, #tpu.memory_space<hbm>>
        tpu.wait_dma2 semaphore(%arg15 : memref<!tpu.dma_semaphore, #tpu.memory_space<semaphore_mem>>) src(%arg11 : memref<200x64xf32, #tpu.memory_space<vmem>>) dst(%dma_wait3A_261 : memref<200x64xf32, #tpu.memory_space<hbm>>)
      } else {
      }
      %add3A_166 = arith.constant 1 : i32
      %add3A_167 = arith.addi %add3A_163, %add3A_166 : i32
      %lt3A = arith.constant 128 : i32
      %lt3A_168 = arith.cmpi slt, %add3A_167, %lt3A : i32
      %convert_element_type3A_169 = arith.extui %lt3A_168 : i1 to i32
      %cond3A_170 = arith.constant 0 : i32
      %cond3A_171 = arith.cmpi ne, %convert_element_type3A_169, %cond3A_170 : i32
      scf.if %cond3A_171 {
        %add3A_254 = arith.constant 1 : i32
        %add3A_255 = arith.addi %add3A_163, %add3A_254 : i32
        %mul3A_256 = arith.constant 200 : i32
        %mul3A_257 = arith.muli %add3A_255, %mul3A_256 : i32
        %add3A_258 = arith.constant 0 : i32
        %add3A_259 = arith.addi %mul3A_257, %add3A_258 : i32
        %get3A_260 = arith.index_cast %add3A_259 : i32 to index
        %get3A_261 = tpu.vector_load %arg5[%get3A_260] {strides = array<i32>} : memref<25616xi32, #tpu.memory_space<vmem>>, vector<16xi32>,
        %get3A_262 = vector.shape_cast %get3A_261 : vector<16xi32> to vector<16xi32>
        %shift_right_logical3A_263 = arith.constant 1 : i32
        %shift_right_logical3A_264 = vector.broadcast %shift_right_logical3A_263 : i32 to vector<16xi32>
        %shift_right_logical3A_265 = arith.shrui %get3A_262, %shift_right_logical3A_264 : vector<16xi32>
        %swap3A_266 = arith.constant 0 : index
        %swap3A_267 = tpu.vector_load %arg7[%swap3A_266] {strides = array<i32>} : memref<216xi32, #tpu.memory_space<vmem>>, vector<16xi32>,
        %swap3A_268 = vector.shape_cast %swap3A_267 : vector<16xi32> to vector<16xi32>
        %swap3A_269 = vector.shape_cast %shift_right_logical3A_265 : vector<16xi32> to vector<16xi32>
        tpu.vector_store %arg7[%swap3A_266], %swap3A_269 {strides = array<i32>} : memref<216xi32, #tpu.memory_space<vmem>>, vector<16xi32>,
        %add3A_270 = arith.constant 16 : i32
        %add3A_271 = arith.addi %mul3A_257, %add3A_270 : i32
        %get3A_272 = arith.index_cast %add3A_271 : i32 to index
        %get3A_273 = tpu.vector_load %arg5[%get3A_272] {strides = array<i32>} : memref<25616xi32, #tpu.memory_space<vmem>>, vector<16xi32>,
        %get3A_274 = vector.shape_cast %get3A_273 : vector<16xi32> to vector<16xi32>
        %shift_right_logical3A_275 = arith.constant 1 : i32
        %shift_right_logical3A_276 = vector.broadcast %shift_right_logical3A_275 : i32 to vector<16xi32>
        %shift_right_logical3A_277 = arith.shrui %get3A_274, %shift_right_logical3A_276 : vector<16xi32>
        %swap3A_278 = arith.constant 16 : index
        %swap3A_279 = tpu.vector_load %arg7[%swap3A_278] {strides = array<i32>} : memref<216xi32, #tpu.memory_space<vmem>>, vector<16xi32>,
        %swap3A_280 = vector.shape_cast %swap3A_279 : vector<16xi32> to vector<16xi32>
        %swap3A_281 = vector.shape_cast %shift_right_logical3A_277 : vector<16xi32> to vector<16xi32>
        tpu.vector_store %arg7[%swap3A_278], %swap3A_281 {strides = array<i32>} : memref<216xi32, #tpu.memory_space<vmem>>, vector<16xi32>,
        %add3A_282 = arith.constant 32 : i32
        %add3A_283 = arith.addi %mul3A_257, %add3A_282 : i32
        %get3A_284 = arith.index_cast %add3A_283 : i32 to index
        %get3A_285 = tpu.vector_load %arg5[%get3A_284] {strides = array<i32>} : memref<25616xi32, #tpu.memory_space<vmem>>, vector<16xi32>,
        %get3A_286 = vector.shape_cast %get3A_285 : vector<16xi32> to vector<16xi32>
        %shift_right_logical3A_287 = arith.constant 1 : i32
        %shift_right_logical3A_288 = vector.broadcast %shift_right_logical3A_287 : i32 to vector<16xi32>
        %shift_right_logical3A_289 = arith.shrui %get3A_286, %shift_right_logical3A_288 : vector<16xi32>
        %swap3A_290 = arith.constant 32 : index
        %swap3A_291 = tpu.vector_load %arg7[%swap3A_290] {strides = array<i32>} : memref<216xi32, #tpu.memory_space<vmem>>, vector<16xi32>,
        %swap3A_292 = vector.shape_cast %swap3A_291 : vector<16xi32> to vector<16xi32>
        %swap3A_293 = vector.shape_cast %shift_right_logical3A_289 : vector<16xi32> to vector<16xi32>
        tpu.vector_store %arg7[%swap3A_290], %swap3A_293 {strides = array<i32>} : memref<216xi32, #tpu.memory_space<vmem>>, vector<16xi32>,
        %add3A_294 = arith.constant 48 : i32
        %add3A_295 = arith.addi %mul3A_257, %add3A_294 : i32
        %get3A_296 = arith.index_cast %add3A_295 : i32 to index
        %get3A_297 = tpu.vector_load %arg5[%get3A_296] {strides = array<i32>} : memref<25616xi32, #tpu.memory_space<vmem>>, vector<16xi32>,
        %get3A_298 = vector.shape_cast %get3A_297 : vector<16xi32> to vector<16xi32>
        %shift_right_logical3A_299 = arith.constant 1 : i32
        %shift_right_logical3A_300 = vector.broadcast %shift_right_logical3A_299 : i32 to vector<16xi32>
        %shift_right_logical3A_301 = arith.shrui %get3A_298, %shift_right_logical3A_300 : vector<16xi32>
        %swap3A_302 = arith.constant 48 : index
        %swap3A_303 = tpu.vector_load %arg7[%swap3A_302] {strides = array<i32>} : memref<216xi32, #tpu.memory_space<vmem>>, vector<16xi32>,
        %swap3A_304 = vector.shape_cast %swap3A_303 : vector<16xi32> to vector<16xi32>
        %swap3A_305 = vector.shape_cast %shift_right_logical3A_301 : vector<16xi32> to vector<16xi32>
        tpu.vector_store %arg7[%swap3A_302], %swap3A_305 {strides = array<i32>} : memref<216xi32, #tpu.memory_space<vmem>>, vector<16xi32>,
        %add3A_306 = arith.constant 64 : i32
        %add3A_307 = arith.addi %mul3A_257, %add3A_306 : i32
        %get3A_308 = arith.index_cast %add3A_307 : i32 to index
        %get3A_309 = tpu.vector_load %arg5[%get3A_308] {strides = array<i32>} : memref<25616xi32, #tpu.memory_space<vmem>>, vector<16xi32>,
        %get3A_310 = vector.shape_cast %get3A_309 : vector<16xi32> to vector<16xi32>
        %shift_right_logical3A_311 = arith.constant 1 : i32
        %shift_right_logical3A_312 = vector.broadcast %shift_right_logical3A_311 : i32 to vector<16xi32>
        %shift_right_logical3A_313 = arith.shrui %get3A_310, %shift_right_logical3A_312 : vector<16xi32>
        %swap3A_314 = arith.constant 64 : index
        %swap3A_315 = tpu.vector_load %arg7[%swap3A_314] {strides = array<i32>} : memref<216xi32, #tpu.memory_space<vmem>>, vector<16xi32>,
        %swap3A_316 = vector.shape_cast %swap3A_315 : vector<16xi32> to vector<16xi32>
        %swap3A_317 = vector.shape_cast %shift_right_logical3A_313 : vector<16xi32> to vector<16xi32>
        tpu.vector_store %arg7[%swap3A_314], %swap3A_317 {strides = array<i32>} : memref<216xi32, #tpu.memory_space<vmem>>, vector<16xi32>,
        %add3A_318 = arith.constant 80 : i32
        %add3A_319 = arith.addi %mul3A_257, %add3A_318 : i32
        %get3A_320 = arith.index_cast %add3A_319 : i32 to index
        %get3A_321 = tpu.vector_load %arg5[%get3A_320] {strides = array<i32>} : memref<25616xi32, #tpu.memory_space<vmem>>, vector<16xi32>,
        %get3A_322 = vector.shape_cast %get3A_321 : vector<16xi32> to vector<16xi32>
        %shift_right_logical3A_323 = arith.constant 1 : i32
        %shift_right_logical3A_324 = vector.broadcast %shift_right_logical3A_323 : i32 to vector<16xi32>
        %shift_right_logical3A_325 = arith.shrui %get3A_322, %shift_right_logical3A_324 : vector<16xi32>
        %swap3A_326 = arith.constant 80 : index
        %swap3A_327 = tpu.vector_load %arg7[%swap3A_326] {strides = array<i32>} : memref<216xi32, #tpu.memory_space<vmem>>, vector<16xi32>,
        %swap3A_328 = vector.shape_cast %swap3A_327 : vector<16xi32> to vector<16xi32>
        %swap3A_329 = vector.shape_cast %shift_right_logical3A_325 : vector<16xi32> to vector<16xi32>
        tpu.vector_store %arg7[%swap3A_326], %swap3A_329 {strides = array<i32>} : memref<216xi32, #tpu.memory_space<vmem>>, vector<16xi32>,
        %add3A_330 = arith.constant 96 : i32
        %add3A_331 = arith.addi %mul3A_257, %add3A_330 : i32
        %get3A_332 = arith.index_cast %add3A_331 : i32 to index
        %get3A_333 = tpu.vector_load %arg5[%get3A_332] {strides = array<i32>} : memref<25616xi32, #tpu.memory_space<vmem>>, vector<16xi32>,
        %get3A_334 = vector.shape_cast %get3A_333 : vector<16xi32> to vector<16xi32>
        %shift_right_logical3A_335 = arith.constant 1 : i32
        %shift_right_logical3A_336 = vector.broadcast %shift_right_logical3A_335 : i32 to vector<16xi32>
        %shift_right_logical3A_337 = arith.shrui %get3A_334, %shift_right_logical3A_336 : vector<16xi32>
        %swap3A_338 = arith.constant 96 : index
        %swap3A_339 = tpu.vector_load %arg7[%swap3A_338] {strides = array<i32>} : memref<216xi32, #tpu.memory_space<vmem>>, vector<16xi32>,
        %swap3A_340 = vector.shape_cast %swap3A_339 : vector<16xi32> to vector<16xi32>
        %swap3A_341 = vector.shape_cast %shift_right_logical3A_337 : vector<16xi32> to vector<16xi32>
        tpu.vector_store %arg7[%swap3A_338], %swap3A_341 {strides = array<i32>} : memref<216xi32, #tpu.memory_space<vmem>>, vector<16xi32>,
        %add3A_342 = arith.constant 112 : i32
        %add3A_343 = arith.addi %mul3A_257, %add3A_342 : i32
        %get3A_344 = arith.index_cast %add3A_343 : i32 to index
        %get3A_345 = tpu.vector_load %arg5[%get3A_344] {strides = array<i32>} : memref<25616xi32, #tpu.memory_space<vmem>>, vector<16xi32>,
        %get3A_346 = vector.shape_cast %get3A_345 : vector<16xi32> to vector<16xi32>
        %shift_right_logical3A_347 = arith.constant 1 : i32
        %shift_right_logical3A_348 = vector.broadcast %shift_right_logical3A_347 : i32 to vector<16xi32>
        %shift_right_logical3A_349 = arith.shrui %get3A_346, %shift_right_logical3A_348 : vector<16xi32>
        %swap3A_350 = arith.constant 112 : index
        %swap3A_351 = tpu.vector_load %arg7[%swap3A_350] {strides = array<i32>} : memref<216xi32, #tpu.memory_space<vmem>>, vector<16xi32>,
        %swap3A_352 = vector.shape_cast %swap3A_351 : vector<16xi32> to vector<16xi32>
        %swap3A_353 = vector.shape_cast %shift_right_logical3A_349 : vector<16xi32> to vector<16xi32>
        tpu.vector_store %arg7[%swap3A_350], %swap3A_353 {strides = array<i32>} : memref<216xi32, #tpu.memory_space<vmem>>, vector<16xi32>,
        %add3A_354 = arith.constant 128 : i32
        %add3A_355 = arith.addi %mul3A_257, %add3A_354 : i32
        %get3A_356 = arith.index_cast %add3A_355 : i32 to index
        %get3A_357 = tpu.vector_load %arg5[%get3A_356] {strides = array<i32>} : memref<25616xi32, #tpu.memory_space<vmem>>, vector<16xi32>,
        %get3A_358 = vector.shape_cast %get3A_357 : vector<16xi32> to vector<16xi32>
        %shift_right_logical3A_359 = arith.constant 1 : i32
        %shift_right_logical3A_360 = vector.broadcast %shift_right_logical3A_359 : i32 to vector<16xi32>
        %shift_right_logical3A_361 = arith.shrui %get3A_358, %shift_right_logical3A_360 : vector<16xi32>
        %swap3A_362 = arith.constant 128 : index
        %swap3A_363 = tpu.vector_load %arg7[%swap3A_362] {strides = array<i32>} : memref<216xi32, #tpu.memory_space<vmem>>, vector<16xi32>,
        %swap3A_364 = vector.shape_cast %swap3A_363 : vector<16xi32> to vector<16xi32>
        %swap3A_365 = vector.shape_cast %shift_right_logical3A_361 : vector<16xi32> to vector<16xi32>
        tpu.vector_store %arg7[%swap3A_362], %swap3A_365 {strides = array<i32>} : memref<216xi32, #tpu.memory_space<vmem>>, vector<16xi32>,
        %add3A_366 = arith.constant 144 : i32
        %add3A_367 = arith.addi %mul3A_257, %add3A_366 : i32
        %get3A_368 = arith.index_cast %add3A_367 : i32 to index
        %get3A_369 = tpu.vector_load %arg5[%get3A_368] {strides = array<i32>} : memref<25616xi32, #tpu.memory_space<vmem>>, vector<16xi32>,
        %get3A_370 = vector.shape_cast %get3A_369 : vector<16xi32> to vector<16xi32>
        %shift_right_logical3A_371 = arith.constant 1 : i32
        %shift_right_logical3A_372 = vector.broadcast %shift_right_logical3A_371 : i32 to vector<16xi32>
        %shift_right_logical3A_373 = arith.shrui %get3A_370, %shift_right_logical3A_372 : vector<16xi32>
        %swap3A_374 = arith.constant 144 : index
        %swap3A_375 = tpu.vector_load %arg7[%swap3A_374] {strides = array<i32>} : memref<216xi32, #tpu.memory_space<vmem>>, vector<16xi32>,
        %swap3A_376 = vector.shape_cast %swap3A_375 : vector<16xi32> to vector<16xi32>
        %swap3A_377 = vector.shape_cast %shift_right_logical3A_373 : vector<16xi32> to vector<16xi32>
        tpu.vector_store %arg7[%swap3A_374], %swap3A_377 {strides = array<i32>} : memref<216xi32, #tpu.memory_space<vmem>>, vector<16xi32>,
        %add3A_378 = arith.constant 160 : i32
        %add3A_379 = arith.addi %mul3A_257, %add3A_378 : i32
        %get3A_380 = arith.index_cast %add3A_379 : i32 to index
        %get3A_381 = tpu.vector_load %arg5[%get3A_380] {strides = array<i32>} : memref<25616xi32, #tpu.memory_space<vmem>>, vector<16xi32>,
        %get3A_382 = vector.shape_cast %get3A_381 : vector<16xi32> to vector<16xi32>
        %shift_right_logical3A_383 = arith.constant 1 : i32
        %shift_right_logical3A_384 = vector.broadcast %shift_right_logical3A_383 : i32 to vector<16xi32>
        %shift_right_logical3A_385 = arith.shrui %get3A_382, %shift_right_logical3A_384 : vector<16xi32>
        %swap3A_386 = arith.constant 160 : index
        %swap3A_387 = tpu.vector_load %arg7[%swap3A_386] {strides = array<i32>} : memref<216xi32, #tpu.memory_space<vmem>>, vector<16xi32>,
        %swap3A_388 = vector.shape_cast %swap3A_387 : vector<16xi32> to vector<16xi32>
        %swap3A_389 = vector.shape_cast %shift_right_logical3A_385 : vector<16xi32> to vector<16xi32>
        tpu.vector_store %arg7[%swap3A_386], %swap3A_389 {strides = array<i32>} : memref<216xi32, #tpu.memory_space<vmem>>, vector<16xi32>,
        %add3A_390 = arith.constant 176 : i32
        %add3A_391 = arith.addi %mul3A_257, %add3A_390 : i32
        %get3A_392 = arith.index_cast %add3A_391 : i32 to index
        %get3A_393 = tpu.vector_load %arg5[%get3A_392] {strides = array<i32>} : memref<25616xi32, #tpu.memory_space<vmem>>, vector<16xi32>,
        %get3A_394 = vector.shape_cast %get3A_393 : vector<16xi32> to vector<16xi32>
        %shift_right_logical3A_395 = arith.constant 1 : i32
        %shift_right_logical3A_396 = vector.broadcast %shift_right_logical3A_395 : i32 to vector<16xi32>
        %shift_right_logical3A_397 = arith.shrui %get3A_394, %shift_right_logical3A_396 : vector<16xi32>
        %swap3A_398 = arith.constant 176 : index
        %swap3A_399 = tpu.vector_load %arg7[%swap3A_398] {strides = array<i32>} : memref<216xi32, #tpu.memory_space<vmem>>, vector<16xi32>,
        %swap3A_400 = vector.shape_cast %swap3A_399 : vector<16xi32> to vector<16xi32>
        %swap3A_401 = vector.shape_cast %shift_right_logical3A_397 : vector<16xi32> to vector<16xi32>
        tpu.vector_store %arg7[%swap3A_398], %swap3A_401 {strides = array<i32>} : memref<216xi32, #tpu.memory_space<vmem>>, vector<16xi32>,
        %add3A_402 = arith.constant 192 : i32
        %add3A_403 = arith.addi %mul3A_257, %add3A_402 : i32
        %get3A_404 = arith.index_cast %add3A_403 : i32 to index
        %get3A_405 = tpu.vector_load %arg5[%get3A_404] {strides = array<i32>} : memref<25616xi32, #tpu.memory_space<vmem>>, vector<16xi32>,
        %get3A_406 = vector.shape_cast %get3A_405 : vector<16xi32> to vector<16xi32>
        %shift_right_logical3A_407 = arith.constant 1 : i32
        %shift_right_logical3A_408 = vector.broadcast %shift_right_logical3A_407 : i32 to vector<16xi32>
        %shift_right_logical3A_409 = arith.shrui %get3A_406, %shift_right_logical3A_408 : vector<16xi32>
        %swap3A_410 = arith.constant 192 : index
        %swap3A_411 = tpu.vector_load %arg7[%swap3A_410] {strides = array<i32>} : memref<216xi32, #tpu.memory_space<vmem>>, vector<16xi32>,
        %swap3A_412 = vector.shape_cast %swap3A_411 : vector<16xi32> to vector<16xi32>
        %swap3A_413 = vector.shape_cast %shift_right_logical3A_409 : vector<16xi32> to vector<16xi32>
        tpu.vector_store %arg7[%swap3A_410], %swap3A_413 {strides = array<i32>} : memref<216xi32, #tpu.memory_space<vmem>>, vector<16xi32>,
        %dma_start3A_414 = arith.constant 0 : i32
        %dma_start3A_415 = arith.constant 0 : i32
        %dma_start3A_416 = tpu.memref_slice %arg9[%dma_start3A_414, %dma_start3A_415] : memref<200x128xf32, #tpu.memory_space<vmem>> -> memref<128x128xf32, #tpu.memory_space<vmem>>
        %dma_start3A_417 = arith.constant 0 : i32
        %dma_start3A_418 = tpu.memref_slice %arg7[%dma_start3A_417] : memref<216xi32, #tpu.memory_space<vmem>> -> memref<128xi32, #tpu.memory_space<vmem>>
        %dma_start3A_419 = arith.constant 0 : i32
        %dma_start3A_420 = arith.constant 0 : i32
        %dma_start3A_421 = tpu.memref_slice %arg3[%dma_start3A_419, %dma_start3A_420] : memref<500000x128xf32, #tpu.memory_space<hbm>> -> memref<500000x128xf32, #tpu.memory_space<hbm>>
        tpu.enqueue_indirect_dma source(%dma_start3A_421 : memref<500000x128xf32, #tpu.memory_space<hbm>>) target(%dma_start3A_416 : memref<128x128xf32, #tpu.memory_space<vmem>>) offsets(%dma_start3A_418 : memref<128xi32, #tpu.memory_space<vmem>>) semaphore(%arg13 : memref<!tpu.dma_semaphore, #tpu.memory_space<semaphore_mem>>)
        %dma_start3A_422 = arith.constant 128 : i32
        %dma_start3A_423 = arith.constant 0 : i32
        %dma_start3A_424 = tpu.memref_slice %arg9[%dma_start3A_422, %dma_start3A_423] : memref<200x128xf32, #tpu.memory_space<vmem>> -> memref<72x128xf32, #tpu.memory_space<vmem>>
        %dma_start3A_425 = arith.constant 128 : i32
        %dma_start3A_426 = tpu.memref_slice %arg7[%dma_start3A_425] : memref<216xi32, #tpu.memory_space<vmem>> -> memref<72xi32, #tpu.memory_space<vmem>>
        %dma_start3A_427 = arith.constant 0 : i32
        %dma_start3A_428 = arith.constant 0 : i32
        %dma_start3A_429 = tpu.memref_slice %arg3[%dma_start3A_427, %dma_start3A_428] : memref<500000x128xf32, #tpu.memory_space<hbm>> -> memref<500000x128xf32, #tpu.memory_space<hbm>>
        tpu.enqueue_indirect_dma source(%dma_start3A_429 : memref<500000x128xf32, #tpu.memory_space<hbm>>) target(%dma_start3A_424 : memref<72x128xf32, #tpu.memory_space<vmem>>) offsets(%dma_start3A_426 : memref<72xi32, #tpu.memory_space<vmem>>) semaphore(%arg13 : memref<!tpu.dma_semaphore, #tpu.memory_space<semaphore_mem>>)
      } else {
      }
      %dma_wait3A_172 = arith.constant 0 : i32
      %dma_wait3A_173 = arith.constant 0 : i32
      %dma_wait3A_174 = tpu.memref_slice %arg8[%dma_wait3A_172, %dma_wait3A_173] : memref<200x128xf32, #tpu.memory_space<vmem>> -> memref<128x128xf32, #tpu.memory_space<vmem>>
      %dma_wait3A_175 = arith.constant 0 : i32
      %dma_wait3A_176 = tpu.memref_slice %arg6[%dma_wait3A_175] : memref<216xi32, #tpu.memory_space<vmem>> -> memref<128xi32, #tpu.memory_space<vmem>>
      %dma_wait3A_177 = arith.constant 0 : i32
      %dma_wait3A_178 = arith.constant 0 : i32
      %dma_wait3A_179 = tpu.memref_slice %arg3[%dma_wait3A_177, %dma_wait3A_178] : memref<500000x128xf32, #tpu.memory_space<hbm>> -> memref<500000x128xf32, #tpu.memory_space<hbm>>
      tpu.wait_indirect_dma semaphore(%arg12 : memref<!tpu.dma_semaphore, #tpu.memory_space<semaphore_mem>>) src(%dma_wait3A_179 : memref<500000x128xf32, #tpu.memory_space<hbm>>) dst(%dma_wait3A_174 : memref<128x128xf32, #tpu.memory_space<vmem>>)
      %dma_wait3A_180 = arith.constant 128 : i32
      %dma_wait3A_181 = arith.constant 0 : i32
      %dma_wait3A_182 = tpu.memref_slice %arg8[%dma_wait3A_180, %dma_wait3A_181] : memref<200x128xf32, #tpu.memory_space<vmem>> -> memref<72x128xf32, #tpu.memory_space<vmem>>
      %dma_wait3A_183 = arith.constant 128 : i32
      %dma_wait3A_184 = tpu.memref_slice %arg6[%dma_wait3A_183] : memref<216xi32, #tpu.memory_space<vmem>> -> memref<72xi32, #tpu.memory_space<vmem>>
      %dma_wait3A_185 = arith.constant 0 : i32
      %dma_wait3A_186 = arith.constant 0 : i32
      %dma_wait3A_187 = tpu.memref_slice %arg3[%dma_wait3A_185, %dma_wait3A_186] : memref<500000x128xf32, #tpu.memory_space<hbm>> -> memref<500000x128xf32, #tpu.memory_space<hbm>>
      tpu.wait_indirect_dma semaphore(%arg12 : memref<!tpu.dma_semaphore, #tpu.memory_space<semaphore_mem>>) src(%dma_wait3A_187 : memref<500000x128xf32, #tpu.memory_space<hbm>>) dst(%dma_wait3A_182 : memref<72x128xf32, #tpu.memory_space<vmem>>)
      %mul3A_188 = arith.constant 200 : i32
      %mul3A_189 = arith.muli %add3A_163, %mul3A_188 : i32
      %scan3A_190 = arith.constant 0 : i32
      %scan3A_191 = arith.constant 0 : i32
      %scan3A_192 = arith.constant 25 : i32
      %scan3A_193 = arith.addi %scan3A_191, %scan3A_192 : i32
      %scan3A_194 = arith.constant 1 : i32
      scf.for %scan3A_254 = %scan3A_191 to %scan3A_193 step %scan3A_194  : i32 {
        %mul3A_255 = arith.constant 8 : i32
        %mul3A_256 = arith.muli %scan3A_254, %mul3A_255 : i32
        %add3A_257 = arith.addi %mul3A_189, %mul3A_256 : i32
        %get3A_258 = arith.index_cast %add3A_257 : i32 to index
        %get3A_259 = tpu.vector_load %arg5[%get3A_258] {strides = array<i32>} : memref<25616xi32, #tpu.memory_space<vmem>>, vector<16xi32>,
        %get3A_260 = vector.shape_cast %get3A_259 : vector<16xi32> to vector<16xi32>
        %and3A = arith.constant 1 : i32
        %and3A_261 = vector.broadcast %and3A : i32 to vector<16xi32>
        %and3A_262 = arith.andi %get3A_260, %and3A_261 : vector<16xi32>
        %mul3A_263 = arith.constant 64 : i32
        %mul3A_264 = vector.broadcast %mul3A_263 : i32 to vector<16xi32>
        %mul3A_265 = arith.muli %and3A_262, %mul3A_264 : vector<16xi32>
        %slice3A = vector.extract_strided_slice %mul3A_265 {offsets = [0], sizes = [1], strides = [1]} : vector<16xi32> to vector<1xi32>
        %squeeze3A = vector.extract %slice3A[0] : i32 from vector<1xi32>
        %add3A_266 = arith.constant 0 : i32
        %add3A_267 = arith.addi %mul3A_256, %add3A_266 : i32
        %add3A_268 = arith.constant 0 : i32
        %add3A_269 = arith.addi %squeeze3A, %add3A_268 : i32
        %get3A_270 = arith.index_cast %add3A_267 : i32 to index
        %get3A_271 = arith.index_cast %add3A_269 : i32 to index
        %get3A_272 = tpu.vector_load %arg8[%get3A_270, %get3A_271] {strides = array<i32>} : memref<200x128xf32, #tpu.memory_space<vmem>>, vector<1x16xf32>,
        %get3A_273 = vector.shape_cast %get3A_272 : vector<1x16xf32> to vector<16xf32>
        %mul3A_274 = arith.constant 8.000000e+00 : f32
        %mul3A_275 = vector.broadcast %mul3A_274 : f32 to vector<16xf32>
        %mul3A_276 = arith.mulf %get3A_273, %mul3A_275 : vector<16xf32>
        %add3A_277 = arith.constant 0 : i32
        %add3A_278 = arith.addi %mul3A_256, %add3A_277 : i32
        %swap3A_279 = arith.index_cast %add3A_278 : i32 to index
        %swap3A_280 = arith.constant 0 : index
        %swap3A_281 = tpu.vector_load %arg10[%swap3A_279, %swap3A_280] {strides = array<i32>} : memref<200x64xf32, #tpu.memory_space<vmem>>, vector<1x16xf32>,
        %swap3A_282 = vector.shape_cast %swap3A_281 : vector<1x16xf32> to vector<16xf32>
        %swap3A_283 = vector.shape_cast %mul3A_276 : vector<16xf32> to vector<1x16xf32>
        tpu.vector_store %arg10[%swap3A_279, %swap3A_280], %swap3A_283 {strides = array<i32>} : memref<200x64xf32, #tpu.memory_space<vmem>>, vector<1x16xf32>,
        %add3A_284 = arith.constant 0 : i32
        %add3A_285 = arith.addi %mul3A_256, %add3A_284 : i32
        %add3A_286 = arith.constant 16 : i32
        %add3A_287 = arith.addi %squeeze3A, %add3A_286 : i32
        %get3A_288 = arith.index_cast %add3A_285 : i32 to index
        %get3A_289 = arith.index_cast %add3A_287 : i32 to index
        %get3A_290 = tpu.vector_load %arg8[%get3A_288, %get3A_289] {strides = array<i32>} : memref<200x128xf32, #tpu.memory_space<vmem>>, vector<1x16xf32>,
        %get3A_291 = vector.shape_cast %get3A_290 : vector<1x16xf32> to vector<16xf32>
        %mul3A_292 = arith.constant 8.000000e+00 : f32
        %mul3A_293 = vector.broadcast %mul3A_292 : f32 to vector<16xf32>
        %mul3A_294 = arith.mulf %get3A_291, %mul3A_293 : vector<16xf32>
        %add3A_295 = arith.constant 0 : i32
        %add3A_296 = arith.addi %mul3A_256, %add3A_295 : i32
        %swap3A_297 = arith.index_cast %add3A_296 : i32 to index
        %swap3A_298 = arith.constant 16 : index
        %swap3A_299 = tpu.vector_load %arg10[%swap3A_297, %swap3A_298] {strides = array<i32>} : memref<200x64xf32, #tpu.memory_space<vmem>>, vector<1x16xf32>,
        %swap3A_300 = vector.shape_cast %swap3A_299 : vector<1x16xf32> to vector<16xf32>
        %swap3A_301 = vector.shape_cast %mul3A_294 : vector<16xf32> to vector<1x16xf32>
        tpu.vector_store %arg10[%swap3A_297, %swap3A_298], %swap3A_301 {strides = array<i32>} : memref<200x64xf32, #tpu.memory_space<vmem>>, vector<1x16xf32>,
        %add3A_302 = arith.constant 0 : i32
        %add3A_303 = arith.addi %mul3A_256, %add3A_302 : i32
        %add3A_304 = arith.constant 32 : i32
        %add3A_305 = arith.addi %squeeze3A, %add3A_304 : i32
        %get3A_306 = arith.index_cast %add3A_303 : i32 to index
        %get3A_307 = arith.index_cast %add3A_305 : i32 to index
        %get3A_308 = tpu.vector_load %arg8[%get3A_306, %get3A_307] {strides = array<i32>} : memref<200x128xf32, #tpu.memory_space<vmem>>, vector<1x16xf32>,
        %get3A_309 = vector.shape_cast %get3A_308 : vector<1x16xf32> to vector<16xf32>
        %mul3A_310 = arith.constant 8.000000e+00 : f32
        %mul3A_311 = vector.broadcast %mul3A_310 : f32 to vector<16xf32>
        %mul3A_312 = arith.mulf %get3A_309, %mul3A_311 : vector<16xf32>
        %add3A_313 = arith.constant 0 : i32
        %add3A_314 = arith.addi %mul3A_256, %add3A_313 : i32
        %swap3A_315 = arith.index_cast %add3A_314 : i32 to index
        %swap3A_316 = arith.constant 32 : index
        %swap3A_317 = tpu.vector_load %arg10[%swap3A_315, %swap3A_316] {strides = array<i32>} : memref<200x64xf32, #tpu.memory_space<vmem>>, vector<1x16xf32>,
        %swap3A_318 = vector.shape_cast %swap3A_317 : vector<1x16xf32> to vector<16xf32>
        %swap3A_319 = vector.shape_cast %mul3A_312 : vector<16xf32> to vector<1x16xf32>
        tpu.vector_store %arg10[%swap3A_315, %swap3A_316], %swap3A_319 {strides = array<i32>} : memref<200x64xf32, #tpu.memory_space<vmem>>, vector<1x16xf32>,
        %add3A_320 = arith.constant 0 : i32
        %add3A_321 = arith.addi %mul3A_256, %add3A_320 : i32
        %add3A_322 = arith.constant 48 : i32
        %add3A_323 = arith.addi %squeeze3A, %add3A_322 : i32
        %get3A_324 = arith.index_cast %add3A_321 : i32 to index
        %get3A_325 = arith.index_cast %add3A_323 : i32 to index
        %get3A_326 = tpu.vector_load %arg8[%get3A_324, %get3A_325] {strides = array<i32>} : memref<200x128xf32, #tpu.memory_space<vmem>>, vector<1x16xf32>,
        %get3A_327 = vector.shape_cast %get3A_326 : vector<1x16xf32> to vector<16xf32>
        %mul3A_328 = arith.constant 8.000000e+00 : f32
        %mul3A_329 = vector.broadcast %mul3A_328 : f32 to vector<16xf32>
        %mul3A_330 = arith.mulf %get3A_327, %mul3A_329 : vector<16xf32>
        %add3A_331 = arith.constant 0 : i32
        %add3A_332 = arith.addi %mul3A_256, %add3A_331 : i32
        %swap3A_333 = arith.index_cast %add3A_332 : i32 to index
        %swap3A_334 = arith.constant 48 : index
        %swap3A_335 = tpu.vector_load %arg10[%swap3A_333, %swap3A_334] {strides = array<i32>} : memref<200x64xf32, #tpu.memory_space<vmem>>, vector<1x16xf32>,
        %swap3A_336 = vector.shape_cast %swap3A_335 : vector<1x16xf32> to vector<16xf32>
        %swap3A_337 = vector.shape_cast %mul3A_330 : vector<16xf32> to vector<1x16xf32>
        tpu.vector_store %arg10[%swap3A_333, %swap3A_334], %swap3A_337 {strides = array<i32>} : memref<200x64xf32, #tpu.memory_space<vmem>>, vector<1x16xf32>,
        %slice3A_338 = vector.extract_strided_slice %mul3A_265 {offsets = [1], sizes = [1], strides = [1]} : vector<16xi32> to vector<1xi32>
        %squeeze3A_339 = vector.extract %slice3A_338[0] : i32 from vector<1xi32>
        %add3A_340 = arith.constant 1 : i32
        %add3A_341 = arith.addi %mul3A_256, %add3A_340 : i32
        %add3A_342 = arith.constant 0 : i32
        %add3A_343 = arith.addi %squeeze3A_339, %add3A_342 : i32
        %get3A_344 = arith.index_cast %add3A_341 : i32 to index
        %get3A_345 = arith.index_cast %add3A_343 : i32 to index
        %get3A_346 = tpu.vector_load %arg8[%get3A_344, %get3A_345] {strides = array<i32>} : memref<200x128xf32, #tpu.memory_space<vmem>>, vector<1x16xf32>,
        %get3A_347 = vector.shape_cast %get3A_346 : vector<1x16xf32> to vector<16xf32>
        %mul3A_348 = arith.constant 8.000000e+00 : f32
        %mul3A_349 = vector.broadcast %mul3A_348 : f32 to vector<16xf32>
        %mul3A_350 = arith.mulf %get3A_347, %mul3A_349 : vector<16xf32>
        %add3A_351 = arith.constant 1 : i32
        %add3A_352 = arith.addi %mul3A_256, %add3A_351 : i32
        %swap3A_353 = arith.index_cast %add3A_352 : i32 to index
        %swap3A_354 = arith.constant 0 : index
        %swap3A_355 = tpu.vector_load %arg10[%swap3A_353, %swap3A_354] {strides = array<i32>} : memref<200x64xf32, #tpu.memory_space<vmem>>, vector<1x16xf32>,
        %swap3A_356 = vector.shape_cast %swap3A_355 : vector<1x16xf32> to vector<16xf32>
        %swap3A_357 = vector.shape_cast %mul3A_350 : vector<16xf32> to vector<1x16xf32>
        tpu.vector_store %arg10[%swap3A_353, %swap3A_354], %swap3A_357 {strides = array<i32>} : memref<200x64xf32, #tpu.memory_space<vmem>>, vector<1x16xf32>,
        %add3A_358 = arith.constant 1 : i32
        %add3A_359 = arith.addi %mul3A_256, %add3A_358 : i32
        %add3A_360 = arith.constant 16 : i32
        %add3A_361 = arith.addi %squeeze3A_339, %add3A_360 : i32
        %get3A_362 = arith.index_cast %add3A_359 : i32 to index
        %get3A_363 = arith.index_cast %add3A_361 : i32 to index
        %get3A_364 = tpu.vector_load %arg8[%get3A_362, %get3A_363] {strides = array<i32>} : memref<200x128xf32, #tpu.memory_space<vmem>>, vector<1x16xf32>,
        %get3A_365 = vector.shape_cast %get3A_364 : vector<1x16xf32> to vector<16xf32>
        %mul3A_366 = arith.constant 8.000000e+00 : f32
        %mul3A_367 = vector.broadcast %mul3A_366 : f32 to vector<16xf32>
        %mul3A_368 = arith.mulf %get3A_365, %mul3A_367 : vector<16xf32>
        %add3A_369 = arith.constant 1 : i32
        %add3A_370 = arith.addi %mul3A_256, %add3A_369 : i32
        %swap3A_371 = arith.index_cast %add3A_370 : i32 to index
        %swap3A_372 = arith.constant 16 : index
        %swap3A_373 = tpu.vector_load %arg10[%swap3A_371, %swap3A_372] {strides = array<i32>} : memref<200x64xf32, #tpu.memory_space<vmem>>, vector<1x16xf32>,
        %swap3A_374 = vector.shape_cast %swap3A_373 : vector<1x16xf32> to vector<16xf32>
        %swap3A_375 = vector.shape_cast %mul3A_368 : vector<16xf32> to vector<1x16xf32>
        tpu.vector_store %arg10[%swap3A_371, %swap3A_372], %swap3A_375 {strides = array<i32>} : memref<200x64xf32, #tpu.memory_space<vmem>>, vector<1x16xf32>,
        %add3A_376 = arith.constant 1 : i32
        %add3A_377 = arith.addi %mul3A_256, %add3A_376 : i32
        %add3A_378 = arith.constant 32 : i32
        %add3A_379 = arith.addi %squeeze3A_339, %add3A_378 : i32
        %get3A_380 = arith.index_cast %add3A_377 : i32 to index
        %get3A_381 = arith.index_cast %add3A_379 : i32 to index
        %get3A_382 = tpu.vector_load %arg8[%get3A_380, %get3A_381] {strides = array<i32>} : memref<200x128xf32, #tpu.memory_space<vmem>>, vector<1x16xf32>,
        %get3A_383 = vector.shape_cast %get3A_382 : vector<1x16xf32> to vector<16xf32>
        %mul3A_384 = arith.constant 8.000000e+00 : f32
        %mul3A_385 = vector.broadcast %mul3A_384 : f32 to vector<16xf32>
        %mul3A_386 = arith.mulf %get3A_383, %mul3A_385 : vector<16xf32>
        %add3A_387 = arith.constant 1 : i32
        %add3A_388 = arith.addi %mul3A_256, %add3A_387 : i32
        %swap3A_389 = arith.index_cast %add3A_388 : i32 to index
        %swap3A_390 = arith.constant 32 : index
        %swap3A_391 = tpu.vector_load %arg10[%swap3A_389, %swap3A_390] {strides = array<i32>} : memref<200x64xf32, #tpu.memory_space<vmem>>, vector<1x16xf32>,
        %swap3A_392 = vector.shape_cast %swap3A_391 : vector<1x16xf32> to vector<16xf32>
        %swap3A_393 = vector.shape_cast %mul3A_386 : vector<16xf32> to vector<1x16xf32>
        tpu.vector_store %arg10[%swap3A_389, %swap3A_390], %swap3A_393 {strides = array<i32>} : memref<200x64xf32, #tpu.memory_space<vmem>>, vector<1x16xf32>,
        %add3A_394 = arith.constant 1 : i32
        %add3A_395 = arith.addi %mul3A_256, %add3A_394 : i32
        %add3A_396 = arith.constant 48 : i32
        %add3A_397 = arith.addi %squeeze3A_339, %add3A_396 : i32
        %get3A_398 = arith.index_cast %add3A_395 : i32 to index
        %get3A_399 = arith.index_cast %add3A_397 : i32 to index
        %get3A_400 = tpu.vector_load %arg8[%get3A_398, %get3A_399] {strides = array<i32>} : memref<200x128xf32, #tpu.memory_space<vmem>>, vector<1x16xf32>,
        %get3A_401 = vector.shape_cast %get3A_400 : vector<1x16xf32> to vector<16xf32>
        %mul3A_402 = arith.constant 8.000000e+00 : f32
        %mul3A_403 = vector.broadcast %mul3A_402 : f32 to vector<16xf32>
        %mul3A_404 = arith.mulf %get3A_401, %mul3A_403 : vector<16xf32>
        %add3A_405 = arith.constant 1 : i32
        %add3A_406 = arith.addi %mul3A_256, %add3A_405 : i32
        %swap3A_407 = arith.index_cast %add3A_406 : i32 to index
        %swap3A_408 = arith.constant 48 : index
        %swap3A_409 = tpu.vector_load %arg10[%swap3A_407, %swap3A_408] {strides = array<i32>} : memref<200x64xf32, #tpu.memory_space<vmem>>, vector<1x16xf32>,
        %swap3A_410 = vector.shape_cast %swap3A_409 : vector<1x16xf32> to vector<16xf32>
        %swap3A_411 = vector.shape_cast %mul3A_404 : vector<16xf32> to vector<1x16xf32>
        tpu.vector_store %arg10[%swap3A_407, %swap3A_408], %swap3A_411 {strides = array<i32>} : memref<200x64xf32, #tpu.memory_space<vmem>>, vector<1x16xf32>,
        %slice3A_412 = vector.extract_strided_slice %mul3A_265 {offsets = [2], sizes = [1], strides = [1]} : vector<16xi32> to vector<1xi32>
        %squeeze3A_413 = vector.extract %slice3A_412[0] : i32 from vector<1xi32>
        %add3A_414 = arith.constant 2 : i32
        %add3A_415 = arith.addi %mul3A_256, %add3A_414 : i32
        %add3A_416 = arith.constant 0 : i32
        %add3A_417 = arith.addi %squeeze3A_413, %add3A_416 : i32
        %get3A_418 = arith.index_cast %add3A_415 : i32 to index
        %get3A_419 = arith.index_cast %add3A_417 : i32 to index
        %get3A_420 = tpu.vector_load %arg8[%get3A_418, %get3A_419] {strides = array<i32>} : memref<200x128xf32, #tpu.memory_space<vmem>>, vector<1x16xf32>,
        %get3A_421 = vector.shape_cast %get3A_420 : vector<1x16xf32> to vector<16xf32>
        %mul3A_422 = arith.constant 8.000000e+00 : f32
        %mul3A_423 = vector.broadcast %mul3A_422 : f32 to vector<16xf32>
        %mul3A_424 = arith.mulf %get3A_421, %mul3A_423 : vector<16xf32>
        %add3A_425 = arith.constant 2 : i32
        %add3A_426 = arith.addi %mul3A_256, %add3A_425 : i32
        %swap3A_427 = arith.index_cast %add3A_426 : i32 to index
        %swap3A_428 = arith.constant 0 : index
        %swap3A_429 = tpu.vector_load %arg10[%swap3A_427, %swap3A_428] {strides = array<i32>} : memref<200x64xf32, #tpu.memory_space<vmem>>, vector<1x16xf32>,
        %swap3A_430 = vector.shape_cast %swap3A_429 : vector<1x16xf32> to vector<16xf32>
        %swap3A_431 = vector.shape_cast %mul3A_424 : vector<16xf32> to vector<1x16xf32>
        tpu.vector_store %arg10[%swap3A_427, %swap3A_428], %swap3A_431 {strides = array<i32>} : memref<200x64xf32, #tpu.memory_space<vmem>>, vector<1x16xf32>,
        %add3A_432 = arith.constant 2 : i32
        %add3A_433 = arith.addi %mul3A_256, %add3A_432 : i32
        %add3A_434 = arith.constant 16 : i32
        %add3A_435 = arith.addi %squeeze3A_413, %add3A_434 : i32
        %get3A_436 = arith.index_cast %add3A_433 : i32 to index
        %get3A_437 = arith.index_cast %add3A_435 : i32 to index
        %get3A_438 = tpu.vector_load %arg8[%get3A_436, %get3A_437] {strides = array<i32>} : memref<200x128xf32, #tpu.memory_space<vmem>>, vector<1x16xf32>,
        %get3A_439 = vector.shape_cast %get3A_438 : vector<1x16xf32> to vector<16xf32>
        %mul3A_440 = arith.constant 8.000000e+00 : f32
        %mul3A_441 = vector.broadcast %mul3A_440 : f32 to vector<16xf32>
        %mul3A_442 = arith.mulf %get3A_439, %mul3A_441 : vector<16xf32>
        %add3A_443 = arith.constant 2 : i32
        %add3A_444 = arith.addi %mul3A_256, %add3A_443 : i32
        %swap3A_445 = arith.index_cast %add3A_444 : i32 to index
        %swap3A_446 = arith.constant 16 : index
        %swap3A_447 = tpu.vector_load %arg10[%swap3A_445, %swap3A_446] {strides = array<i32>} : memref<200x64xf32, #tpu.memory_space<vmem>>, vector<1x16xf32>,
        %swap3A_448 = vector.shape_cast %swap3A_447 : vector<1x16xf32> to vector<16xf32>
        %swap3A_449 = vector.shape_cast %mul3A_442 : vector<16xf32> to vector<1x16xf32>
        tpu.vector_store %arg10[%swap3A_445, %swap3A_446], %swap3A_449 {strides = array<i32>} : memref<200x64xf32, #tpu.memory_space<vmem>>, vector<1x16xf32>,
        %add3A_450 = arith.constant 2 : i32
        %add3A_451 = arith.addi %mul3A_256, %add3A_450 : i32
        %add3A_452 = arith.constant 32 : i32
        %add3A_453 = arith.addi %squeeze3A_413, %add3A_452 : i32
        %get3A_454 = arith.index_cast %add3A_451 : i32 to index
        %get3A_455 = arith.index_cast %add3A_453 : i32 to index
        %get3A_456 = tpu.vector_load %arg8[%get3A_454, %get3A_455] {strides = array<i32>} : memref<200x128xf32, #tpu.memory_space<vmem>>, vector<1x16xf32>,
        %get3A_457 = vector.shape_cast %get3A_456 : vector<1x16xf32> to vector<16xf32>
        %mul3A_458 = arith.constant 8.000000e+00 : f32
        %mul3A_459 = vector.broadcast %mul3A_458 : f32 to vector<16xf32>
        %mul3A_460 = arith.mulf %get3A_457, %mul3A_459 : vector<16xf32>
        %add3A_461 = arith.constant 2 : i32
        %add3A_462 = arith.addi %mul3A_256, %add3A_461 : i32
        %swap3A_463 = arith.index_cast %add3A_462 : i32 to index
        %swap3A_464 = arith.constant 32 : index
        %swap3A_465 = tpu.vector_load %arg10[%swap3A_463, %swap3A_464] {strides = array<i32>} : memref<200x64xf32, #tpu.memory_space<vmem>>, vector<1x16xf32>,
        %swap3A_466 = vector.shape_cast %swap3A_465 : vector<1x16xf32> to vector<16xf32>
        %swap3A_467 = vector.shape_cast %mul3A_460 : vector<16xf32> to vector<1x16xf32>
        tpu.vector_store %arg10[%swap3A_463, %swap3A_464], %swap3A_467 {strides = array<i32>} : memref<200x64xf32, #tpu.memory_space<vmem>>, vector<1x16xf32>,
        %add3A_468 = arith.constant 2 : i32
        %add3A_469 = arith.addi %mul3A_256, %add3A_468 : i32
        %add3A_470 = arith.constant 48 : i32
        %add3A_471 = arith.addi %squeeze3A_413, %add3A_470 : i32
        %get3A_472 = arith.index_cast %add3A_469 : i32 to index
        %get3A_473 = arith.index_cast %add3A_471 : i32 to index
        %get3A_474 = tpu.vector_load %arg8[%get3A_472, %get3A_473] {strides = array<i32>} : memref<200x128xf32, #tpu.memory_space<vmem>>, vector<1x16xf32>,
        %get3A_475 = vector.shape_cast %get3A_474 : vector<1x16xf32> to vector<16xf32>
        %mul3A_476 = arith.constant 8.000000e+00 : f32
        %mul3A_477 = vector.broadcast %mul3A_476 : f32 to vector<16xf32>
        %mul3A_478 = arith.mulf %get3A_475, %mul3A_477 : vector<16xf32>
        %add3A_479 = arith.constant 2 : i32
        %add3A_480 = arith.addi %mul3A_256, %add3A_479 : i32
        %swap3A_481 = arith.index_cast %add3A_480 : i32 to index
        %swap3A_482 = arith.constant 48 : index
        %swap3A_483 = tpu.vector_load %arg10[%swap3A_481, %swap3A_482] {strides = array<i32>} : memref<200x64xf32, #tpu.memory_space<vmem>>, vector<1x16xf32>,
        %swap3A_484 = vector.shape_cast %swap3A_483 : vector<1x16xf32> to vector<16xf32>
        %swap3A_485 = vector.shape_cast %mul3A_478 : vector<16xf32> to vector<1x16xf32>
        tpu.vector_store %arg10[%swap3A_481, %swap3A_482], %swap3A_485 {strides = array<i32>} : memref<200x64xf32, #tpu.memory_space<vmem>>, vector<1x16xf32>,
        %slice3A_486 = vector.extract_strided_slice %mul3A_265 {offsets = [3], sizes = [1], strides = [1]} : vector<16xi32> to vector<1xi32>
        %squeeze3A_487 = vector.extract %slice3A_486[0] : i32 from vector<1xi32>
        %add3A_488 = arith.constant 3 : i32
        %add3A_489 = arith.addi %mul3A_256, %add3A_488 : i32
        %add3A_490 = arith.constant 0 : i32
        %add3A_491 = arith.addi %squeeze3A_487, %add3A_490 : i32
        %get3A_492 = arith.index_cast %add3A_489 : i32 to index
        %get3A_493 = arith.index_cast %add3A_491 : i32 to index
        %get3A_494 = tpu.vector_load %arg8[%get3A_492, %get3A_493] {strides = array<i32>} : memref<200x128xf32, #tpu.memory_space<vmem>>, vector<1x16xf32>,
        %get3A_495 = vector.shape_cast %get3A_494 : vector<1x16xf32> to vector<16xf32>
        %mul3A_496 = arith.constant 8.000000e+00 : f32
        %mul3A_497 = vector.broadcast %mul3A_496 : f32 to vector<16xf32>
        %mul3A_498 = arith.mulf %get3A_495, %mul3A_497 : vector<16xf32>
        %add3A_499 = arith.constant 3 : i32
        %add3A_500 = arith.addi %mul3A_256, %add3A_499 : i32
        %swap3A_501 = arith.index_cast %add3A_500 : i32 to index
        %swap3A_502 = arith.constant 0 : index
        %swap3A_503 = tpu.vector_load %arg10[%swap3A_501, %swap3A_502] {strides = array<i32>} : memref<200x64xf32, #tpu.memory_space<vmem>>, vector<1x16xf32>,
        %swap3A_504 = vector.shape_cast %swap3A_503 : vector<1x16xf32> to vector<16xf32>
        %swap3A_505 = vector.shape_cast %mul3A_498 : vector<16xf32> to vector<1x16xf32>
        tpu.vector_store %arg10[%swap3A_501, %swap3A_502], %swap3A_505 {strides = array<i32>} : memref<200x64xf32, #tpu.memory_space<vmem>>, vector<1x16xf32>,
        %add3A_506 = arith.constant 3 : i32
        %add3A_507 = arith.addi %mul3A_256, %add3A_506 : i32
        %add3A_508 = arith.constant 16 : i32
        %add3A_509 = arith.addi %squeeze3A_487, %add3A_508 : i32
        %get3A_510 = arith.index_cast %add3A_507 : i32 to index
        %get3A_511 = arith.index_cast %add3A_509 : i32 to index
        %get3A_512 = tpu.vector_load %arg8[%get3A_510, %get3A_511] {strides = array<i32>} : memref<200x128xf32, #tpu.memory_space<vmem>>, vector<1x16xf32>,
        %get3A_513 = vector.shape_cast %get3A_512 : vector<1x16xf32> to vector<16xf32>
        %mul3A_514 = arith.constant 8.000000e+00 : f32
        %mul3A_515 = vector.broadcast %mul3A_514 : f32 to vector<16xf32>
        %mul3A_516 = arith.mulf %get3A_513, %mul3A_515 : vector<16xf32>
        %add3A_517 = arith.constant 3 : i32
        %add3A_518 = arith.addi %mul3A_256, %add3A_517 : i32
        %swap3A_519 = arith.index_cast %add3A_518 : i32 to index
        %swap3A_520 = arith.constant 16 : index
        %swap3A_521 = tpu.vector_load %arg10[%swap3A_519, %swap3A_520] {strides = array<i32>} : memref<200x64xf32, #tpu.memory_space<vmem>>, vector<1x16xf32>,
        %swap3A_522 = vector.shape_cast %swap3A_521 : vector<1x16xf32> to vector<16xf32>
        %swap3A_523 = vector.shape_cast %mul3A_516 : vector<16xf32> to vector<1x16xf32>
        tpu.vector_store %arg10[%swap3A_519, %swap3A_520], %swap3A_523 {strides = array<i32>} : memref<200x64xf32, #tpu.memory_space<vmem>>, vector<1x16xf32>,
        %add3A_524 = arith.constant 3 : i32
        %add3A_525 = arith.addi %mul3A_256, %add3A_524 : i32
        %add3A_526 = arith.constant 32 : i32
        %add3A_527 = arith.addi %squeeze3A_487, %add3A_526 : i32
        %get3A_528 = arith.index_cast %add3A_525 : i32 to index
        %get3A_529 = arith.index_cast %add3A_527 : i32 to index
        %get3A_530 = tpu.vector_load %arg8[%get3A_528, %get3A_529] {strides = array<i32>} : memref<200x128xf32, #tpu.memory_space<vmem>>, vector<1x16xf32>,
        %get3A_531 = vector.shape_cast %get3A_530 : vector<1x16xf32> to vector<16xf32>
        %mul3A_532 = arith.constant 8.000000e+00 : f32
        %mul3A_533 = vector.broadcast %mul3A_532 : f32 to vector<16xf32>
        %mul3A_534 = arith.mulf %get3A_531, %mul3A_533 : vector<16xf32>
        %add3A_535 = arith.constant 3 : i32
        %add3A_536 = arith.addi %mul3A_256, %add3A_535 : i32
        %swap3A_537 = arith.index_cast %add3A_536 : i32 to index
        %swap3A_538 = arith.constant 32 : index
        %swap3A_539 = tpu.vector_load %arg10[%swap3A_537, %swap3A_538] {strides = array<i32>} : memref<200x64xf32, #tpu.memory_space<vmem>>, vector<1x16xf32>,
        %swap3A_540 = vector.shape_cast %swap3A_539 : vector<1x16xf32> to vector<16xf32>
        %swap3A_541 = vector.shape_cast %mul3A_534 : vector<16xf32> to vector<1x16xf32>
        tpu.vector_store %arg10[%swap3A_537, %swap3A_538], %swap3A_541 {strides = array<i32>} : memref<200x64xf32, #tpu.memory_space<vmem>>, vector<1x16xf32>,
        %add3A_542 = arith.constant 3 : i32
        %add3A_543 = arith.addi %mul3A_256, %add3A_542 : i32
        %add3A_544 = arith.constant 48 : i32
        %add3A_545 = arith.addi %squeeze3A_487, %add3A_544 : i32
        %get3A_546 = arith.index_cast %add3A_543 : i32 to index
        %get3A_547 = arith.index_cast %add3A_545 : i32 to index
        %get3A_548 = tpu.vector_load %arg8[%get3A_546, %get3A_547] {strides = array<i32>} : memref<200x128xf32, #tpu.memory_space<vmem>>, vector<1x16xf32>,
        %get3A_549 = vector.shape_cast %get3A_548 : vector<1x16xf32> to vector<16xf32>
        %mul3A_550 = arith.constant 8.000000e+00 : f32
        %mul3A_551 = vector.broadcast %mul3A_550 : f32 to vector<16xf32>
        %mul3A_552 = arith.mulf %get3A_549, %mul3A_551 : vector<16xf32>
        %add3A_553 = arith.constant 3 : i32
        %add3A_554 = arith.addi %mul3A_256, %add3A_553 : i32
        %swap3A_555 = arith.index_cast %add3A_554 : i32 to index
        %swap3A_556 = arith.constant 48 : index
        %swap3A_557 = tpu.vector_load %arg10[%swap3A_555, %swap3A_556] {strides = array<i32>} : memref<200x64xf32, #tpu.memory_space<vmem>>, vector<1x16xf32>,
        %swap3A_558 = vector.shape_cast %swap3A_557 : vector<1x16xf32> to vector<16xf32>
        %swap3A_559 = vector.shape_cast %mul3A_552 : vector<16xf32> to vector<1x16xf32>
        tpu.vector_store %arg10[%swap3A_555, %swap3A_556], %swap3A_559 {strides = array<i32>} : memref<200x64xf32, #tpu.memory_space<vmem>>, vector<1x16xf32>,
        %slice3A_560 = vector.extract_strided_slice %mul3A_265 {offsets = [4], sizes = [1], strides = [1]} : vector<16xi32> to vector<1xi32>
        %squeeze3A_561 = vector.extract %slice3A_560[0] : i32 from vector<1xi32>
        %add3A_562 = arith.constant 4 : i32
        %add3A_563 = arith.addi %mul3A_256, %add3A_562 : i32
        %add3A_564 = arith.constant 0 : i32
        %add3A_565 = arith.addi %squeeze3A_561, %add3A_564 : i32
        %get3A_566 = arith.index_cast %add3A_563 : i32 to index
        %get3A_567 = arith.index_cast %add3A_565 : i32 to index
        %get3A_568 = tpu.vector_load %arg8[%get3A_566, %get3A_567] {strides = array<i32>} : memref<200x128xf32, #tpu.memory_space<vmem>>, vector<1x16xf32>,
        %get3A_569 = vector.shape_cast %get3A_568 : vector<1x16xf32> to vector<16xf32>
        %mul3A_570 = arith.constant 8.000000e+00 : f32
        %mul3A_571 = vector.broadcast %mul3A_570 : f32 to vector<16xf32>
        %mul3A_572 = arith.mulf %get3A_569, %mul3A_571 : vector<16xf32>
        %add3A_573 = arith.constant 4 : i32
        %add3A_574 = arith.addi %mul3A_256, %add3A_573 : i32
        %swap3A_575 = arith.index_cast %add3A_574 : i32 to index
        %swap3A_576 = arith.constant 0 : index
        %swap3A_577 = tpu.vector_load %arg10[%swap3A_575, %swap3A_576] {strides = array<i32>} : memref<200x64xf32, #tpu.memory_space<vmem>>, vector<1x16xf32>,
        %swap3A_578 = vector.shape_cast %swap3A_577 : vector<1x16xf32> to vector<16xf32>
        %swap3A_579 = vector.shape_cast %mul3A_572 : vector<16xf32> to vector<1x16xf32>
        tpu.vector_store %arg10[%swap3A_575, %swap3A_576], %swap3A_579 {strides = array<i32>} : memref<200x64xf32, #tpu.memory_space<vmem>>, vector<1x16xf32>,
        %add3A_580 = arith.constant 4 : i32
        %add3A_581 = arith.addi %mul3A_256, %add3A_580 : i32
        %add3A_582 = arith.constant 16 : i32
        %add3A_583 = arith.addi %squeeze3A_561, %add3A_582 : i32
        %get3A_584 = arith.index_cast %add3A_581 : i32 to index
        %get3A_585 = arith.index_cast %add3A_583 : i32 to index
        %get3A_586 = tpu.vector_load %arg8[%get3A_584, %get3A_585] {strides = array<i32>} : memref<200x128xf32, #tpu.memory_space<vmem>>, vector<1x16xf32>,
        %get3A_587 = vector.shape_cast %get3A_586 : vector<1x16xf32> to vector<16xf32>
        %mul3A_588 = arith.constant 8.000000e+00 : f32
        %mul3A_589 = vector.broadcast %mul3A_588 : f32 to vector<16xf32>
        %mul3A_590 = arith.mulf %get3A_587, %mul3A_589 : vector<16xf32>
        %add3A_591 = arith.constant 4 : i32
        %add3A_592 = arith.addi %mul3A_256, %add3A_591 : i32
        %swap3A_593 = arith.index_cast %add3A_592 : i32 to index
        %swap3A_594 = arith.constant 16 : index
        %swap3A_595 = tpu.vector_load %arg10[%swap3A_593, %swap3A_594] {strides = array<i32>} : memref<200x64xf32, #tpu.memory_space<vmem>>, vector<1x16xf32>,
        %swap3A_596 = vector.shape_cast %swap3A_595 : vector<1x16xf32> to vector<16xf32>
        %swap3A_597 = vector.shape_cast %mul3A_590 : vector<16xf32> to vector<1x16xf32>
        tpu.vector_store %arg10[%swap3A_593, %swap3A_594], %swap3A_597 {strides = array<i32>} : memref<200x64xf32, #tpu.memory_space<vmem>>, vector<1x16xf32>,
        %add3A_598 = arith.constant 4 : i32
        %add3A_599 = arith.addi %mul3A_256, %add3A_598 : i32
        %add3A_600 = arith.constant 32 : i32
        %add3A_601 = arith.addi %squeeze3A_561, %add3A_600 : i32
        %get3A_602 = arith.index_cast %add3A_599 : i32 to index
        %get3A_603 = arith.index_cast %add3A_601 : i32 to index
        %get3A_604 = tpu.vector_load %arg8[%get3A_602, %get3A_603] {strides = array<i32>} : memref<200x128xf32, #tpu.memory_space<vmem>>, vector<1x16xf32>,
        %get3A_605 = vector.shape_cast %get3A_604 : vector<1x16xf32> to vector<16xf32>
        %mul3A_606 = arith.constant 8.000000e+00 : f32
        %mul3A_607 = vector.broadcast %mul3A_606 : f32 to vector<16xf32>
        %mul3A_608 = arith.mulf %get3A_605, %mul3A_607 : vector<16xf32>
        %add3A_609 = arith.constant 4 : i32
        %add3A_610 = arith.addi %mul3A_256, %add3A_609 : i32
        %swap3A_611 = arith.index_cast %add3A_610 : i32 to index
        %swap3A_612 = arith.constant 32 : index
        %swap3A_613 = tpu.vector_load %arg10[%swap3A_611, %swap3A_612] {strides = array<i32>} : memref<200x64xf32, #tpu.memory_space<vmem>>, vector<1x16xf32>,
        %swap3A_614 = vector.shape_cast %swap3A_613 : vector<1x16xf32> to vector<16xf32>
        %swap3A_615 = vector.shape_cast %mul3A_608 : vector<16xf32> to vector<1x16xf32>
        tpu.vector_store %arg10[%swap3A_611, %swap3A_612], %swap3A_615 {strides = array<i32>} : memref<200x64xf32, #tpu.memory_space<vmem>>, vector<1x16xf32>,
        %add3A_616 = arith.constant 4 : i32
        %add3A_617 = arith.addi %mul3A_256, %add3A_616 : i32
        %add3A_618 = arith.constant 48 : i32
        %add3A_619 = arith.addi %squeeze3A_561, %add3A_618 : i32
        %get3A_620 = arith.index_cast %add3A_617 : i32 to index
        %get3A_621 = arith.index_cast %add3A_619 : i32 to index
        %get3A_622 = tpu.vector_load %arg8[%get3A_620, %get3A_621] {strides = array<i32>} : memref<200x128xf32, #tpu.memory_space<vmem>>, vector<1x16xf32>,
        %get3A_623 = vector.shape_cast %get3A_622 : vector<1x16xf32> to vector<16xf32>
        %mul3A_624 = arith.constant 8.000000e+00 : f32
        %mul3A_625 = vector.broadcast %mul3A_624 : f32 to vector<16xf32>
        %mul3A_626 = arith.mulf %get3A_623, %mul3A_625 : vector<16xf32>
        %add3A_627 = arith.constant 4 : i32
        %add3A_628 = arith.addi %mul3A_256, %add3A_627 : i32
        %swap3A_629 = arith.index_cast %add3A_628 : i32 to index
        %swap3A_630 = arith.constant 48 : index
        %swap3A_631 = tpu.vector_load %arg10[%swap3A_629, %swap3A_630] {strides = array<i32>} : memref<200x64xf32, #tpu.memory_space<vmem>>, vector<1x16xf32>,
        %swap3A_632 = vector.shape_cast %swap3A_631 : vector<1x16xf32> to vector<16xf32>
        %swap3A_633 = vector.shape_cast %mul3A_626 : vector<16xf32> to vector<1x16xf32>
        tpu.vector_store %arg10[%swap3A_629, %swap3A_630], %swap3A_633 {strides = array<i32>} : memref<200x64xf32, #tpu.memory_space<vmem>>, vector<1x16xf32>,
        %slice3A_634 = vector.extract_strided_slice %mul3A_265 {offsets = [5], sizes = [1], strides = [1]} : vector<16xi32> to vector<1xi32>
        %squeeze3A_635 = vector.extract %slice3A_634[0] : i32 from vector<1xi32>
        %add3A_636 = arith.constant 5 : i32
        %add3A_637 = arith.addi %mul3A_256, %add3A_636 : i32
        %add3A_638 = arith.constant 0 : i32
        %add3A_639 = arith.addi %squeeze3A_635, %add3A_638 : i32
        %get3A_640 = arith.index_cast %add3A_637 : i32 to index
        %get3A_641 = arith.index_cast %add3A_639 : i32 to index
        %get3A_642 = tpu.vector_load %arg8[%get3A_640, %get3A_641] {strides = array<i32>} : memref<200x128xf32, #tpu.memory_space<vmem>>, vector<1x16xf32>,
        %get3A_643 = vector.shape_cast %get3A_642 : vector<1x16xf32> to vector<16xf32>
        %mul3A_644 = arith.constant 8.000000e+00 : f32
        %mul3A_645 = vector.broadcast %mul3A_644 : f32 to vector<16xf32>
        %mul3A_646 = arith.mulf %get3A_643, %mul3A_645 : vector<16xf32>
        %add3A_647 = arith.constant 5 : i32
        %add3A_648 = arith.addi %mul3A_256, %add3A_647 : i32
        %swap3A_649 = arith.index_cast %add3A_648 : i32 to index
        %swap3A_650 = arith.constant 0 : index
        %swap3A_651 = tpu.vector_load %arg10[%swap3A_649, %swap3A_650] {strides = array<i32>} : memref<200x64xf32, #tpu.memory_space<vmem>>, vector<1x16xf32>,
        %swap3A_652 = vector.shape_cast %swap3A_651 : vector<1x16xf32> to vector<16xf32>
        %swap3A_653 = vector.shape_cast %mul3A_646 : vector<16xf32> to vector<1x16xf32>
        tpu.vector_store %arg10[%swap3A_649, %swap3A_650], %swap3A_653 {strides = array<i32>} : memref<200x64xf32, #tpu.memory_space<vmem>>, vector<1x16xf32>,
        %add3A_654 = arith.constant 5 : i32
        %add3A_655 = arith.addi %mul3A_256, %add3A_654 : i32
        %add3A_656 = arith.constant 16 : i32
        %add3A_657 = arith.addi %squeeze3A_635, %add3A_656 : i32
        %get3A_658 = arith.index_cast %add3A_655 : i32 to index
        %get3A_659 = arith.index_cast %add3A_657 : i32 to index
        %get3A_660 = tpu.vector_load %arg8[%get3A_658, %get3A_659] {strides = array<i32>} : memref<200x128xf32, #tpu.memory_space<vmem>>, vector<1x16xf32>,
        %get3A_661 = vector.shape_cast %get3A_660 : vector<1x16xf32> to vector<16xf32>
        %mul3A_662 = arith.constant 8.000000e+00 : f32
        %mul3A_663 = vector.broadcast %mul3A_662 : f32 to vector<16xf32>
        %mul3A_664 = arith.mulf %get3A_661, %mul3A_663 : vector<16xf32>
        %add3A_665 = arith.constant 5 : i32
        %add3A_666 = arith.addi %mul3A_256, %add3A_665 : i32
        %swap3A_667 = arith.index_cast %add3A_666 : i32 to index
        %swap3A_668 = arith.constant 16 : index
        %swap3A_669 = tpu.vector_load %arg10[%swap3A_667, %swap3A_668] {strides = array<i32>} : memref<200x64xf32, #tpu.memory_space<vmem>>, vector<1x16xf32>,
        %swap3A_670 = vector.shape_cast %swap3A_669 : vector<1x16xf32> to vector<16xf32>
        %swap3A_671 = vector.shape_cast %mul3A_664 : vector<16xf32> to vector<1x16xf32>
        tpu.vector_store %arg10[%swap3A_667, %swap3A_668], %swap3A_671 {strides = array<i32>} : memref<200x64xf32, #tpu.memory_space<vmem>>, vector<1x16xf32>,
        %add3A_672 = arith.constant 5 : i32
        %add3A_673 = arith.addi %mul3A_256, %add3A_672 : i32
        %add3A_674 = arith.constant 32 : i32
        %add3A_675 = arith.addi %squeeze3A_635, %add3A_674 : i32
        %get3A_676 = arith.index_cast %add3A_673 : i32 to index
        %get3A_677 = arith.index_cast %add3A_675 : i32 to index
        %get3A_678 = tpu.vector_load %arg8[%get3A_676, %get3A_677] {strides = array<i32>} : memref<200x128xf32, #tpu.memory_space<vmem>>, vector<1x16xf32>,
        %get3A_679 = vector.shape_cast %get3A_678 : vector<1x16xf32> to vector<16xf32>
        %mul3A_680 = arith.constant 8.000000e+00 : f32
        %mul3A_681 = vector.broadcast %mul3A_680 : f32 to vector<16xf32>
        %mul3A_682 = arith.mulf %get3A_679, %mul3A_681 : vector<16xf32>
        %add3A_683 = arith.constant 5 : i32
        %add3A_684 = arith.addi %mul3A_256, %add3A_683 : i32
        %swap3A_685 = arith.index_cast %add3A_684 : i32 to index
        %swap3A_686 = arith.constant 32 : index
        %swap3A_687 = tpu.vector_load %arg10[%swap3A_685, %swap3A_686] {strides = array<i32>} : memref<200x64xf32, #tpu.memory_space<vmem>>, vector<1x16xf32>,
        %swap3A_688 = vector.shape_cast %swap3A_687 : vector<1x16xf32> to vector<16xf32>
        %swap3A_689 = vector.shape_cast %mul3A_682 : vector<16xf32> to vector<1x16xf32>
        tpu.vector_store %arg10[%swap3A_685, %swap3A_686], %swap3A_689 {strides = array<i32>} : memref<200x64xf32, #tpu.memory_space<vmem>>, vector<1x16xf32>,
        %add3A_690 = arith.constant 5 : i32
        %add3A_691 = arith.addi %mul3A_256, %add3A_690 : i32
        %add3A_692 = arith.constant 48 : i32
        %add3A_693 = arith.addi %squeeze3A_635, %add3A_692 : i32
        %get3A_694 = arith.index_cast %add3A_691 : i32 to index
        %get3A_695 = arith.index_cast %add3A_693 : i32 to index
        %get3A_696 = tpu.vector_load %arg8[%get3A_694, %get3A_695] {strides = array<i32>} : memref<200x128xf32, #tpu.memory_space<vmem>>, vector<1x16xf32>,
        %get3A_697 = vector.shape_cast %get3A_696 : vector<1x16xf32> to vector<16xf32>
        %mul3A_698 = arith.constant 8.000000e+00 : f32
        %mul3A_699 = vector.broadcast %mul3A_698 : f32 to vector<16xf32>
        %mul3A_700 = arith.mulf %get3A_697, %mul3A_699 : vector<16xf32>
        %add3A_701 = arith.constant 5 : i32
        %add3A_702 = arith.addi %mul3A_256, %add3A_701 : i32
        %swap3A_703 = arith.index_cast %add3A_702 : i32 to index
        %swap3A_704 = arith.constant 48 : index
        %swap3A_705 = tpu.vector_load %arg10[%swap3A_703, %swap3A_704] {strides = array<i32>} : memref<200x64xf32, #tpu.memory_space<vmem>>, vector<1x16xf32>,
        %swap3A_706 = vector.shape_cast %swap3A_705 : vector<1x16xf32> to vector<16xf32>
        %swap3A_707 = vector.shape_cast %mul3A_700 : vector<16xf32> to vector<1x16xf32>
        tpu.vector_store %arg10[%swap3A_703, %swap3A_704], %swap3A_707 {strides = array<i32>} : memref<200x64xf32, #tpu.memory_space<vmem>>, vector<1x16xf32>,
        %slice3A_708 = vector.extract_strided_slice %mul3A_265 {offsets = [6], sizes = [1], strides = [1]} : vector<16xi32> to vector<1xi32>
        %squeeze3A_709 = vector.extract %slice3A_708[0] : i32 from vector<1xi32>
        %add3A_710 = arith.constant 6 : i32
        %add3A_711 = arith.addi %mul3A_256, %add3A_710 : i32
        %add3A_712 = arith.constant 0 : i32
        %add3A_713 = arith.addi %squeeze3A_709, %add3A_712 : i32
        %get3A_714 = arith.index_cast %add3A_711 : i32 to index
        %get3A_715 = arith.index_cast %add3A_713 : i32 to index
        %get3A_716 = tpu.vector_load %arg8[%get3A_714, %get3A_715] {strides = array<i32>} : memref<200x128xf32, #tpu.memory_space<vmem>>, vector<1x16xf32>,
        %get3A_717 = vector.shape_cast %get3A_716 : vector<1x16xf32> to vector<16xf32>
        %mul3A_718 = arith.constant 8.000000e+00 : f32
        %mul3A_719 = vector.broadcast %mul3A_718 : f32 to vector<16xf32>
        %mul3A_720 = arith.mulf %get3A_717, %mul3A_719 : vector<16xf32>
        %add3A_721 = arith.constant 6 : i32
        %add3A_722 = arith.addi %mul3A_256, %add3A_721 : i32
        %swap3A_723 = arith.index_cast %add3A_722 : i32 to index
        %swap3A_724 = arith.constant 0 : index
        %swap3A_725 = tpu.vector_load %arg10[%swap3A_723, %swap3A_724] {strides = array<i32>} : memref<200x64xf32, #tpu.memory_space<vmem>>, vector<1x16xf32>,
        %swap3A_726 = vector.shape_cast %swap3A_725 : vector<1x16xf32> to vector<16xf32>
        %swap3A_727 = vector.shape_cast %mul3A_720 : vector<16xf32> to vector<1x16xf32>
        tpu.vector_store %arg10[%swap3A_723, %swap3A_724], %swap3A_727 {strides = array<i32>} : memref<200x64xf32, #tpu.memory_space<vmem>>, vector<1x16xf32>,
        %add3A_728 = arith.constant 6 : i32
        %add3A_729 = arith.addi %mul3A_256, %add3A_728 : i32
        %add3A_730 = arith.constant 16 : i32
        %add3A_731 = arith.addi %squeeze3A_709, %add3A_730 : i32
        %get3A_732 = arith.index_cast %add3A_729 : i32 to index
        %get3A_733 = arith.index_cast %add3A_731 : i32 to index
        %get3A_734 = tpu.vector_load %arg8[%get3A_732, %get3A_733] {strides = array<i32>} : memref<200x128xf32, #tpu.memory_space<vmem>>, vector<1x16xf32>,
        %get3A_735 = vector.shape_cast %get3A_734 : vector<1x16xf32> to vector<16xf32>
        %mul3A_736 = arith.constant 8.000000e+00 : f32
        %mul3A_737 = vector.broadcast %mul3A_736 : f32 to vector<16xf32>
        %mul3A_738 = arith.mulf %get3A_735, %mul3A_737 : vector<16xf32>
        %add3A_739 = arith.constant 6 : i32
        %add3A_740 = arith.addi %mul3A_256, %add3A_739 : i32
        %swap3A_741 = arith.index_cast %add3A_740 : i32 to index
        %swap3A_742 = arith.constant 16 : index
        %swap3A_743 = tpu.vector_load %arg10[%swap3A_741, %swap3A_742] {strides = array<i32>} : memref<200x64xf32, #tpu.memory_space<vmem>>, vector<1x16xf32>,
        %swap3A_744 = vector.shape_cast %swap3A_743 : vector<1x16xf32> to vector<16xf32>
        %swap3A_745 = vector.shape_cast %mul3A_738 : vector<16xf32> to vector<1x16xf32>
        tpu.vector_store %arg10[%swap3A_741, %swap3A_742], %swap3A_745 {strides = array<i32>} : memref<200x64xf32, #tpu.memory_space<vmem>>, vector<1x16xf32>,
        %add3A_746 = arith.constant 6 : i32
        %add3A_747 = arith.addi %mul3A_256, %add3A_746 : i32
        %add3A_748 = arith.constant 32 : i32
        %add3A_749 = arith.addi %squeeze3A_709, %add3A_748 : i32
        %get3A_750 = arith.index_cast %add3A_747 : i32 to index
        %get3A_751 = arith.index_cast %add3A_749 : i32 to index
        %get3A_752 = tpu.vector_load %arg8[%get3A_750, %get3A_751] {strides = array<i32>} : memref<200x128xf32, #tpu.memory_space<vmem>>, vector<1x16xf32>,
        %get3A_753 = vector.shape_cast %get3A_752 : vector<1x16xf32> to vector<16xf32>
        %mul3A_754 = arith.constant 8.000000e+00 : f32
        %mul3A_755 = vector.broadcast %mul3A_754 : f32 to vector<16xf32>
        %mul3A_756 = arith.mulf %get3A_753, %mul3A_755 : vector<16xf32>
        %add3A_757 = arith.constant 6 : i32
        %add3A_758 = arith.addi %mul3A_256, %add3A_757 : i32
        %swap3A_759 = arith.index_cast %add3A_758 : i32 to index
        %swap3A_760 = arith.constant 32 : index
        %swap3A_761 = tpu.vector_load %arg10[%swap3A_759, %swap3A_760] {strides = array<i32>} : memref<200x64xf32, #tpu.memory_space<vmem>>, vector<1x16xf32>,
        %swap3A_762 = vector.shape_cast %swap3A_761 : vector<1x16xf32> to vector<16xf32>
        %swap3A_763 = vector.shape_cast %mul3A_756 : vector<16xf32> to vector<1x16xf32>
        tpu.vector_store %arg10[%swap3A_759, %swap3A_760], %swap3A_763 {strides = array<i32>} : memref<200x64xf32, #tpu.memory_space<vmem>>, vector<1x16xf32>,
        %add3A_764 = arith.constant 6 : i32
        %add3A_765 = arith.addi %mul3A_256, %add3A_764 : i32
        %add3A_766 = arith.constant 48 : i32
        %add3A_767 = arith.addi %squeeze3A_709, %add3A_766 : i32
        %get3A_768 = arith.index_cast %add3A_765 : i32 to index
        %get3A_769 = arith.index_cast %add3A_767 : i32 to index
        %get3A_770 = tpu.vector_load %arg8[%get3A_768, %get3A_769] {strides = array<i32>} : memref<200x128xf32, #tpu.memory_space<vmem>>, vector<1x16xf32>,
        %get3A_771 = vector.shape_cast %get3A_770 : vector<1x16xf32> to vector<16xf32>
        %mul3A_772 = arith.constant 8.000000e+00 : f32
        %mul3A_773 = vector.broadcast %mul3A_772 : f32 to vector<16xf32>
        %mul3A_774 = arith.mulf %get3A_771, %mul3A_773 : vector<16xf32>
        %add3A_775 = arith.constant 6 : i32
        %add3A_776 = arith.addi %mul3A_256, %add3A_775 : i32
        %swap3A_777 = arith.index_cast %add3A_776 : i32 to index
        %swap3A_778 = arith.constant 48 : index
        %swap3A_779 = tpu.vector_load %arg10[%swap3A_777, %swap3A_778] {strides = array<i32>} : memref<200x64xf32, #tpu.memory_space<vmem>>, vector<1x16xf32>,
        %swap3A_780 = vector.shape_cast %swap3A_779 : vector<1x16xf32> to vector<16xf32>
        %swap3A_781 = vector.shape_cast %mul3A_774 : vector<16xf32> to vector<1x16xf32>
        tpu.vector_store %arg10[%swap3A_777, %swap3A_778], %swap3A_781 {strides = array<i32>} : memref<200x64xf32, #tpu.memory_space<vmem>>, vector<1x16xf32>,
        %slice3A_782 = vector.extract_strided_slice %mul3A_265 {offsets = [7], sizes = [1], strides = [1]} : vector<16xi32> to vector<1xi32>
        %squeeze3A_783 = vector.extract %slice3A_782[0] : i32 from vector<1xi32>
        %add3A_784 = arith.constant 7 : i32
        %add3A_785 = arith.addi %mul3A_256, %add3A_784 : i32
        %add3A_786 = arith.constant 0 : i32
        %add3A_787 = arith.addi %squeeze3A_783, %add3A_786 : i32
        %get3A_788 = arith.index_cast %add3A_785 : i32 to index
        %get3A_789 = arith.index_cast %add3A_787 : i32 to index
        %get3A_790 = tpu.vector_load %arg8[%get3A_788, %get3A_789] {strides = array<i32>} : memref<200x128xf32, #tpu.memory_space<vmem>>, vector<1x16xf32>,
        %get3A_791 = vector.shape_cast %get3A_790 : vector<1x16xf32> to vector<16xf32>
        %mul3A_792 = arith.constant 8.000000e+00 : f32
        %mul3A_793 = vector.broadcast %mul3A_792 : f32 to vector<16xf32>
        %mul3A_794 = arith.mulf %get3A_791, %mul3A_793 : vector<16xf32>
        %add3A_795 = arith.constant 7 : i32
        %add3A_796 = arith.addi %mul3A_256, %add3A_795 : i32
        %swap3A_797 = arith.index_cast %add3A_796 : i32 to index
        %swap3A_798 = arith.constant 0 : index
        %swap3A_799 = tpu.vector_load %arg10[%swap3A_797, %swap3A_798] {strides = array<i32>} : memref<200x64xf32, #tpu.memory_space<vmem>>, vector<1x16xf32>,
        %swap3A_800 = vector.shape_cast %swap3A_799 : vector<1x16xf32> to vector<16xf32>
        %swap3A_801 = vector.shape_cast %mul3A_794 : vector<16xf32> to vector<1x16xf32>
        tpu.vector_store %arg10[%swap3A_797, %swap3A_798], %swap3A_801 {strides = array<i32>} : memref<200x64xf32, #tpu.memory_space<vmem>>, vector<1x16xf32>,
        %add3A_802 = arith.constant 7 : i32
        %add3A_803 = arith.addi %mul3A_256, %add3A_802 : i32
        %add3A_804 = arith.constant 16 : i32
        %add3A_805 = arith.addi %squeeze3A_783, %add3A_804 : i32
        %get3A_806 = arith.index_cast %add3A_803 : i32 to index
        %get3A_807 = arith.index_cast %add3A_805 : i32 to index
        %get3A_808 = tpu.vector_load %arg8[%get3A_806, %get3A_807] {strides = array<i32>} : memref<200x128xf32, #tpu.memory_space<vmem>>, vector<1x16xf32>,
        %get3A_809 = vector.shape_cast %get3A_808 : vector<1x16xf32> to vector<16xf32>
        %mul3A_810 = arith.constant 8.000000e+00 : f32
        %mul3A_811 = vector.broadcast %mul3A_810 : f32 to vector<16xf32>
        %mul3A_812 = arith.mulf %get3A_809, %mul3A_811 : vector<16xf32>
        %add3A_813 = arith.constant 7 : i32
        %add3A_814 = arith.addi %mul3A_256, %add3A_813 : i32
        %swap3A_815 = arith.index_cast %add3A_814 : i32 to index
        %swap3A_816 = arith.constant 16 : index
        %swap3A_817 = tpu.vector_load %arg10[%swap3A_815, %swap3A_816] {strides = array<i32>} : memref<200x64xf32, #tpu.memory_space<vmem>>, vector<1x16xf32>,
        %swap3A_818 = vector.shape_cast %swap3A_817 : vector<1x16xf32> to vector<16xf32>
        %swap3A_819 = vector.shape_cast %mul3A_812 : vector<16xf32> to vector<1x16xf32>
        tpu.vector_store %arg10[%swap3A_815, %swap3A_816], %swap3A_819 {strides = array<i32>} : memref<200x64xf32, #tpu.memory_space<vmem>>, vector<1x16xf32>,
        %add3A_820 = arith.constant 7 : i32
        %add3A_821 = arith.addi %mul3A_256, %add3A_820 : i32
        %add3A_822 = arith.constant 32 : i32
        %add3A_823 = arith.addi %squeeze3A_783, %add3A_822 : i32
        %get3A_824 = arith.index_cast %add3A_821 : i32 to index
        %get3A_825 = arith.index_cast %add3A_823 : i32 to index
        %get3A_826 = tpu.vector_load %arg8[%get3A_824, %get3A_825] {strides = array<i32>} : memref<200x128xf32, #tpu.memory_space<vmem>>, vector<1x16xf32>,
        %get3A_827 = vector.shape_cast %get3A_826 : vector<1x16xf32> to vector<16xf32>
        %mul3A_828 = arith.constant 8.000000e+00 : f32
        %mul3A_829 = vector.broadcast %mul3A_828 : f32 to vector<16xf32>
        %mul3A_830 = arith.mulf %get3A_827, %mul3A_829 : vector<16xf32>
        %add3A_831 = arith.constant 7 : i32
        %add3A_832 = arith.addi %mul3A_256, %add3A_831 : i32
        %swap3A_833 = arith.index_cast %add3A_832 : i32 to index
        %swap3A_834 = arith.constant 32 : index
        %swap3A_835 = tpu.vector_load %arg10[%swap3A_833, %swap3A_834] {strides = array<i32>} : memref<200x64xf32, #tpu.memory_space<vmem>>, vector<1x16xf32>,
        %swap3A_836 = vector.shape_cast %swap3A_835 : vector<1x16xf32> to vector<16xf32>
        %swap3A_837 = vector.shape_cast %mul3A_830 : vector<16xf32> to vector<1x16xf32>
        tpu.vector_store %arg10[%swap3A_833, %swap3A_834], %swap3A_837 {strides = array<i32>} : memref<200x64xf32, #tpu.memory_space<vmem>>, vector<1x16xf32>,
        %add3A_838 = arith.constant 7 : i32
        %add3A_839 = arith.addi %mul3A_256, %add3A_838 : i32
        %add3A_840 = arith.constant 48 : i32
        %add3A_841 = arith.addi %squeeze3A_783, %add3A_840 : i32
        %get3A_842 = arith.index_cast %add3A_839 : i32 to index
        %get3A_843 = arith.index_cast %add3A_841 : i32 to index
        %get3A_844 = tpu.vector_load %arg8[%get3A_842, %get3A_843] {strides = array<i32>} : memref<200x128xf32, #tpu.memory_space<vmem>>, vector<1x16xf32>,
        %get3A_845 = vector.shape_cast %get3A_844 : vector<1x16xf32> to vector<16xf32>
        %mul3A_846 = arith.constant 8.000000e+00 : f32
        %mul3A_847 = vector.broadcast %mul3A_846 : f32 to vector<16xf32>
        %mul3A_848 = arith.mulf %get3A_845, %mul3A_847 : vector<16xf32>
        %add3A_849 = arith.constant 7 : i32
        %add3A_850 = arith.addi %mul3A_256, %add3A_849 : i32
        %swap3A_851 = arith.index_cast %add3A_850 : i32 to index
        %swap3A_852 = arith.constant 48 : index
        %swap3A_853 = tpu.vector_load %arg10[%swap3A_851, %swap3A_852] {strides = array<i32>} : memref<200x64xf32, #tpu.memory_space<vmem>>, vector<1x16xf32>,
        %swap3A_854 = vector.shape_cast %swap3A_853 : vector<1x16xf32> to vector<16xf32>
        %swap3A_855 = vector.shape_cast %mul3A_848 : vector<16xf32> to vector<1x16xf32>
        tpu.vector_store %arg10[%swap3A_851, %swap3A_852], %swap3A_855 {strides = array<i32>} : memref<200x64xf32, #tpu.memory_space<vmem>>, vector<1x16xf32>,
      }
      %scan3A_195 = arith.constant 25 : i32
      %add3A_196 = arith.addi %mul3A_2, %add3A_163 : i32
      %dma_start3A_197 = arith.constant 0 : i32
      %dma_start3A_198 = arith.constant 0 : i32
      %dma_start3A_199 = tpu.memref_slice %arg4[%add3A_196, %dma_start3A_197, %dma_start3A_198] : memref<4096x200x64xf32, #tpu.memory_space<hbm>> -> memref<1x200x64xf32, #tpu.memory_space<hbm>>
      %dma_start3A_200 = tpu.memref_squeeze %dma_start3A_199 : memref<1x200x64xf32, #tpu.memory_space<hbm>> -> memref<200x64xf32, #tpu.memory_space<hbm>>
      %dma_start3A_201 = arith.constant 0 : i32
      %dma_start3A_202 = arith.constant 0 : i32
      %dma_start3A_203 = tpu.memref_slice %arg4[%add3A_196, %dma_start3A_201, %dma_start3A_202] : memref<4096x200x64xf32, #tpu.memory_space<hbm>> -> memref<1x200x64xf32, #tpu.memory_space<hbm>>
      %dma_start3A_204 = tpu.memref_squeeze %dma_start3A_203 : memref<1x200x64xf32, #tpu.memory_space<hbm>> -> memref<200x64xf32, #tpu.memory_space<hbm>>
      tpu.enqueue_dma source(%arg10 : memref<200x64xf32, #tpu.memory_space<vmem>>) target(%dma_start3A_204 : memref<200x64xf32, #tpu.memory_space<hbm>>) target_semaphore(%arg14 : memref<!tpu.dma_semaphore, #tpu.memory_space<semaphore_mem>>)
      %mul3A_205 = arith.constant 2 : i32
      %mul3A_206 = arith.muli %scan3A_159, %mul3A_205 : i32
      %add3A_207 = arith.constant 1 : i32
      %add3A_208 = arith.addi %mul3A_206, %add3A_207 : i32
      %ge3A_209 = arith.constant 1 : i32
      %ge3A_210 = arith.cmpi sge, %add3A_208, %ge3A_209 : i32
      %convert_element_type3A_211 = arith.extui %ge3A_210 : i1 to i32
      %cond3A_212 = arith.constant 0 : i32
      %cond3A_213 = arith.cmpi ne, %convert_element_type3A_211, %cond3A_212 : i32
      scf.if %cond3A_213 {
        %dma_wait3A_254 = arith.constant 0 : i32
        %dma_wait3A_255 = arith.constant 0 : i32
        %dma_wait3A_256 = tpu.memref_slice %arg4[%mul3A_2, %dma_wait3A_254, %dma_wait3A_255] : memref<4096x200x64xf32, #tpu.memory_space<hbm>> -> memref<1x200x64xf32, #tpu.memory_space<hbm>>
        %dma_wait3A_257 = tpu.memref_squeeze %dma_wait3A_256 : memref<1x200x64xf32, #tpu.memory_space<hbm>> -> memref<200x64xf32, #tpu.memory_space<hbm>>
        %dma_wait3A_258 = arith.constant 0 : i32
        %dma_wait3A_259 = arith.constant 0 : i32
        %dma_wait3A_260 = tpu.memref_slice %arg4[%mul3A_2, %dma_wait3A_258, %dma_wait3A_259] : memref<4096x200x64xf32, #tpu.memory_space<hbm>> -> memref<1x200x64xf32, #tpu.memory_space<hbm>>
        %dma_wait3A_261 = tpu.memref_squeeze %dma_wait3A_260 : memref<1x200x64xf32, #tpu.memory_space<hbm>> -> memref<200x64xf32, #tpu.memory_space<hbm>>
        tpu.wait_dma2 semaphore(%arg14 : memref<!tpu.dma_semaphore, #tpu.memory_space<semaphore_mem>>) src(%arg10 : memref<200x64xf32, #tpu.memory_space<vmem>>) dst(%dma_wait3A_261 : memref<200x64xf32, #tpu.memory_space<hbm>>)
      } else {
      }
      %add3A_214 = arith.constant 1 : i32
      %add3A_215 = arith.addi %add3A_208, %add3A_214 : i32
      %lt3A_216 = arith.constant 128 : i32
      %lt3A_217 = arith.cmpi slt, %add3A_215, %lt3A_216 : i32
      %convert_element_type3A_218 = arith.extui %lt3A_217 : i1 to i32
      %cond3A_219 = arith.constant 0 : i32
      %cond3A_220 = arith.cmpi ne, %convert_element_type3A_218, %cond3A_219 : i32
      scf.if %cond3A_220 {
        %add3A_254 = arith.constant 1 : i32
        %add3A_255 = arith.addi %add3A_208, %add3A_254 : i32
        %mul3A_256 = arith.constant 200 : i32
        %mul3A_257 = arith.muli %add3A_255, %mul3A_256 : i32
        %add3A_258 = arith.constant 0 : i32
        %add3A_259 = arith.addi %mul3A_257, %add3A_258 : i32
        %get3A_260 = arith.index_cast %add3A_259 : i32 to index
        %get3A_261 = tpu.vector_load %arg5[%get3A_260] {strides = array<i32>} : memref<25616xi32, #tpu.memory_space<vmem>>, vector<16xi32>,
        %get3A_262 = vector.shape_cast %get3A_261 : vector<16xi32> to vector<16xi32>
        %shift_right_logical3A_263 = arith.constant 1 : i32
        %shift_right_logical3A_264 = vector.broadcast %shift_right_logical3A_263 : i32 to vector<16xi32>
        %shift_right_logical3A_265 = arith.shrui %get3A_262, %shift_right_logical3A_264 : vector<16xi32>
        %swap3A_266 = arith.constant 0 : index
        %swap3A_267 = tpu.vector_load %arg6[%swap3A_266] {strides = array<i32>} : memref<216xi32, #tpu.memory_space<vmem>>, vector<16xi32>,
        %swap3A_268 = vector.shape_cast %swap3A_267 : vector<16xi32> to vector<16xi32>
        %swap3A_269 = vector.shape_cast %shift_right_logical3A_265 : vector<16xi32> to vector<16xi32>
        tpu.vector_store %arg6[%swap3A_266], %swap3A_269 {strides = array<i32>} : memref<216xi32, #tpu.memory_space<vmem>>, vector<16xi32>,
        %add3A_270 = arith.constant 16 : i32
        %add3A_271 = arith.addi %mul3A_257, %add3A_270 : i32
        %get3A_272 = arith.index_cast %add3A_271 : i32 to index
        %get3A_273 = tpu.vector_load %arg5[%get3A_272] {strides = array<i32>} : memref<25616xi32, #tpu.memory_space<vmem>>, vector<16xi32>,
        %get3A_274 = vector.shape_cast %get3A_273 : vector<16xi32> to vector<16xi32>
        %shift_right_logical3A_275 = arith.constant 1 : i32
        %shift_right_logical3A_276 = vector.broadcast %shift_right_logical3A_275 : i32 to vector<16xi32>
        %shift_right_logical3A_277 = arith.shrui %get3A_274, %shift_right_logical3A_276 : vector<16xi32>
        %swap3A_278 = arith.constant 16 : index
        %swap3A_279 = tpu.vector_load %arg6[%swap3A_278] {strides = array<i32>} : memref<216xi32, #tpu.memory_space<vmem>>, vector<16xi32>,
        %swap3A_280 = vector.shape_cast %swap3A_279 : vector<16xi32> to vector<16xi32>
        %swap3A_281 = vector.shape_cast %shift_right_logical3A_277 : vector<16xi32> to vector<16xi32>
        tpu.vector_store %arg6[%swap3A_278], %swap3A_281 {strides = array<i32>} : memref<216xi32, #tpu.memory_space<vmem>>, vector<16xi32>,
        %add3A_282 = arith.constant 32 : i32
        %add3A_283 = arith.addi %mul3A_257, %add3A_282 : i32
        %get3A_284 = arith.index_cast %add3A_283 : i32 to index
        %get3A_285 = tpu.vector_load %arg5[%get3A_284] {strides = array<i32>} : memref<25616xi32, #tpu.memory_space<vmem>>, vector<16xi32>,
        %get3A_286 = vector.shape_cast %get3A_285 : vector<16xi32> to vector<16xi32>
        %shift_right_logical3A_287 = arith.constant 1 : i32
        %shift_right_logical3A_288 = vector.broadcast %shift_right_logical3A_287 : i32 to vector<16xi32>
        %shift_right_logical3A_289 = arith.shrui %get3A_286, %shift_right_logical3A_288 : vector<16xi32>
        %swap3A_290 = arith.constant 32 : index
        %swap3A_291 = tpu.vector_load %arg6[%swap3A_290] {strides = array<i32>} : memref<216xi32, #tpu.memory_space<vmem>>, vector<16xi32>,
        %swap3A_292 = vector.shape_cast %swap3A_291 : vector<16xi32> to vector<16xi32>
        %swap3A_293 = vector.shape_cast %shift_right_logical3A_289 : vector<16xi32> to vector<16xi32>
        tpu.vector_store %arg6[%swap3A_290], %swap3A_293 {strides = array<i32>} : memref<216xi32, #tpu.memory_space<vmem>>, vector<16xi32>,
        %add3A_294 = arith.constant 48 : i32
        %add3A_295 = arith.addi %mul3A_257, %add3A_294 : i32
        %get3A_296 = arith.index_cast %add3A_295 : i32 to index
        %get3A_297 = tpu.vector_load %arg5[%get3A_296] {strides = array<i32>} : memref<25616xi32, #tpu.memory_space<vmem>>, vector<16xi32>,
        %get3A_298 = vector.shape_cast %get3A_297 : vector<16xi32> to vector<16xi32>
        %shift_right_logical3A_299 = arith.constant 1 : i32
        %shift_right_logical3A_300 = vector.broadcast %shift_right_logical3A_299 : i32 to vector<16xi32>
        %shift_right_logical3A_301 = arith.shrui %get3A_298, %shift_right_logical3A_300 : vector<16xi32>
        %swap3A_302 = arith.constant 48 : index
        %swap3A_303 = tpu.vector_load %arg6[%swap3A_302] {strides = array<i32>} : memref<216xi32, #tpu.memory_space<vmem>>, vector<16xi32>,
        %swap3A_304 = vector.shape_cast %swap3A_303 : vector<16xi32> to vector<16xi32>
        %swap3A_305 = vector.shape_cast %shift_right_logical3A_301 : vector<16xi32> to vector<16xi32>
        tpu.vector_store %arg6[%swap3A_302], %swap3A_305 {strides = array<i32>} : memref<216xi32, #tpu.memory_space<vmem>>, vector<16xi32>,
        %add3A_306 = arith.constant 64 : i32
        %add3A_307 = arith.addi %mul3A_257, %add3A_306 : i32
        %get3A_308 = arith.index_cast %add3A_307 : i32 to index
        %get3A_309 = tpu.vector_load %arg5[%get3A_308] {strides = array<i32>} : memref<25616xi32, #tpu.memory_space<vmem>>, vector<16xi32>,
        %get3A_310 = vector.shape_cast %get3A_309 : vector<16xi32> to vector<16xi32>
        %shift_right_logical3A_311 = arith.constant 1 : i32
        %shift_right_logical3A_312 = vector.broadcast %shift_right_logical3A_311 : i32 to vector<16xi32>
        %shift_right_logical3A_313 = arith.shrui %get3A_310, %shift_right_logical3A_312 : vector<16xi32>
        %swap3A_314 = arith.constant 64 : index
        %swap3A_315 = tpu.vector_load %arg6[%swap3A_314] {strides = array<i32>} : memref<216xi32, #tpu.memory_space<vmem>>, vector<16xi32>,
        %swap3A_316 = vector.shape_cast %swap3A_315 : vector<16xi32> to vector<16xi32>
        %swap3A_317 = vector.shape_cast %shift_right_logical3A_313 : vector<16xi32> to vector<16xi32>
        tpu.vector_store %arg6[%swap3A_314], %swap3A_317 {strides = array<i32>} : memref<216xi32, #tpu.memory_space<vmem>>, vector<16xi32>,
        %add3A_318 = arith.constant 80 : i32
        %add3A_319 = arith.addi %mul3A_257, %add3A_318 : i32
        %get3A_320 = arith.index_cast %add3A_319 : i32 to index
        %get3A_321 = tpu.vector_load %arg5[%get3A_320] {strides = array<i32>} : memref<25616xi32, #tpu.memory_space<vmem>>, vector<16xi32>,
        %get3A_322 = vector.shape_cast %get3A_321 : vector<16xi32> to vector<16xi32>
        %shift_right_logical3A_323 = arith.constant 1 : i32
        %shift_right_logical3A_324 = vector.broadcast %shift_right_logical3A_323 : i32 to vector<16xi32>
        %shift_right_logical3A_325 = arith.shrui %get3A_322, %shift_right_logical3A_324 : vector<16xi32>
        %swap3A_326 = arith.constant 80 : index
        %swap3A_327 = tpu.vector_load %arg6[%swap3A_326] {strides = array<i32>} : memref<216xi32, #tpu.memory_space<vmem>>, vector<16xi32>,
        %swap3A_328 = vector.shape_cast %swap3A_327 : vector<16xi32> to vector<16xi32>
        %swap3A_329 = vector.shape_cast %shift_right_logical3A_325 : vector<16xi32> to vector<16xi32>
        tpu.vector_store %arg6[%swap3A_326], %swap3A_329 {strides = array<i32>} : memref<216xi32, #tpu.memory_space<vmem>>, vector<16xi32>,
        %add3A_330 = arith.constant 96 : i32
        %add3A_331 = arith.addi %mul3A_257, %add3A_330 : i32
        %get3A_332 = arith.index_cast %add3A_331 : i32 to index
        %get3A_333 = tpu.vector_load %arg5[%get3A_332] {strides = array<i32>} : memref<25616xi32, #tpu.memory_space<vmem>>, vector<16xi32>,
        %get3A_334 = vector.shape_cast %get3A_333 : vector<16xi32> to vector<16xi32>
        %shift_right_logical3A_335 = arith.constant 1 : i32
        %shift_right_logical3A_336 = vector.broadcast %shift_right_logical3A_335 : i32 to vector<16xi32>
        %shift_right_logical3A_337 = arith.shrui %get3A_334, %shift_right_logical3A_336 : vector<16xi32>
        %swap3A_338 = arith.constant 96 : index
        %swap3A_339 = tpu.vector_load %arg6[%swap3A_338] {strides = array<i32>} : memref<216xi32, #tpu.memory_space<vmem>>, vector<16xi32>,
        %swap3A_340 = vector.shape_cast %swap3A_339 : vector<16xi32> to vector<16xi32>
        %swap3A_341 = vector.shape_cast %shift_right_logical3A_337 : vector<16xi32> to vector<16xi32>
        tpu.vector_store %arg6[%swap3A_338], %swap3A_341 {strides = array<i32>} : memref<216xi32, #tpu.memory_space<vmem>>, vector<16xi32>,
        %add3A_342 = arith.constant 112 : i32
        %add3A_343 = arith.addi %mul3A_257, %add3A_342 : i32
        %get3A_344 = arith.index_cast %add3A_343 : i32 to index
        %get3A_345 = tpu.vector_load %arg5[%get3A_344] {strides = array<i32>} : memref<25616xi32, #tpu.memory_space<vmem>>, vector<16xi32>,
        %get3A_346 = vector.shape_cast %get3A_345 : vector<16xi32> to vector<16xi32>
        %shift_right_logical3A_347 = arith.constant 1 : i32
        %shift_right_logical3A_348 = vector.broadcast %shift_right_logical3A_347 : i32 to vector<16xi32>
        %shift_right_logical3A_349 = arith.shrui %get3A_346, %shift_right_logical3A_348 : vector<16xi32>
        %swap3A_350 = arith.constant 112 : index
        %swap3A_351 = tpu.vector_load %arg6[%swap3A_350] {strides = array<i32>} : memref<216xi32, #tpu.memory_space<vmem>>, vector<16xi32>,
        %swap3A_352 = vector.shape_cast %swap3A_351 : vector<16xi32> to vector<16xi32>
        %swap3A_353 = vector.shape_cast %shift_right_logical3A_349 : vector<16xi32> to vector<16xi32>
        tpu.vector_store %arg6[%swap3A_350], %swap3A_353 {strides = array<i32>} : memref<216xi32, #tpu.memory_space<vmem>>, vector<16xi32>,
        %add3A_354 = arith.constant 128 : i32
        %add3A_355 = arith.addi %mul3A_257, %add3A_354 : i32
        %get3A_356 = arith.index_cast %add3A_355 : i32 to index
        %get3A_357 = tpu.vector_load %arg5[%get3A_356] {strides = array<i32>} : memref<25616xi32, #tpu.memory_space<vmem>>, vector<16xi32>,
        %get3A_358 = vector.shape_cast %get3A_357 : vector<16xi32> to vector<16xi32>
        %shift_right_logical3A_359 = arith.constant 1 : i32
        %shift_right_logical3A_360 = vector.broadcast %shift_right_logical3A_359 : i32 to vector<16xi32>
        %shift_right_logical3A_361 = arith.shrui %get3A_358, %shift_right_logical3A_360 : vector<16xi32>
        %swap3A_362 = arith.constant 128 : index
        %swap3A_363 = tpu.vector_load %arg6[%swap3A_362] {strides = array<i32>} : memref<216xi32, #tpu.memory_space<vmem>>, vector<16xi32>,
        %swap3A_364 = vector.shape_cast %swap3A_363 : vector<16xi32> to vector<16xi32>
        %swap3A_365 = vector.shape_cast %shift_right_logical3A_361 : vector<16xi32> to vector<16xi32>
        tpu.vector_store %arg6[%swap3A_362], %swap3A_365 {strides = array<i32>} : memref<216xi32, #tpu.memory_space<vmem>>, vector<16xi32>,
        %add3A_366 = arith.constant 144 : i32
        %add3A_367 = arith.addi %mul3A_257, %add3A_366 : i32
        %get3A_368 = arith.index_cast %add3A_367 : i32 to index
        %get3A_369 = tpu.vector_load %arg5[%get3A_368] {strides = array<i32>} : memref<25616xi32, #tpu.memory_space<vmem>>, vector<16xi32>,
        %get3A_370 = vector.shape_cast %get3A_369 : vector<16xi32> to vector<16xi32>
        %shift_right_logical3A_371 = arith.constant 1 : i32
        %shift_right_logical3A_372 = vector.broadcast %shift_right_logical3A_371 : i32 to vector<16xi32>
        %shift_right_logical3A_373 = arith.shrui %get3A_370, %shift_right_logical3A_372 : vector<16xi32>
        %swap3A_374 = arith.constant 144 : index
        %swap3A_375 = tpu.vector_load %arg6[%swap3A_374] {strides = array<i32>} : memref<216xi32, #tpu.memory_space<vmem>>, vector<16xi32>,
        %swap3A_376 = vector.shape_cast %swap3A_375 : vector<16xi32> to vector<16xi32>
        %swap3A_377 = vector.shape_cast %shift_right_logical3A_373 : vector<16xi32> to vector<16xi32>
        tpu.vector_store %arg6[%swap3A_374], %swap3A_377 {strides = array<i32>} : memref<216xi32, #tpu.memory_space<vmem>>, vector<16xi32>,
        %add3A_378 = arith.constant 160 : i32
        %add3A_379 = arith.addi %mul3A_257, %add3A_378 : i32
        %get3A_380 = arith.index_cast %add3A_379 : i32 to index
        %get3A_381 = tpu.vector_load %arg5[%get3A_380] {strides = array<i32>} : memref<25616xi32, #tpu.memory_space<vmem>>, vector<16xi32>,
        %get3A_382 = vector.shape_cast %get3A_381 : vector<16xi32> to vector<16xi32>
        %shift_right_logical3A_383 = arith.constant 1 : i32
        %shift_right_logical3A_384 = vector.broadcast %shift_right_logical3A_383 : i32 to vector<16xi32>
        %shift_right_logical3A_385 = arith.shrui %get3A_382, %shift_right_logical3A_384 : vector<16xi32>
        %swap3A_386 = arith.constant 160 : index
        %swap3A_387 = tpu.vector_load %arg6[%swap3A_386] {strides = array<i32>} : memref<216xi32, #tpu.memory_space<vmem>>, vector<16xi32>,
        %swap3A_388 = vector.shape_cast %swap3A_387 : vector<16xi32> to vector<16xi32>
        %swap3A_389 = vector.shape_cast %shift_right_logical3A_385 : vector<16xi32> to vector<16xi32>
        tpu.vector_store %arg6[%swap3A_386], %swap3A_389 {strides = array<i32>} : memref<216xi32, #tpu.memory_space<vmem>>, vector<16xi32>,
        %add3A_390 = arith.constant 176 : i32
        %add3A_391 = arith.addi %mul3A_257, %add3A_390 : i32
        %get3A_392 = arith.index_cast %add3A_391 : i32 to index
        %get3A_393 = tpu.vector_load %arg5[%get3A_392] {strides = array<i32>} : memref<25616xi32, #tpu.memory_space<vmem>>, vector<16xi32>,
        %get3A_394 = vector.shape_cast %get3A_393 : vector<16xi32> to vector<16xi32>
        %shift_right_logical3A_395 = arith.constant 1 : i32
        %shift_right_logical3A_396 = vector.broadcast %shift_right_logical3A_395 : i32 to vector<16xi32>
        %shift_right_logical3A_397 = arith.shrui %get3A_394, %shift_right_logical3A_396 : vector<16xi32>
        %swap3A_398 = arith.constant 176 : index
        %swap3A_399 = tpu.vector_load %arg6[%swap3A_398] {strides = array<i32>} : memref<216xi32, #tpu.memory_space<vmem>>, vector<16xi32>,
        %swap3A_400 = vector.shape_cast %swap3A_399 : vector<16xi32> to vector<16xi32>
        %swap3A_401 = vector.shape_cast %shift_right_logical3A_397 : vector<16xi32> to vector<16xi32>
        tpu.vector_store %arg6[%swap3A_398], %swap3A_401 {strides = array<i32>} : memref<216xi32, #tpu.memory_space<vmem>>, vector<16xi32>,
        %add3A_402 = arith.constant 192 : i32
        %add3A_403 = arith.addi %mul3A_257, %add3A_402 : i32
        %get3A_404 = arith.index_cast %add3A_403 : i32 to index
        %get3A_405 = tpu.vector_load %arg5[%get3A_404] {strides = array<i32>} : memref<25616xi32, #tpu.memory_space<vmem>>, vector<16xi32>,
        %get3A_406 = vector.shape_cast %get3A_405 : vector<16xi32> to vector<16xi32>
        %shift_right_logical3A_407 = arith.constant 1 : i32
        %shift_right_logical3A_408 = vector.broadcast %shift_right_logical3A_407 : i32 to vector<16xi32>
        %shift_right_logical3A_409 = arith.shrui %get3A_406, %shift_right_logical3A_408 : vector<16xi32>
        %swap3A_410 = arith.constant 192 : index
        %swap3A_411 = tpu.vector_load %arg6[%swap3A_410] {strides = array<i32>} : memref<216xi32, #tpu.memory_space<vmem>>, vector<16xi32>,
        %swap3A_412 = vector.shape_cast %swap3A_411 : vector<16xi32> to vector<16xi32>
        %swap3A_413 = vector.shape_cast %shift_right_logical3A_409 : vector<16xi32> to vector<16xi32>
        tpu.vector_store %arg6[%swap3A_410], %swap3A_413 {strides = array<i32>} : memref<216xi32, #tpu.memory_space<vmem>>, vector<16xi32>,
        %dma_start3A_414 = arith.constant 0 : i32
        %dma_start3A_415 = arith.constant 0 : i32
        %dma_start3A_416 = tpu.memref_slice %arg8[%dma_start3A_414, %dma_start3A_415] : memref<200x128xf32, #tpu.memory_space<vmem>> -> memref<128x128xf32, #tpu.memory_space<vmem>>
        %dma_start3A_417 = arith.constant 0 : i32
        %dma_start3A_418 = tpu.memref_slice %arg6[%dma_start3A_417] : memref<216xi32, #tpu.memory_space<vmem>> -> memref<128xi32, #tpu.memory_space<vmem>>
        %dma_start3A_419 = arith.constant 0 : i32
        %dma_start3A_420 = arith.constant 0 : i32
        %dma_start3A_421 = tpu.memref_slice %arg3[%dma_start3A_419, %dma_start3A_420] : memref<500000x128xf32, #tpu.memory_space<hbm>> -> memref<500000x128xf32, #tpu.memory_space<hbm>>
        tpu.enqueue_indirect_dma source(%dma_start3A_421 : memref<500000x128xf32, #tpu.memory_space<hbm>>) target(%dma_start3A_416 : memref<128x128xf32, #tpu.memory_space<vmem>>) offsets(%dma_start3A_418 : memref<128xi32, #tpu.memory_space<vmem>>) semaphore(%arg12 : memref<!tpu.dma_semaphore, #tpu.memory_space<semaphore_mem>>)
        %dma_start3A_422 = arith.constant 128 : i32
        %dma_start3A_423 = arith.constant 0 : i32
        %dma_start3A_424 = tpu.memref_slice %arg8[%dma_start3A_422, %dma_start3A_423] : memref<200x128xf32, #tpu.memory_space<vmem>> -> memref<72x128xf32, #tpu.memory_space<vmem>>
        %dma_start3A_425 = arith.constant 128 : i32
        %dma_start3A_426 = tpu.memref_slice %arg6[%dma_start3A_425] : memref<216xi32, #tpu.memory_space<vmem>> -> memref<72xi32, #tpu.memory_space<vmem>>
        %dma_start3A_427 = arith.constant 0 : i32
        %dma_start3A_428 = arith.constant 0 : i32
        %dma_start3A_429 = tpu.memref_slice %arg3[%dma_start3A_427, %dma_start3A_428] : memref<500000x128xf32, #tpu.memory_space<hbm>> -> memref<500000x128xf32, #tpu.memory_space<hbm>>
        tpu.enqueue_indirect_dma source(%dma_start3A_429 : memref<500000x128xf32, #tpu.memory_space<hbm>>) target(%dma_start3A_424 : memref<72x128xf32, #tpu.memory_space<vmem>>) offsets(%dma_start3A_426 : memref<72xi32, #tpu.memory_space<vmem>>) semaphore(%arg12 : memref<!tpu.dma_semaphore, #tpu.memory_space<semaphore_mem>>)
      } else {
      }
      %dma_wait3A_221 = arith.constant 0 : i32
      %dma_wait3A_222 = arith.constant 0 : i32
      %dma_wait3A_223 = tpu.memref_slice %arg9[%dma_wait3A_221, %dma_wait3A_222] : memref<200x128xf32, #tpu.memory_space<vmem>> -> memref<128x128xf32, #tpu.memory_space<vmem>>
      %dma_wait3A_224 = arith.constant 0 : i32
      %dma_wait3A_225 = tpu.memref_slice %arg7[%dma_wait3A_224] : memref<216xi32, #tpu.memory_space<vmem>> -> memref<128xi32, #tpu.memory_space<vmem>>
      %dma_wait3A_226 = arith.constant 0 : i32
      %dma_wait3A_227 = arith.constant 0 : i32
      %dma_wait3A_228 = tpu.memref_slice %arg3[%dma_wait3A_226, %dma_wait3A_227] : memref<500000x128xf32, #tpu.memory_space<hbm>> -> memref<500000x128xf32, #tpu.memory_space<hbm>>
      tpu.wait_indirect_dma semaphore(%arg13 : memref<!tpu.dma_semaphore, #tpu.memory_space<semaphore_mem>>) src(%dma_wait3A_228 : memref<500000x128xf32, #tpu.memory_space<hbm>>) dst(%dma_wait3A_223 : memref<128x128xf32, #tpu.memory_space<vmem>>)
      %dma_wait3A_229 = arith.constant 128 : i32
      %dma_wait3A_230 = arith.constant 0 : i32
      %dma_wait3A_231 = tpu.memref_slice %arg9[%dma_wait3A_229, %dma_wait3A_230] : memref<200x128xf32, #tpu.memory_space<vmem>> -> memref<72x128xf32, #tpu.memory_space<vmem>>
      %dma_wait3A_232 = arith.constant 128 : i32
      %dma_wait3A_233 = tpu.memref_slice %arg7[%dma_wait3A_232] : memref<216xi32, #tpu.memory_space<vmem>> -> memref<72xi32, #tpu.memory_space<vmem>>
      %dma_wait3A_234 = arith.constant 0 : i32
      %dma_wait3A_235 = arith.constant 0 : i32
      %dma_wait3A_236 = tpu.memref_slice %arg3[%dma_wait3A_234, %dma_wait3A_235] : memref<500000x128xf32, #tpu.memory_space<hbm>> -> memref<500000x128xf32, #tpu.memory_space<hbm>>
      tpu.wait_indirect_dma semaphore(%arg13 : memref<!tpu.dma_semaphore, #tpu.memory_space<semaphore_mem>>) src(%dma_wait3A_236 : memref<500000x128xf32, #tpu.memory_space<hbm>>) dst(%dma_wait3A_231 : memref<72x128xf32, #tpu.memory_space<vmem>>)
      %mul3A_237 = arith.constant 200 : i32
      %mul3A_238 = arith.muli %add3A_208, %mul3A_237 : i32
      %scan3A_239 = arith.constant 0 : i32
      %scan3A_240 = arith.constant 0 : i32
      %scan3A_241 = arith.constant 25 : i32
      %scan3A_242 = arith.addi %scan3A_240, %scan3A_241 : i32
      %scan3A_243 = arith.constant 1 : i32
      scf.for %scan3A_254 = %scan3A_240 to %scan3A_242 step %scan3A_243  : i32 {
        %mul3A_255 = arith.constant 8 : i32
        %mul3A_256 = arith.muli %scan3A_254, %mul3A_255 : i32
        %add3A_257 = arith.addi %mul3A_238, %mul3A_256 : i32
        %get3A_258 = arith.index_cast %add3A_257 : i32 to index
        %get3A_259 = tpu.vector_load %arg5[%get3A_258] {strides = array<i32>} : memref<25616xi32, #tpu.memory_space<vmem>>, vector<16xi32>,
        %get3A_260 = vector.shape_cast %get3A_259 : vector<16xi32> to vector<16xi32>
        %and3A = arith.constant 1 : i32
        %and3A_261 = vector.broadcast %and3A : i32 to vector<16xi32>
        %and3A_262 = arith.andi %get3A_260, %and3A_261 : vector<16xi32>
        %mul3A_263 = arith.constant 64 : i32
        %mul3A_264 = vector.broadcast %mul3A_263 : i32 to vector<16xi32>
        %mul3A_265 = arith.muli %and3A_262, %mul3A_264 : vector<16xi32>
        %slice3A = vector.extract_strided_slice %mul3A_265 {offsets = [0], sizes = [1], strides = [1]} : vector<16xi32> to vector<1xi32>
        %squeeze3A = vector.extract %slice3A[0] : i32 from vector<1xi32>
        %add3A_266 = arith.constant 0 : i32
        %add3A_267 = arith.addi %mul3A_256, %add3A_266 : i32
        %add3A_268 = arith.constant 0 : i32
        %add3A_269 = arith.addi %squeeze3A, %add3A_268 : i32
        %get3A_270 = arith.index_cast %add3A_267 : i32 to index
        %get3A_271 = arith.index_cast %add3A_269 : i32 to index
        %get3A_272 = tpu.vector_load %arg9[%get3A_270, %get3A_271] {strides = array<i32>} : memref<200x128xf32, #tpu.memory_space<vmem>>, vector<1x16xf32>,
        %get3A_273 = vector.shape_cast %get3A_272 : vector<1x16xf32> to vector<16xf32>
        %mul3A_274 = arith.constant 8.000000e+00 : f32
        %mul3A_275 = vector.broadcast %mul3A_274 : f32 to vector<16xf32>
        %mul3A_276 = arith.mulf %get3A_273, %mul3A_275 : vector<16xf32>
        %add3A_277 = arith.constant 0 : i32
        %add3A_278 = arith.addi %mul3A_256, %add3A_277 : i32
        %swap3A_279 = arith.index_cast %add3A_278 : i32 to index
        %swap3A_280 = arith.constant 0 : index
        %swap3A_281 = tpu.vector_load %arg11[%swap3A_279, %swap3A_280] {strides = array<i32>} : memref<200x64xf32, #tpu.memory_space<vmem>>, vector<1x16xf32>,
        %swap3A_282 = vector.shape_cast %swap3A_281 : vector<1x16xf32> to vector<16xf32>
        %swap3A_283 = vector.shape_cast %mul3A_276 : vector<16xf32> to vector<1x16xf32>
        tpu.vector_store %arg11[%swap3A_279, %swap3A_280], %swap3A_283 {strides = array<i32>} : memref<200x64xf32, #tpu.memory_space<vmem>>, vector<1x16xf32>,
        %add3A_284 = arith.constant 0 : i32
        %add3A_285 = arith.addi %mul3A_256, %add3A_284 : i32
        %add3A_286 = arith.constant 16 : i32
        %add3A_287 = arith.addi %squeeze3A, %add3A_286 : i32
        %get3A_288 = arith.index_cast %add3A_285 : i32 to index
        %get3A_289 = arith.index_cast %add3A_287 : i32 to index
        %get3A_290 = tpu.vector_load %arg9[%get3A_288, %get3A_289] {strides = array<i32>} : memref<200x128xf32, #tpu.memory_space<vmem>>, vector<1x16xf32>,
        %get3A_291 = vector.shape_cast %get3A_290 : vector<1x16xf32> to vector<16xf32>
        %mul3A_292 = arith.constant 8.000000e+00 : f32
        %mul3A_293 = vector.broadcast %mul3A_292 : f32 to vector<16xf32>
        %mul3A_294 = arith.mulf %get3A_291, %mul3A_293 : vector<16xf32>
        %add3A_295 = arith.constant 0 : i32
        %add3A_296 = arith.addi %mul3A_256, %add3A_295 : i32
        %swap3A_297 = arith.index_cast %add3A_296 : i32 to index
        %swap3A_298 = arith.constant 16 : index
        %swap3A_299 = tpu.vector_load %arg11[%swap3A_297, %swap3A_298] {strides = array<i32>} : memref<200x64xf32, #tpu.memory_space<vmem>>, vector<1x16xf32>,
        %swap3A_300 = vector.shape_cast %swap3A_299 : vector<1x16xf32> to vector<16xf32>
        %swap3A_301 = vector.shape_cast %mul3A_294 : vector<16xf32> to vector<1x16xf32>
        tpu.vector_store %arg11[%swap3A_297, %swap3A_298], %swap3A_301 {strides = array<i32>} : memref<200x64xf32, #tpu.memory_space<vmem>>, vector<1x16xf32>,
        %add3A_302 = arith.constant 0 : i32
        %add3A_303 = arith.addi %mul3A_256, %add3A_302 : i32
        %add3A_304 = arith.constant 32 : i32
        %add3A_305 = arith.addi %squeeze3A, %add3A_304 : i32
        %get3A_306 = arith.index_cast %add3A_303 : i32 to index
        %get3A_307 = arith.index_cast %add3A_305 : i32 to index
        %get3A_308 = tpu.vector_load %arg9[%get3A_306, %get3A_307] {strides = array<i32>} : memref<200x128xf32, #tpu.memory_space<vmem>>, vector<1x16xf32>,
        %get3A_309 = vector.shape_cast %get3A_308 : vector<1x16xf32> to vector<16xf32>
        %mul3A_310 = arith.constant 8.000000e+00 : f32
        %mul3A_311 = vector.broadcast %mul3A_310 : f32 to vector<16xf32>
        %mul3A_312 = arith.mulf %get3A_309, %mul3A_311 : vector<16xf32>
        %add3A_313 = arith.constant 0 : i32
        %add3A_314 = arith.addi %mul3A_256, %add3A_313 : i32
        %swap3A_315 = arith.index_cast %add3A_314 : i32 to index
        %swap3A_316 = arith.constant 32 : index
        %swap3A_317 = tpu.vector_load %arg11[%swap3A_315, %swap3A_316] {strides = array<i32>} : memref<200x64xf32, #tpu.memory_space<vmem>>, vector<1x16xf32>,
        %swap3A_318 = vector.shape_cast %swap3A_317 : vector<1x16xf32> to vector<16xf32>
        %swap3A_319 = vector.shape_cast %mul3A_312 : vector<16xf32> to vector<1x16xf32>
        tpu.vector_store %arg11[%swap3A_315, %swap3A_316], %swap3A_319 {strides = array<i32>} : memref<200x64xf32, #tpu.memory_space<vmem>>, vector<1x16xf32>,
        %add3A_320 = arith.constant 0 : i32
        %add3A_321 = arith.addi %mul3A_256, %add3A_320 : i32
        %add3A_322 = arith.constant 48 : i32
        %add3A_323 = arith.addi %squeeze3A, %add3A_322 : i32
        %get3A_324 = arith.index_cast %add3A_321 : i32 to index
        %get3A_325 = arith.index_cast %add3A_323 : i32 to index
        %get3A_326 = tpu.vector_load %arg9[%get3A_324, %get3A_325] {strides = array<i32>} : memref<200x128xf32, #tpu.memory_space<vmem>>, vector<1x16xf32>,
        %get3A_327 = vector.shape_cast %get3A_326 : vector<1x16xf32> to vector<16xf32>
        %mul3A_328 = arith.constant 8.000000e+00 : f32
        %mul3A_329 = vector.broadcast %mul3A_328 : f32 to vector<16xf32>
        %mul3A_330 = arith.mulf %get3A_327, %mul3A_329 : vector<16xf32>
        %add3A_331 = arith.constant 0 : i32
        %add3A_332 = arith.addi %mul3A_256, %add3A_331 : i32
        %swap3A_333 = arith.index_cast %add3A_332 : i32 to index
        %swap3A_334 = arith.constant 48 : index
        %swap3A_335 = tpu.vector_load %arg11[%swap3A_333, %swap3A_334] {strides = array<i32>} : memref<200x64xf32, #tpu.memory_space<vmem>>, vector<1x16xf32>,
        %swap3A_336 = vector.shape_cast %swap3A_335 : vector<1x16xf32> to vector<16xf32>
        %swap3A_337 = vector.shape_cast %mul3A_330 : vector<16xf32> to vector<1x16xf32>
        tpu.vector_store %arg11[%swap3A_333, %swap3A_334], %swap3A_337 {strides = array<i32>} : memref<200x64xf32, #tpu.memory_space<vmem>>, vector<1x16xf32>,
        %slice3A_338 = vector.extract_strided_slice %mul3A_265 {offsets = [1], sizes = [1], strides = [1]} : vector<16xi32> to vector<1xi32>
        %squeeze3A_339 = vector.extract %slice3A_338[0] : i32 from vector<1xi32>
        %add3A_340 = arith.constant 1 : i32
        %add3A_341 = arith.addi %mul3A_256, %add3A_340 : i32
        %add3A_342 = arith.constant 0 : i32
        %add3A_343 = arith.addi %squeeze3A_339, %add3A_342 : i32
        %get3A_344 = arith.index_cast %add3A_341 : i32 to index
        %get3A_345 = arith.index_cast %add3A_343 : i32 to index
        %get3A_346 = tpu.vector_load %arg9[%get3A_344, %get3A_345] {strides = array<i32>} : memref<200x128xf32, #tpu.memory_space<vmem>>, vector<1x16xf32>,
        %get3A_347 = vector.shape_cast %get3A_346 : vector<1x16xf32> to vector<16xf32>
        %mul3A_348 = arith.constant 8.000000e+00 : f32
        %mul3A_349 = vector.broadcast %mul3A_348 : f32 to vector<16xf32>
        %mul3A_350 = arith.mulf %get3A_347, %mul3A_349 : vector<16xf32>
        %add3A_351 = arith.constant 1 : i32
        %add3A_352 = arith.addi %mul3A_256, %add3A_351 : i32
        %swap3A_353 = arith.index_cast %add3A_352 : i32 to index
        %swap3A_354 = arith.constant 0 : index
        %swap3A_355 = tpu.vector_load %arg11[%swap3A_353, %swap3A_354] {strides = array<i32>} : memref<200x64xf32, #tpu.memory_space<vmem>>, vector<1x16xf32>,
        %swap3A_356 = vector.shape_cast %swap3A_355 : vector<1x16xf32> to vector<16xf32>
        %swap3A_357 = vector.shape_cast %mul3A_350 : vector<16xf32> to vector<1x16xf32>
        tpu.vector_store %arg11[%swap3A_353, %swap3A_354], %swap3A_357 {strides = array<i32>} : memref<200x64xf32, #tpu.memory_space<vmem>>, vector<1x16xf32>,
        %add3A_358 = arith.constant 1 : i32
        %add3A_359 = arith.addi %mul3A_256, %add3A_358 : i32
        %add3A_360 = arith.constant 16 : i32
        %add3A_361 = arith.addi %squeeze3A_339, %add3A_360 : i32
        %get3A_362 = arith.index_cast %add3A_359 : i32 to index
        %get3A_363 = arith.index_cast %add3A_361 : i32 to index
        %get3A_364 = tpu.vector_load %arg9[%get3A_362, %get3A_363] {strides = array<i32>} : memref<200x128xf32, #tpu.memory_space<vmem>>, vector<1x16xf32>,
        %get3A_365 = vector.shape_cast %get3A_364 : vector<1x16xf32> to vector<16xf32>
        %mul3A_366 = arith.constant 8.000000e+00 : f32
        %mul3A_367 = vector.broadcast %mul3A_366 : f32 to vector<16xf32>
        %mul3A_368 = arith.mulf %get3A_365, %mul3A_367 : vector<16xf32>
        %add3A_369 = arith.constant 1 : i32
        %add3A_370 = arith.addi %mul3A_256, %add3A_369 : i32
        %swap3A_371 = arith.index_cast %add3A_370 : i32 to index
        %swap3A_372 = arith.constant 16 : index
        %swap3A_373 = tpu.vector_load %arg11[%swap3A_371, %swap3A_372] {strides = array<i32>} : memref<200x64xf32, #tpu.memory_space<vmem>>, vector<1x16xf32>,
        %swap3A_374 = vector.shape_cast %swap3A_373 : vector<1x16xf32> to vector<16xf32>
        %swap3A_375 = vector.shape_cast %mul3A_368 : vector<16xf32> to vector<1x16xf32>
        tpu.vector_store %arg11[%swap3A_371, %swap3A_372], %swap3A_375 {strides = array<i32>} : memref<200x64xf32, #tpu.memory_space<vmem>>, vector<1x16xf32>,
        %add3A_376 = arith.constant 1 : i32
        %add3A_377 = arith.addi %mul3A_256, %add3A_376 : i32
        %add3A_378 = arith.constant 32 : i32
        %add3A_379 = arith.addi %squeeze3A_339, %add3A_378 : i32
        %get3A_380 = arith.index_cast %add3A_377 : i32 to index
        %get3A_381 = arith.index_cast %add3A_379 : i32 to index
        %get3A_382 = tpu.vector_load %arg9[%get3A_380, %get3A_381] {strides = array<i32>} : memref<200x128xf32, #tpu.memory_space<vmem>>, vector<1x16xf32>,
        %get3A_383 = vector.shape_cast %get3A_382 : vector<1x16xf32> to vector<16xf32>
        %mul3A_384 = arith.constant 8.000000e+00 : f32
        %mul3A_385 = vector.broadcast %mul3A_384 : f32 to vector<16xf32>
        %mul3A_386 = arith.mulf %get3A_383, %mul3A_385 : vector<16xf32>
        %add3A_387 = arith.constant 1 : i32
        %add3A_388 = arith.addi %mul3A_256, %add3A_387 : i32
        %swap3A_389 = arith.index_cast %add3A_388 : i32 to index
        %swap3A_390 = arith.constant 32 : index
        %swap3A_391 = tpu.vector_load %arg11[%swap3A_389, %swap3A_390] {strides = array<i32>} : memref<200x64xf32, #tpu.memory_space<vmem>>, vector<1x16xf32>,
        %swap3A_392 = vector.shape_cast %swap3A_391 : vector<1x16xf32> to vector<16xf32>
        %swap3A_393 = vector.shape_cast %mul3A_386 : vector<16xf32> to vector<1x16xf32>
        tpu.vector_store %arg11[%swap3A_389, %swap3A_390], %swap3A_393 {strides = array<i32>} : memref<200x64xf32, #tpu.memory_space<vmem>>, vector<1x16xf32>,
        %add3A_394 = arith.constant 1 : i32
        %add3A_395 = arith.addi %mul3A_256, %add3A_394 : i32
        %add3A_396 = arith.constant 48 : i32
        %add3A_397 = arith.addi %squeeze3A_339, %add3A_396 : i32
        %get3A_398 = arith.index_cast %add3A_395 : i32 to index
        %get3A_399 = arith.index_cast %add3A_397 : i32 to index
        %get3A_400 = tpu.vector_load %arg9[%get3A_398, %get3A_399] {strides = array<i32>} : memref<200x128xf32, #tpu.memory_space<vmem>>, vector<1x16xf32>,
        %get3A_401 = vector.shape_cast %get3A_400 : vector<1x16xf32> to vector<16xf32>
        %mul3A_402 = arith.constant 8.000000e+00 : f32
        %mul3A_403 = vector.broadcast %mul3A_402 : f32 to vector<16xf32>
        %mul3A_404 = arith.mulf %get3A_401, %mul3A_403 : vector<16xf32>
        %add3A_405 = arith.constant 1 : i32
        %add3A_406 = arith.addi %mul3A_256, %add3A_405 : i32
        %swap3A_407 = arith.index_cast %add3A_406 : i32 to index
        %swap3A_408 = arith.constant 48 : index
        %swap3A_409 = tpu.vector_load %arg11[%swap3A_407, %swap3A_408] {strides = array<i32>} : memref<200x64xf32, #tpu.memory_space<vmem>>, vector<1x16xf32>,
        %swap3A_410 = vector.shape_cast %swap3A_409 : vector<1x16xf32> to vector<16xf32>
        %swap3A_411 = vector.shape_cast %mul3A_404 : vector<16xf32> to vector<1x16xf32>
        tpu.vector_store %arg11[%swap3A_407, %swap3A_408], %swap3A_411 {strides = array<i32>} : memref<200x64xf32, #tpu.memory_space<vmem>>, vector<1x16xf32>,
        %slice3A_412 = vector.extract_strided_slice %mul3A_265 {offsets = [2], sizes = [1], strides = [1]} : vector<16xi32> to vector<1xi32>
        %squeeze3A_413 = vector.extract %slice3A_412[0] : i32 from vector<1xi32>
        %add3A_414 = arith.constant 2 : i32
        %add3A_415 = arith.addi %mul3A_256, %add3A_414 : i32
        %add3A_416 = arith.constant 0 : i32
        %add3A_417 = arith.addi %squeeze3A_413, %add3A_416 : i32
        %get3A_418 = arith.index_cast %add3A_415 : i32 to index
        %get3A_419 = arith.index_cast %add3A_417 : i32 to index
        %get3A_420 = tpu.vector_load %arg9[%get3A_418, %get3A_419] {strides = array<i32>} : memref<200x128xf32, #tpu.memory_space<vmem>>, vector<1x16xf32>,
        %get3A_421 = vector.shape_cast %get3A_420 : vector<1x16xf32> to vector<16xf32>
        %mul3A_422 = arith.constant 8.000000e+00 : f32
        %mul3A_423 = vector.broadcast %mul3A_422 : f32 to vector<16xf32>
        %mul3A_424 = arith.mulf %get3A_421, %mul3A_423 : vector<16xf32>
        %add3A_425 = arith.constant 2 : i32
        %add3A_426 = arith.addi %mul3A_256, %add3A_425 : i32
        %swap3A_427 = arith.index_cast %add3A_426 : i32 to index
        %swap3A_428 = arith.constant 0 : index
        %swap3A_429 = tpu.vector_load %arg11[%swap3A_427, %swap3A_428] {strides = array<i32>} : memref<200x64xf32, #tpu.memory_space<vmem>>, vector<1x16xf32>,
        %swap3A_430 = vector.shape_cast %swap3A_429 : vector<1x16xf32> to vector<16xf32>
        %swap3A_431 = vector.shape_cast %mul3A_424 : vector<16xf32> to vector<1x16xf32>
        tpu.vector_store %arg11[%swap3A_427, %swap3A_428], %swap3A_431 {strides = array<i32>} : memref<200x64xf32, #tpu.memory_space<vmem>>, vector<1x16xf32>,
        %add3A_432 = arith.constant 2 : i32
        %add3A_433 = arith.addi %mul3A_256, %add3A_432 : i32
        %add3A_434 = arith.constant 16 : i32
        %add3A_435 = arith.addi %squeeze3A_413, %add3A_434 : i32
        %get3A_436 = arith.index_cast %add3A_433 : i32 to index
        %get3A_437 = arith.index_cast %add3A_435 : i32 to index
        %get3A_438 = tpu.vector_load %arg9[%get3A_436, %get3A_437] {strides = array<i32>} : memref<200x128xf32, #tpu.memory_space<vmem>>, vector<1x16xf32>,
        %get3A_439 = vector.shape_cast %get3A_438 : vector<1x16xf32> to vector<16xf32>
        %mul3A_440 = arith.constant 8.000000e+00 : f32
        %mul3A_441 = vector.broadcast %mul3A_440 : f32 to vector<16xf32>
        %mul3A_442 = arith.mulf %get3A_439, %mul3A_441 : vector<16xf32>
        %add3A_443 = arith.constant 2 : i32
        %add3A_444 = arith.addi %mul3A_256, %add3A_443 : i32
        %swap3A_445 = arith.index_cast %add3A_444 : i32 to index
        %swap3A_446 = arith.constant 16 : index
        %swap3A_447 = tpu.vector_load %arg11[%swap3A_445, %swap3A_446] {strides = array<i32>} : memref<200x64xf32, #tpu.memory_space<vmem>>, vector<1x16xf32>,
        %swap3A_448 = vector.shape_cast %swap3A_447 : vector<1x16xf32> to vector<16xf32>
        %swap3A_449 = vector.shape_cast %mul3A_442 : vector<16xf32> to vector<1x16xf32>
        tpu.vector_store %arg11[%swap3A_445, %swap3A_446], %swap3A_449 {strides = array<i32>} : memref<200x64xf32, #tpu.memory_space<vmem>>, vector<1x16xf32>,
        %add3A_450 = arith.constant 2 : i32
        %add3A_451 = arith.addi %mul3A_256, %add3A_450 : i32
        %add3A_452 = arith.constant 32 : i32
        %add3A_453 = arith.addi %squeeze3A_413, %add3A_452 : i32
        %get3A_454 = arith.index_cast %add3A_451 : i32 to index
        %get3A_455 = arith.index_cast %add3A_453 : i32 to index
        %get3A_456 = tpu.vector_load %arg9[%get3A_454, %get3A_455] {strides = array<i32>} : memref<200x128xf32, #tpu.memory_space<vmem>>, vector<1x16xf32>,
        %get3A_457 = vector.shape_cast %get3A_456 : vector<1x16xf32> to vector<16xf32>
        %mul3A_458 = arith.constant 8.000000e+00 : f32
        %mul3A_459 = vector.broadcast %mul3A_458 : f32 to vector<16xf32>
        %mul3A_460 = arith.mulf %get3A_457, %mul3A_459 : vector<16xf32>
        %add3A_461 = arith.constant 2 : i32
        %add3A_462 = arith.addi %mul3A_256, %add3A_461 : i32
        %swap3A_463 = arith.index_cast %add3A_462 : i32 to index
        %swap3A_464 = arith.constant 32 : index
        %swap3A_465 = tpu.vector_load %arg11[%swap3A_463, %swap3A_464] {strides = array<i32>} : memref<200x64xf32, #tpu.memory_space<vmem>>, vector<1x16xf32>,
        %swap3A_466 = vector.shape_cast %swap3A_465 : vector<1x16xf32> to vector<16xf32>
        %swap3A_467 = vector.shape_cast %mul3A_460 : vector<16xf32> to vector<1x16xf32>
        tpu.vector_store %arg11[%swap3A_463, %swap3A_464], %swap3A_467 {strides = array<i32>} : memref<200x64xf32, #tpu.memory_space<vmem>>, vector<1x16xf32>,
        %add3A_468 = arith.constant 2 : i32
        %add3A_469 = arith.addi %mul3A_256, %add3A_468 : i32
        %add3A_470 = arith.constant 48 : i32
        %add3A_471 = arith.addi %squeeze3A_413, %add3A_470 : i32
        %get3A_472 = arith.index_cast %add3A_469 : i32 to index
        %get3A_473 = arith.index_cast %add3A_471 : i32 to index
        %get3A_474 = tpu.vector_load %arg9[%get3A_472, %get3A_473] {strides = array<i32>} : memref<200x128xf32, #tpu.memory_space<vmem>>, vector<1x16xf32>,
        %get3A_475 = vector.shape_cast %get3A_474 : vector<1x16xf32> to vector<16xf32>
        %mul3A_476 = arith.constant 8.000000e+00 : f32
        %mul3A_477 = vector.broadcast %mul3A_476 : f32 to vector<16xf32>
        %mul3A_478 = arith.mulf %get3A_475, %mul3A_477 : vector<16xf32>
        %add3A_479 = arith.constant 2 : i32
        %add3A_480 = arith.addi %mul3A_256, %add3A_479 : i32
        %swap3A_481 = arith.index_cast %add3A_480 : i32 to index
        %swap3A_482 = arith.constant 48 : index
        %swap3A_483 = tpu.vector_load %arg11[%swap3A_481, %swap3A_482] {strides = array<i32>} : memref<200x64xf32, #tpu.memory_space<vmem>>, vector<1x16xf32>,
        %swap3A_484 = vector.shape_cast %swap3A_483 : vector<1x16xf32> to vector<16xf32>
        %swap3A_485 = vector.shape_cast %mul3A_478 : vector<16xf32> to vector<1x16xf32>
        tpu.vector_store %arg11[%swap3A_481, %swap3A_482], %swap3A_485 {strides = array<i32>} : memref<200x64xf32, #tpu.memory_space<vmem>>, vector<1x16xf32>,
        %slice3A_486 = vector.extract_strided_slice %mul3A_265 {offsets = [3], sizes = [1], strides = [1]} : vector<16xi32> to vector<1xi32>
        %squeeze3A_487 = vector.extract %slice3A_486[0] : i32 from vector<1xi32>
        %add3A_488 = arith.constant 3 : i32
        %add3A_489 = arith.addi %mul3A_256, %add3A_488 : i32
        %add3A_490 = arith.constant 0 : i32
        %add3A_491 = arith.addi %squeeze3A_487, %add3A_490 : i32
        %get3A_492 = arith.index_cast %add3A_489 : i32 to index
        %get3A_493 = arith.index_cast %add3A_491 : i32 to index
        %get3A_494 = tpu.vector_load %arg9[%get3A_492, %get3A_493] {strides = array<i32>} : memref<200x128xf32, #tpu.memory_space<vmem>>, vector<1x16xf32>,
        %get3A_495 = vector.shape_cast %get3A_494 : vector<1x16xf32> to vector<16xf32>
        %mul3A_496 = arith.constant 8.000000e+00 : f32
        %mul3A_497 = vector.broadcast %mul3A_496 : f32 to vector<16xf32>
        %mul3A_498 = arith.mulf %get3A_495, %mul3A_497 : vector<16xf32>
        %add3A_499 = arith.constant 3 : i32
        %add3A_500 = arith.addi %mul3A_256, %add3A_499 : i32
        %swap3A_501 = arith.index_cast %add3A_500 : i32 to index
        %swap3A_502 = arith.constant 0 : index
        %swap3A_503 = tpu.vector_load %arg11[%swap3A_501, %swap3A_502] {strides = array<i32>} : memref<200x64xf32, #tpu.memory_space<vmem>>, vector<1x16xf32>,
        %swap3A_504 = vector.shape_cast %swap3A_503 : vector<1x16xf32> to vector<16xf32>
        %swap3A_505 = vector.shape_cast %mul3A_498 : vector<16xf32> to vector<1x16xf32>
        tpu.vector_store %arg11[%swap3A_501, %swap3A_502], %swap3A_505 {strides = array<i32>} : memref<200x64xf32, #tpu.memory_space<vmem>>, vector<1x16xf32>,
        %add3A_506 = arith.constant 3 : i32
        %add3A_507 = arith.addi %mul3A_256, %add3A_506 : i32
        %add3A_508 = arith.constant 16 : i32
        %add3A_509 = arith.addi %squeeze3A_487, %add3A_508 : i32
        %get3A_510 = arith.index_cast %add3A_507 : i32 to index
        %get3A_511 = arith.index_cast %add3A_509 : i32 to index
        %get3A_512 = tpu.vector_load %arg9[%get3A_510, %get3A_511] {strides = array<i32>} : memref<200x128xf32, #tpu.memory_space<vmem>>, vector<1x16xf32>,
        %get3A_513 = vector.shape_cast %get3A_512 : vector<1x16xf32> to vector<16xf32>
        %mul3A_514 = arith.constant 8.000000e+00 : f32
        %mul3A_515 = vector.broadcast %mul3A_514 : f32 to vector<16xf32>
        %mul3A_516 = arith.mulf %get3A_513, %mul3A_515 : vector<16xf32>
        %add3A_517 = arith.constant 3 : i32
        %add3A_518 = arith.addi %mul3A_256, %add3A_517 : i32
        %swap3A_519 = arith.index_cast %add3A_518 : i32 to index
        %swap3A_520 = arith.constant 16 : index
        %swap3A_521 = tpu.vector_load %arg11[%swap3A_519, %swap3A_520] {strides = array<i32>} : memref<200x64xf32, #tpu.memory_space<vmem>>, vector<1x16xf32>,
        %swap3A_522 = vector.shape_cast %swap3A_521 : vector<1x16xf32> to vector<16xf32>
        %swap3A_523 = vector.shape_cast %mul3A_516 : vector<16xf32> to vector<1x16xf32>
        tpu.vector_store %arg11[%swap3A_519, %swap3A_520], %swap3A_523 {strides = array<i32>} : memref<200x64xf32, #tpu.memory_space<vmem>>, vector<1x16xf32>,
        %add3A_524 = arith.constant 3 : i32
        %add3A_525 = arith.addi %mul3A_256, %add3A_524 : i32
        %add3A_526 = arith.constant 32 : i32
        %add3A_527 = arith.addi %squeeze3A_487, %add3A_526 : i32
        %get3A_528 = arith.index_cast %add3A_525 : i32 to index
        %get3A_529 = arith.index_cast %add3A_527 : i32 to index
        %get3A_530 = tpu.vector_load %arg9[%get3A_528, %get3A_529] {strides = array<i32>} : memref<200x128xf32, #tpu.memory_space<vmem>>, vector<1x16xf32>,
        %get3A_531 = vector.shape_cast %get3A_530 : vector<1x16xf32> to vector<16xf32>
        %mul3A_532 = arith.constant 8.000000e+00 : f32
        %mul3A_533 = vector.broadcast %mul3A_532 : f32 to vector<16xf32>
        %mul3A_534 = arith.mulf %get3A_531, %mul3A_533 : vector<16xf32>
        %add3A_535 = arith.constant 3 : i32
        %add3A_536 = arith.addi %mul3A_256, %add3A_535 : i32
        %swap3A_537 = arith.index_cast %add3A_536 : i32 to index
        %swap3A_538 = arith.constant 32 : index
        %swap3A_539 = tpu.vector_load %arg11[%swap3A_537, %swap3A_538] {strides = array<i32>} : memref<200x64xf32, #tpu.memory_space<vmem>>, vector<1x16xf32>,
        %swap3A_540 = vector.shape_cast %swap3A_539 : vector<1x16xf32> to vector<16xf32>
        %swap3A_541 = vector.shape_cast %mul3A_534 : vector<16xf32> to vector<1x16xf32>
        tpu.vector_store %arg11[%swap3A_537, %swap3A_538], %swap3A_541 {strides = array<i32>} : memref<200x64xf32, #tpu.memory_space<vmem>>, vector<1x16xf32>,
        %add3A_542 = arith.constant 3 : i32
        %add3A_543 = arith.addi %mul3A_256, %add3A_542 : i32
        %add3A_544 = arith.constant 48 : i32
        %add3A_545 = arith.addi %squeeze3A_487, %add3A_544 : i32
        %get3A_546 = arith.index_cast %add3A_543 : i32 to index
        %get3A_547 = arith.index_cast %add3A_545 : i32 to index
        %get3A_548 = tpu.vector_load %arg9[%get3A_546, %get3A_547] {strides = array<i32>} : memref<200x128xf32, #tpu.memory_space<vmem>>, vector<1x16xf32>,
        %get3A_549 = vector.shape_cast %get3A_548 : vector<1x16xf32> to vector<16xf32>
        %mul3A_550 = arith.constant 8.000000e+00 : f32
        %mul3A_551 = vector.broadcast %mul3A_550 : f32 to vector<16xf32>
        %mul3A_552 = arith.mulf %get3A_549, %mul3A_551 : vector<16xf32>
        %add3A_553 = arith.constant 3 : i32
        %add3A_554 = arith.addi %mul3A_256, %add3A_553 : i32
        %swap3A_555 = arith.index_cast %add3A_554 : i32 to index
        %swap3A_556 = arith.constant 48 : index
        %swap3A_557 = tpu.vector_load %arg11[%swap3A_555, %swap3A_556] {strides = array<i32>} : memref<200x64xf32, #tpu.memory_space<vmem>>, vector<1x16xf32>,
        %swap3A_558 = vector.shape_cast %swap3A_557 : vector<1x16xf32> to vector<16xf32>
        %swap3A_559 = vector.shape_cast %mul3A_552 : vector<16xf32> to vector<1x16xf32>
        tpu.vector_store %arg11[%swap3A_555, %swap3A_556], %swap3A_559 {strides = array<i32>} : memref<200x64xf32, #tpu.memory_space<vmem>>, vector<1x16xf32>,
        %slice3A_560 = vector.extract_strided_slice %mul3A_265 {offsets = [4], sizes = [1], strides = [1]} : vector<16xi32> to vector<1xi32>
        %squeeze3A_561 = vector.extract %slice3A_560[0] : i32 from vector<1xi32>
        %add3A_562 = arith.constant 4 : i32
        %add3A_563 = arith.addi %mul3A_256, %add3A_562 : i32
        %add3A_564 = arith.constant 0 : i32
        %add3A_565 = arith.addi %squeeze3A_561, %add3A_564 : i32
        %get3A_566 = arith.index_cast %add3A_563 : i32 to index
        %get3A_567 = arith.index_cast %add3A_565 : i32 to index
        %get3A_568 = tpu.vector_load %arg9[%get3A_566, %get3A_567] {strides = array<i32>} : memref<200x128xf32, #tpu.memory_space<vmem>>, vector<1x16xf32>,
        %get3A_569 = vector.shape_cast %get3A_568 : vector<1x16xf32> to vector<16xf32>
        %mul3A_570 = arith.constant 8.000000e+00 : f32
        %mul3A_571 = vector.broadcast %mul3A_570 : f32 to vector<16xf32>
        %mul3A_572 = arith.mulf %get3A_569, %mul3A_571 : vector<16xf32>
        %add3A_573 = arith.constant 4 : i32
        %add3A_574 = arith.addi %mul3A_256, %add3A_573 : i32
        %swap3A_575 = arith.index_cast %add3A_574 : i32 to index
        %swap3A_576 = arith.constant 0 : index
        %swap3A_577 = tpu.vector_load %arg11[%swap3A_575, %swap3A_576] {strides = array<i32>} : memref<200x64xf32, #tpu.memory_space<vmem>>, vector<1x16xf32>,
        %swap3A_578 = vector.shape_cast %swap3A_577 : vector<1x16xf32> to vector<16xf32>
        %swap3A_579 = vector.shape_cast %mul3A_572 : vector<16xf32> to vector<1x16xf32>
        tpu.vector_store %arg11[%swap3A_575, %swap3A_576], %swap3A_579 {strides = array<i32>} : memref<200x64xf32, #tpu.memory_space<vmem>>, vector<1x16xf32>,
        %add3A_580 = arith.constant 4 : i32
        %add3A_581 = arith.addi %mul3A_256, %add3A_580 : i32
        %add3A_582 = arith.constant 16 : i32
        %add3A_583 = arith.addi %squeeze3A_561, %add3A_582 : i32
        %get3A_584 = arith.index_cast %add3A_581 : i32 to index
        %get3A_585 = arith.index_cast %add3A_583 : i32 to index
        %get3A_586 = tpu.vector_load %arg9[%get3A_584, %get3A_585] {strides = array<i32>} : memref<200x128xf32, #tpu.memory_space<vmem>>, vector<1x16xf32>,
        %get3A_587 = vector.shape_cast %get3A_586 : vector<1x16xf32> to vector<16xf32>
        %mul3A_588 = arith.constant 8.000000e+00 : f32
        %mul3A_589 = vector.broadcast %mul3A_588 : f32 to vector<16xf32>
        %mul3A_590 = arith.mulf %get3A_587, %mul3A_589 : vector<16xf32>
        %add3A_591 = arith.constant 4 : i32
        %add3A_592 = arith.addi %mul3A_256, %add3A_591 : i32
        %swap3A_593 = arith.index_cast %add3A_592 : i32 to index
        %swap3A_594 = arith.constant 16 : index
        %swap3A_595 = tpu.vector_load %arg11[%swap3A_593, %swap3A_594] {strides = array<i32>} : memref<200x64xf32, #tpu.memory_space<vmem>>, vector<1x16xf32>,
        %swap3A_596 = vector.shape_cast %swap3A_595 : vector<1x16xf32> to vector<16xf32>
        %swap3A_597 = vector.shape_cast %mul3A_590 : vector<16xf32> to vector<1x16xf32>
        tpu.vector_store %arg11[%swap3A_593, %swap3A_594], %swap3A_597 {strides = array<i32>} : memref<200x64xf32, #tpu.memory_space<vmem>>, vector<1x16xf32>,
        %add3A_598 = arith.constant 4 : i32
        %add3A_599 = arith.addi %mul3A_256, %add3A_598 : i32
        %add3A_600 = arith.constant 32 : i32
        %add3A_601 = arith.addi %squeeze3A_561, %add3A_600 : i32
        %get3A_602 = arith.index_cast %add3A_599 : i32 to index
        %get3A_603 = arith.index_cast %add3A_601 : i32 to index
        %get3A_604 = tpu.vector_load %arg9[%get3A_602, %get3A_603] {strides = array<i32>} : memref<200x128xf32, #tpu.memory_space<vmem>>, vector<1x16xf32>,
        %get3A_605 = vector.shape_cast %get3A_604 : vector<1x16xf32> to vector<16xf32>
        %mul3A_606 = arith.constant 8.000000e+00 : f32
        %mul3A_607 = vector.broadcast %mul3A_606 : f32 to vector<16xf32>
        %mul3A_608 = arith.mulf %get3A_605, %mul3A_607 : vector<16xf32>
        %add3A_609 = arith.constant 4 : i32
        %add3A_610 = arith.addi %mul3A_256, %add3A_609 : i32
        %swap3A_611 = arith.index_cast %add3A_610 : i32 to index
        %swap3A_612 = arith.constant 32 : index
        %swap3A_613 = tpu.vector_load %arg11[%swap3A_611, %swap3A_612] {strides = array<i32>} : memref<200x64xf32, #tpu.memory_space<vmem>>, vector<1x16xf32>,
        %swap3A_614 = vector.shape_cast %swap3A_613 : vector<1x16xf32> to vector<16xf32>
        %swap3A_615 = vector.shape_cast %mul3A_608 : vector<16xf32> to vector<1x16xf32>
        tpu.vector_store %arg11[%swap3A_611, %swap3A_612], %swap3A_615 {strides = array<i32>} : memref<200x64xf32, #tpu.memory_space<vmem>>, vector<1x16xf32>,
        %add3A_616 = arith.constant 4 : i32
        %add3A_617 = arith.addi %mul3A_256, %add3A_616 : i32
        %add3A_618 = arith.constant 48 : i32
        %add3A_619 = arith.addi %squeeze3A_561, %add3A_618 : i32
        %get3A_620 = arith.index_cast %add3A_617 : i32 to index
        %get3A_621 = arith.index_cast %add3A_619 : i32 to index
        %get3A_622 = tpu.vector_load %arg9[%get3A_620, %get3A_621] {strides = array<i32>} : memref<200x128xf32, #tpu.memory_space<vmem>>, vector<1x16xf32>,
        %get3A_623 = vector.shape_cast %get3A_622 : vector<1x16xf32> to vector<16xf32>
        %mul3A_624 = arith.constant 8.000000e+00 : f32
        %mul3A_625 = vector.broadcast %mul3A_624 : f32 to vector<16xf32>
        %mul3A_626 = arith.mulf %get3A_623, %mul3A_625 : vector<16xf32>
        %add3A_627 = arith.constant 4 : i32
        %add3A_628 = arith.addi %mul3A_256, %add3A_627 : i32
        %swap3A_629 = arith.index_cast %add3A_628 : i32 to index
        %swap3A_630 = arith.constant 48 : index
        %swap3A_631 = tpu.vector_load %arg11[%swap3A_629, %swap3A_630] {strides = array<i32>} : memref<200x64xf32, #tpu.memory_space<vmem>>, vector<1x16xf32>,
        %swap3A_632 = vector.shape_cast %swap3A_631 : vector<1x16xf32> to vector<16xf32>
        %swap3A_633 = vector.shape_cast %mul3A_626 : vector<16xf32> to vector<1x16xf32>
        tpu.vector_store %arg11[%swap3A_629, %swap3A_630], %swap3A_633 {strides = array<i32>} : memref<200x64xf32, #tpu.memory_space<vmem>>, vector<1x16xf32>,
        %slice3A_634 = vector.extract_strided_slice %mul3A_265 {offsets = [5], sizes = [1], strides = [1]} : vector<16xi32> to vector<1xi32>
        %squeeze3A_635 = vector.extract %slice3A_634[0] : i32 from vector<1xi32>
        %add3A_636 = arith.constant 5 : i32
        %add3A_637 = arith.addi %mul3A_256, %add3A_636 : i32
        %add3A_638 = arith.constant 0 : i32
        %add3A_639 = arith.addi %squeeze3A_635, %add3A_638 : i32
        %get3A_640 = arith.index_cast %add3A_637 : i32 to index
        %get3A_641 = arith.index_cast %add3A_639 : i32 to index
        %get3A_642 = tpu.vector_load %arg9[%get3A_640, %get3A_641] {strides = array<i32>} : memref<200x128xf32, #tpu.memory_space<vmem>>, vector<1x16xf32>,
        %get3A_643 = vector.shape_cast %get3A_642 : vector<1x16xf32> to vector<16xf32>
        %mul3A_644 = arith.constant 8.000000e+00 : f32
        %mul3A_645 = vector.broadcast %mul3A_644 : f32 to vector<16xf32>
        %mul3A_646 = arith.mulf %get3A_643, %mul3A_645 : vector<16xf32>
        %add3A_647 = arith.constant 5 : i32
        %add3A_648 = arith.addi %mul3A_256, %add3A_647 : i32
        %swap3A_649 = arith.index_cast %add3A_648 : i32 to index
        %swap3A_650 = arith.constant 0 : index
        %swap3A_651 = tpu.vector_load %arg11[%swap3A_649, %swap3A_650] {strides = array<i32>} : memref<200x64xf32, #tpu.memory_space<vmem>>, vector<1x16xf32>,
        %swap3A_652 = vector.shape_cast %swap3A_651 : vector<1x16xf32> to vector<16xf32>
        %swap3A_653 = vector.shape_cast %mul3A_646 : vector<16xf32> to vector<1x16xf32>
        tpu.vector_store %arg11[%swap3A_649, %swap3A_650], %swap3A_653 {strides = array<i32>} : memref<200x64xf32, #tpu.memory_space<vmem>>, vector<1x16xf32>,
        %add3A_654 = arith.constant 5 : i32
        %add3A_655 = arith.addi %mul3A_256, %add3A_654 : i32
        %add3A_656 = arith.constant 16 : i32
        %add3A_657 = arith.addi %squeeze3A_635, %add3A_656 : i32
        %get3A_658 = arith.index_cast %add3A_655 : i32 to index
        %get3A_659 = arith.index_cast %add3A_657 : i32 to index
        %get3A_660 = tpu.vector_load %arg9[%get3A_658, %get3A_659] {strides = array<i32>} : memref<200x128xf32, #tpu.memory_space<vmem>>, vector<1x16xf32>,
        %get3A_661 = vector.shape_cast %get3A_660 : vector<1x16xf32> to vector<16xf32>
        %mul3A_662 = arith.constant 8.000000e+00 : f32
        %mul3A_663 = vector.broadcast %mul3A_662 : f32 to vector<16xf32>
        %mul3A_664 = arith.mulf %get3A_661, %mul3A_663 : vector<16xf32>
        %add3A_665 = arith.constant 5 : i32
        %add3A_666 = arith.addi %mul3A_256, %add3A_665 : i32
        %swap3A_667 = arith.index_cast %add3A_666 : i32 to index
        %swap3A_668 = arith.constant 16 : index
        %swap3A_669 = tpu.vector_load %arg11[%swap3A_667, %swap3A_668] {strides = array<i32>} : memref<200x64xf32, #tpu.memory_space<vmem>>, vector<1x16xf32>,
        %swap3A_670 = vector.shape_cast %swap3A_669 : vector<1x16xf32> to vector<16xf32>
        %swap3A_671 = vector.shape_cast %mul3A_664 : vector<16xf32> to vector<1x16xf32>
        tpu.vector_store %arg11[%swap3A_667, %swap3A_668], %swap3A_671 {strides = array<i32>} : memref<200x64xf32, #tpu.memory_space<vmem>>, vector<1x16xf32>,
        %add3A_672 = arith.constant 5 : i32
        %add3A_673 = arith.addi %mul3A_256, %add3A_672 : i32
        %add3A_674 = arith.constant 32 : i32
        %add3A_675 = arith.addi %squeeze3A_635, %add3A_674 : i32
        %get3A_676 = arith.index_cast %add3A_673 : i32 to index
        %get3A_677 = arith.index_cast %add3A_675 : i32 to index
        %get3A_678 = tpu.vector_load %arg9[%get3A_676, %get3A_677] {strides = array<i32>} : memref<200x128xf32, #tpu.memory_space<vmem>>, vector<1x16xf32>,
        %get3A_679 = vector.shape_cast %get3A_678 : vector<1x16xf32> to vector<16xf32>
        %mul3A_680 = arith.constant 8.000000e+00 : f32
        %mul3A_681 = vector.broadcast %mul3A_680 : f32 to vector<16xf32>
        %mul3A_682 = arith.mulf %get3A_679, %mul3A_681 : vector<16xf32>
        %add3A_683 = arith.constant 5 : i32
        %add3A_684 = arith.addi %mul3A_256, %add3A_683 : i32
        %swap3A_685 = arith.index_cast %add3A_684 : i32 to index
        %swap3A_686 = arith.constant 32 : index
        %swap3A_687 = tpu.vector_load %arg11[%swap3A_685, %swap3A_686] {strides = array<i32>} : memref<200x64xf32, #tpu.memory_space<vmem>>, vector<1x16xf32>,
        %swap3A_688 = vector.shape_cast %swap3A_687 : vector<1x16xf32> to vector<16xf32>
        %swap3A_689 = vector.shape_cast %mul3A_682 : vector<16xf32> to vector<1x16xf32>
        tpu.vector_store %arg11[%swap3A_685, %swap3A_686], %swap3A_689 {strides = array<i32>} : memref<200x64xf32, #tpu.memory_space<vmem>>, vector<1x16xf32>,
        %add3A_690 = arith.constant 5 : i32
        %add3A_691 = arith.addi %mul3A_256, %add3A_690 : i32
        %add3A_692 = arith.constant 48 : i32
        %add3A_693 = arith.addi %squeeze3A_635, %add3A_692 : i32
        %get3A_694 = arith.index_cast %add3A_691 : i32 to index
        %get3A_695 = arith.index_cast %add3A_693 : i32 to index
        %get3A_696 = tpu.vector_load %arg9[%get3A_694, %get3A_695] {strides = array<i32>} : memref<200x128xf32, #tpu.memory_space<vmem>>, vector<1x16xf32>,
        %get3A_697 = vector.shape_cast %get3A_696 : vector<1x16xf32> to vector<16xf32>
        %mul3A_698 = arith.constant 8.000000e+00 : f32
        %mul3A_699 = vector.broadcast %mul3A_698 : f32 to vector<16xf32>
        %mul3A_700 = arith.mulf %get3A_697, %mul3A_699 : vector<16xf32>
        %add3A_701 = arith.constant 5 : i32
        %add3A_702 = arith.addi %mul3A_256, %add3A_701 : i32
        %swap3A_703 = arith.index_cast %add3A_702 : i32 to index
        %swap3A_704 = arith.constant 48 : index
        %swap3A_705 = tpu.vector_load %arg11[%swap3A_703, %swap3A_704] {strides = array<i32>} : memref<200x64xf32, #tpu.memory_space<vmem>>, vector<1x16xf32>,
        %swap3A_706 = vector.shape_cast %swap3A_705 : vector<1x16xf32> to vector<16xf32>
        %swap3A_707 = vector.shape_cast %mul3A_700 : vector<16xf32> to vector<1x16xf32>
        tpu.vector_store %arg11[%swap3A_703, %swap3A_704], %swap3A_707 {strides = array<i32>} : memref<200x64xf32, #tpu.memory_space<vmem>>, vector<1x16xf32>,
        %slice3A_708 = vector.extract_strided_slice %mul3A_265 {offsets = [6], sizes = [1], strides = [1]} : vector<16xi32> to vector<1xi32>
        %squeeze3A_709 = vector.extract %slice3A_708[0] : i32 from vector<1xi32>
        %add3A_710 = arith.constant 6 : i32
        %add3A_711 = arith.addi %mul3A_256, %add3A_710 : i32
        %add3A_712 = arith.constant 0 : i32
        %add3A_713 = arith.addi %squeeze3A_709, %add3A_712 : i32
        %get3A_714 = arith.index_cast %add3A_711 : i32 to index
        %get3A_715 = arith.index_cast %add3A_713 : i32 to index
        %get3A_716 = tpu.vector_load %arg9[%get3A_714, %get3A_715] {strides = array<i32>} : memref<200x128xf32, #tpu.memory_space<vmem>>, vector<1x16xf32>,
        %get3A_717 = vector.shape_cast %get3A_716 : vector<1x16xf32> to vector<16xf32>
        %mul3A_718 = arith.constant 8.000000e+00 : f32
        %mul3A_719 = vector.broadcast %mul3A_718 : f32 to vector<16xf32>
        %mul3A_720 = arith.mulf %get3A_717, %mul3A_719 : vector<16xf32>
        %add3A_721 = arith.constant 6 : i32
        %add3A_722 = arith.addi %mul3A_256, %add3A_721 : i32
        %swap3A_723 = arith.index_cast %add3A_722 : i32 to index
        %swap3A_724 = arith.constant 0 : index
        %swap3A_725 = tpu.vector_load %arg11[%swap3A_723, %swap3A_724] {strides = array<i32>} : memref<200x64xf32, #tpu.memory_space<vmem>>, vector<1x16xf32>,
        %swap3A_726 = vector.shape_cast %swap3A_725 : vector<1x16xf32> to vector<16xf32>
        %swap3A_727 = vector.shape_cast %mul3A_720 : vector<16xf32> to vector<1x16xf32>
        tpu.vector_store %arg11[%swap3A_723, %swap3A_724], %swap3A_727 {strides = array<i32>} : memref<200x64xf32, #tpu.memory_space<vmem>>, vector<1x16xf32>,
        %add3A_728 = arith.constant 6 : i32
        %add3A_729 = arith.addi %mul3A_256, %add3A_728 : i32
        %add3A_730 = arith.constant 16 : i32
        %add3A_731 = arith.addi %squeeze3A_709, %add3A_730 : i32
        %get3A_732 = arith.index_cast %add3A_729 : i32 to index
        %get3A_733 = arith.index_cast %add3A_731 : i32 to index
        %get3A_734 = tpu.vector_load %arg9[%get3A_732, %get3A_733] {strides = array<i32>} : memref<200x128xf32, #tpu.memory_space<vmem>>, vector<1x16xf32>,
        %get3A_735 = vector.shape_cast %get3A_734 : vector<1x16xf32> to vector<16xf32>
        %mul3A_736 = arith.constant 8.000000e+00 : f32
        %mul3A_737 = vector.broadcast %mul3A_736 : f32 to vector<16xf32>
        %mul3A_738 = arith.mulf %get3A_735, %mul3A_737 : vector<16xf32>
        %add3A_739 = arith.constant 6 : i32
        %add3A_740 = arith.addi %mul3A_256, %add3A_739 : i32
        %swap3A_741 = arith.index_cast %add3A_740 : i32 to index
        %swap3A_742 = arith.constant 16 : index
        %swap3A_743 = tpu.vector_load %arg11[%swap3A_741, %swap3A_742] {strides = array<i32>} : memref<200x64xf32, #tpu.memory_space<vmem>>, vector<1x16xf32>,
        %swap3A_744 = vector.shape_cast %swap3A_743 : vector<1x16xf32> to vector<16xf32>
        %swap3A_745 = vector.shape_cast %mul3A_738 : vector<16xf32> to vector<1x16xf32>
        tpu.vector_store %arg11[%swap3A_741, %swap3A_742], %swap3A_745 {strides = array<i32>} : memref<200x64xf32, #tpu.memory_space<vmem>>, vector<1x16xf32>,
        %add3A_746 = arith.constant 6 : i32
        %add3A_747 = arith.addi %mul3A_256, %add3A_746 : i32
        %add3A_748 = arith.constant 32 : i32
        %add3A_749 = arith.addi %squeeze3A_709, %add3A_748 : i32
        %get3A_750 = arith.index_cast %add3A_747 : i32 to index
        %get3A_751 = arith.index_cast %add3A_749 : i32 to index
        %get3A_752 = tpu.vector_load %arg9[%get3A_750, %get3A_751] {strides = array<i32>} : memref<200x128xf32, #tpu.memory_space<vmem>>, vector<1x16xf32>,
        %get3A_753 = vector.shape_cast %get3A_752 : vector<1x16xf32> to vector<16xf32>
        %mul3A_754 = arith.constant 8.000000e+00 : f32
        %mul3A_755 = vector.broadcast %mul3A_754 : f32 to vector<16xf32>
        %mul3A_756 = arith.mulf %get3A_753, %mul3A_755 : vector<16xf32>
        %add3A_757 = arith.constant 6 : i32
        %add3A_758 = arith.addi %mul3A_256, %add3A_757 : i32
        %swap3A_759 = arith.index_cast %add3A_758 : i32 to index
        %swap3A_760 = arith.constant 32 : index
        %swap3A_761 = tpu.vector_load %arg11[%swap3A_759, %swap3A_760] {strides = array<i32>} : memref<200x64xf32, #tpu.memory_space<vmem>>, vector<1x16xf32>,
        %swap3A_762 = vector.shape_cast %swap3A_761 : vector<1x16xf32> to vector<16xf32>
        %swap3A_763 = vector.shape_cast %mul3A_756 : vector<16xf32> to vector<1x16xf32>
        tpu.vector_store %arg11[%swap3A_759, %swap3A_760], %swap3A_763 {strides = array<i32>} : memref<200x64xf32, #tpu.memory_space<vmem>>, vector<1x16xf32>,
        %add3A_764 = arith.constant 6 : i32
        %add3A_765 = arith.addi %mul3A_256, %add3A_764 : i32
        %add3A_766 = arith.constant 48 : i32
        %add3A_767 = arith.addi %squeeze3A_709, %add3A_766 : i32
        %get3A_768 = arith.index_cast %add3A_765 : i32 to index
        %get3A_769 = arith.index_cast %add3A_767 : i32 to index
        %get3A_770 = tpu.vector_load %arg9[%get3A_768, %get3A_769] {strides = array<i32>} : memref<200x128xf32, #tpu.memory_space<vmem>>, vector<1x16xf32>,
        %get3A_771 = vector.shape_cast %get3A_770 : vector<1x16xf32> to vector<16xf32>
        %mul3A_772 = arith.constant 8.000000e+00 : f32
        %mul3A_773 = vector.broadcast %mul3A_772 : f32 to vector<16xf32>
        %mul3A_774 = arith.mulf %get3A_771, %mul3A_773 : vector<16xf32>
        %add3A_775 = arith.constant 6 : i32
        %add3A_776 = arith.addi %mul3A_256, %add3A_775 : i32
        %swap3A_777 = arith.index_cast %add3A_776 : i32 to index
        %swap3A_778 = arith.constant 48 : index
        %swap3A_779 = tpu.vector_load %arg11[%swap3A_777, %swap3A_778] {strides = array<i32>} : memref<200x64xf32, #tpu.memory_space<vmem>>, vector<1x16xf32>,
        %swap3A_780 = vector.shape_cast %swap3A_779 : vector<1x16xf32> to vector<16xf32>
        %swap3A_781 = vector.shape_cast %mul3A_774 : vector<16xf32> to vector<1x16xf32>
        tpu.vector_store %arg11[%swap3A_777, %swap3A_778], %swap3A_781 {strides = array<i32>} : memref<200x64xf32, #tpu.memory_space<vmem>>, vector<1x16xf32>,
        %slice3A_782 = vector.extract_strided_slice %mul3A_265 {offsets = [7], sizes = [1], strides = [1]} : vector<16xi32> to vector<1xi32>
        %squeeze3A_783 = vector.extract %slice3A_782[0] : i32 from vector<1xi32>
        %add3A_784 = arith.constant 7 : i32
        %add3A_785 = arith.addi %mul3A_256, %add3A_784 : i32
        %add3A_786 = arith.constant 0 : i32
        %add3A_787 = arith.addi %squeeze3A_783, %add3A_786 : i32
        %get3A_788 = arith.index_cast %add3A_785 : i32 to index
        %get3A_789 = arith.index_cast %add3A_787 : i32 to index
        %get3A_790 = tpu.vector_load %arg9[%get3A_788, %get3A_789] {strides = array<i32>} : memref<200x128xf32, #tpu.memory_space<vmem>>, vector<1x16xf32>,
        %get3A_791 = vector.shape_cast %get3A_790 : vector<1x16xf32> to vector<16xf32>
        %mul3A_792 = arith.constant 8.000000e+00 : f32
        %mul3A_793 = vector.broadcast %mul3A_792 : f32 to vector<16xf32>
        %mul3A_794 = arith.mulf %get3A_791, %mul3A_793 : vector<16xf32>
        %add3A_795 = arith.constant 7 : i32
        %add3A_796 = arith.addi %mul3A_256, %add3A_795 : i32
        %swap3A_797 = arith.index_cast %add3A_796 : i32 to index
        %swap3A_798 = arith.constant 0 : index
        %swap3A_799 = tpu.vector_load %arg11[%swap3A_797, %swap3A_798] {strides = array<i32>} : memref<200x64xf32, #tpu.memory_space<vmem>>, vector<1x16xf32>,
        %swap3A_800 = vector.shape_cast %swap3A_799 : vector<1x16xf32> to vector<16xf32>
        %swap3A_801 = vector.shape_cast %mul3A_794 : vector<16xf32> to vector<1x16xf32>
        tpu.vector_store %arg11[%swap3A_797, %swap3A_798], %swap3A_801 {strides = array<i32>} : memref<200x64xf32, #tpu.memory_space<vmem>>, vector<1x16xf32>,
        %add3A_802 = arith.constant 7 : i32
        %add3A_803 = arith.addi %mul3A_256, %add3A_802 : i32
        %add3A_804 = arith.constant 16 : i32
        %add3A_805 = arith.addi %squeeze3A_783, %add3A_804 : i32
        %get3A_806 = arith.index_cast %add3A_803 : i32 to index
        %get3A_807 = arith.index_cast %add3A_805 : i32 to index
        %get3A_808 = tpu.vector_load %arg9[%get3A_806, %get3A_807] {strides = array<i32>} : memref<200x128xf32, #tpu.memory_space<vmem>>, vector<1x16xf32>,
        %get3A_809 = vector.shape_cast %get3A_808 : vector<1x16xf32> to vector<16xf32>
        %mul3A_810 = arith.constant 8.000000e+00 : f32
        %mul3A_811 = vector.broadcast %mul3A_810 : f32 to vector<16xf32>
        %mul3A_812 = arith.mulf %get3A_809, %mul3A_811 : vector<16xf32>
        %add3A_813 = arith.constant 7 : i32
        %add3A_814 = arith.addi %mul3A_256, %add3A_813 : i32
        %swap3A_815 = arith.index_cast %add3A_814 : i32 to index
        %swap3A_816 = arith.constant 16 : index
        %swap3A_817 = tpu.vector_load %arg11[%swap3A_815, %swap3A_816] {strides = array<i32>} : memref<200x64xf32, #tpu.memory_space<vmem>>, vector<1x16xf32>,
        %swap3A_818 = vector.shape_cast %swap3A_817 : vector<1x16xf32> to vector<16xf32>
        %swap3A_819 = vector.shape_cast %mul3A_812 : vector<16xf32> to vector<1x16xf32>
        tpu.vector_store %arg11[%swap3A_815, %swap3A_816], %swap3A_819 {strides = array<i32>} : memref<200x64xf32, #tpu.memory_space<vmem>>, vector<1x16xf32>,
        %add3A_820 = arith.constant 7 : i32
        %add3A_821 = arith.addi %mul3A_256, %add3A_820 : i32
        %add3A_822 = arith.constant 32 : i32
        %add3A_823 = arith.addi %squeeze3A_783, %add3A_822 : i32
        %get3A_824 = arith.index_cast %add3A_821 : i32 to index
        %get3A_825 = arith.index_cast %add3A_823 : i32 to index
        %get3A_826 = tpu.vector_load %arg9[%get3A_824, %get3A_825] {strides = array<i32>} : memref<200x128xf32, #tpu.memory_space<vmem>>, vector<1x16xf32>,
        %get3A_827 = vector.shape_cast %get3A_826 : vector<1x16xf32> to vector<16xf32>
        %mul3A_828 = arith.constant 8.000000e+00 : f32
        %mul3A_829 = vector.broadcast %mul3A_828 : f32 to vector<16xf32>
        %mul3A_830 = arith.mulf %get3A_827, %mul3A_829 : vector<16xf32>
        %add3A_831 = arith.constant 7 : i32
        %add3A_832 = arith.addi %mul3A_256, %add3A_831 : i32
        %swap3A_833 = arith.index_cast %add3A_832 : i32 to index
        %swap3A_834 = arith.constant 32 : index
        %swap3A_835 = tpu.vector_load %arg11[%swap3A_833, %swap3A_834] {strides = array<i32>} : memref<200x64xf32, #tpu.memory_space<vmem>>, vector<1x16xf32>,
        %swap3A_836 = vector.shape_cast %swap3A_835 : vector<1x16xf32> to vector<16xf32>
        %swap3A_837 = vector.shape_cast %mul3A_830 : vector<16xf32> to vector<1x16xf32>
        tpu.vector_store %arg11[%swap3A_833, %swap3A_834], %swap3A_837 {strides = array<i32>} : memref<200x64xf32, #tpu.memory_space<vmem>>, vector<1x16xf32>,
        %add3A_838 = arith.constant 7 : i32
        %add3A_839 = arith.addi %mul3A_256, %add3A_838 : i32
        %add3A_840 = arith.constant 48 : i32
        %add3A_841 = arith.addi %squeeze3A_783, %add3A_840 : i32
        %get3A_842 = arith.index_cast %add3A_839 : i32 to index
        %get3A_843 = arith.index_cast %add3A_841 : i32 to index
        %get3A_844 = tpu.vector_load %arg9[%get3A_842, %get3A_843] {strides = array<i32>} : memref<200x128xf32, #tpu.memory_space<vmem>>, vector<1x16xf32>,
        %get3A_845 = vector.shape_cast %get3A_844 : vector<1x16xf32> to vector<16xf32>
        %mul3A_846 = arith.constant 8.000000e+00 : f32
        %mul3A_847 = vector.broadcast %mul3A_846 : f32 to vector<16xf32>
        %mul3A_848 = arith.mulf %get3A_845, %mul3A_847 : vector<16xf32>
        %add3A_849 = arith.constant 7 : i32
        %add3A_850 = arith.addi %mul3A_256, %add3A_849 : i32
        %swap3A_851 = arith.index_cast %add3A_850 : i32 to index
        %swap3A_852 = arith.constant 48 : index
        %swap3A_853 = tpu.vector_load %arg11[%swap3A_851, %swap3A_852] {strides = array<i32>} : memref<200x64xf32, #tpu.memory_space<vmem>>, vector<1x16xf32>,
        %swap3A_854 = vector.shape_cast %swap3A_853 : vector<1x16xf32> to vector<16xf32>
        %swap3A_855 = vector.shape_cast %mul3A_848 : vector<16xf32> to vector<1x16xf32>
        tpu.vector_store %arg11[%swap3A_851, %swap3A_852], %swap3A_855 {strides = array<i32>} : memref<200x64xf32, #tpu.memory_space<vmem>>, vector<1x16xf32>,
      }
      %scan3A_244 = arith.constant 25 : i32
      %add3A_245 = arith.addi %mul3A_2, %add3A_208 : i32
      %dma_start3A_246 = arith.constant 0 : i32
      %dma_start3A_247 = arith.constant 0 : i32
      %dma_start3A_248 = tpu.memref_slice %arg4[%add3A_245, %dma_start3A_246, %dma_start3A_247] : memref<4096x200x64xf32, #tpu.memory_space<hbm>> -> memref<1x200x64xf32, #tpu.memory_space<hbm>>
      %dma_start3A_249 = tpu.memref_squeeze %dma_start3A_248 : memref<1x200x64xf32, #tpu.memory_space<hbm>> -> memref<200x64xf32, #tpu.memory_space<hbm>>
      %dma_start3A_250 = arith.constant 0 : i32
      %dma_start3A_251 = arith.constant 0 : i32
      %dma_start3A_252 = tpu.memref_slice %arg4[%add3A_245, %dma_start3A_250, %dma_start3A_251] : memref<4096x200x64xf32, #tpu.memory_space<hbm>> -> memref<1x200x64xf32, #tpu.memory_space<hbm>>
      %dma_start3A_253 = tpu.memref_squeeze %dma_start3A_252 : memref<1x200x64xf32, #tpu.memory_space<hbm>> -> memref<200x64xf32, #tpu.memory_space<hbm>>
      tpu.enqueue_dma source(%arg11 : memref<200x64xf32, #tpu.memory_space<vmem>>) target(%dma_start3A_253 : memref<200x64xf32, #tpu.memory_space<hbm>>) target_semaphore(%arg15 : memref<!tpu.dma_semaphore, #tpu.memory_space<semaphore_mem>>)
    }
    %scan3A_151 = arith.constant 64 : i32
    %dma_wait3A = arith.constant 0 : i32
    %dma_wait3A_152 = arith.constant 0 : i32
    %dma_wait3A_153 = tpu.memref_slice %arg4[%mul3A_2, %dma_wait3A, %dma_wait3A_152] : memref<4096x200x64xf32, #tpu.memory_space<hbm>> -> memref<1x200x64xf32, #tpu.memory_space<hbm>>
    %dma_wait3A_154 = tpu.memref_squeeze %dma_wait3A_153 : memref<1x200x64xf32, #tpu.memory_space<hbm>> -> memref<200x64xf32, #tpu.memory_space<hbm>>
    %dma_wait3A_155 = arith.constant 0 : i32
    %dma_wait3A_156 = arith.constant 0 : i32
    %dma_wait3A_157 = tpu.memref_slice %arg4[%mul3A_2, %dma_wait3A_155, %dma_wait3A_156] : memref<4096x200x64xf32, #tpu.memory_space<hbm>> -> memref<1x200x64xf32, #tpu.memory_space<hbm>>
    %dma_wait3A_158 = tpu.memref_squeeze %dma_wait3A_157 : memref<1x200x64xf32, #tpu.memory_space<hbm>> -> memref<200x64xf32, #tpu.memory_space<hbm>>
    tpu.wait_dma2 semaphore(%arg15 : memref<!tpu.dma_semaphore, #tpu.memory_space<semaphore_mem>>) src(%arg11 : memref<200x64xf32, #tpu.memory_space<vmem>>) dst(%dma_wait3A_158 : memref<200x64xf32, #tpu.memory_space<hbm>>)
    return
  }
}

</mosaic_0001>

<sc_bundles>
// kernel: kernel.3.cloned.1.call-start
scs
__scs_entry_jumppad:
0x0: {  	(pc) =	sbr.rel $0x88, $3  }
0x1: {  	(tag) =	ssettag $0x0;
	lr =	simm.s32 $0x1  }
0x2: {  	[smem:$0x3F9F] =	sst lr;
	_ =	strace $0xD0000000  }
0x3: {  	_ = 	snop  }
0x4: {  	_ = 	snop  }
0x5: {  	_ = 	snop  }
0x6: {  	_ = 	snop  }
0x7: {  	_ = 	snop  }
__scs_overlays_trampoline_lowered:
0x8: {  	[smem:$0x3FAE] =	sst s0  }
0x9: {  	[smem:$0x3FAF] =	sst s1  }
0xa: {  	[smem:$0x3FB0] =	sst s2  }
0xb: {  	[smem:$0x3FB1] =	sst s3  }
0xc: {  	[smem:$0x3FB2] =	sst s4  }
0xd: {  	[smem:$0x3FB3] =	sst s5  }
0xe: {  	[smem:$0x3FB4] =	sst s6  }
0xf: {  	[smem:$0x3FB5] =	sst s7  }
0x10: {  	[smem:$0x3FB6] =	sst s8  }
0x11: {  	[smem:$0x3FB7] =	sst s9;
	s0 =	simm.s32 @!p0 $0x0  }
0x12: {  	s1 =	sld [smem:$0x3F9D];
	s0 =	simm.s32 @p0 $0x1  }
0x13: {  	[smem:$0x3FB8] =	sst s0;
	s0 =	simm.s32 @!p1 $0x0  }
0x14: {  	s2 =	sld [smem:$0x3F9C];
	s0 =	simm.s32 @p1 $0x1  }
0x15: {  	[smem:$0x3FB9] =	sst s0;
	s0 =	simm.s32 @!p2 $0x0  }
0x16: {  	s3 =	sld [smem:$0x3FDB];
	s0 =	simm.s32 @p2 $0x1  }
0x17: {  	s4 =	simm.s32 $0x1BF5;
	[smem:$0x3FBB] =	sst s0  }
0x18: {  	s0 =	sld [smem:$0x3F9E];
	_ =	swait.ge [sflag:s4], $0x0  }
0x19: {  	s7 =	sld [smem:$0x3F9F]  }
0x1a: {  	s8 =	sadd.s32 $0xFFFFE003, lr  }
0x1b: {  	s9 =	sadd.s32 $0xFFFFFEF7, lr;
	s5 =	simm.s32 $0xFFFFFFFF;
	p2 =	slt.u32 s8, $0xFFFFF086  }
0x1c: {  	p1 =	slt.u32 s9, $0xF7A;
	s5 =	simm.s32 @!p2 $0x0  }
0x1d: {  	s5 =	simm.s32 @p1 $0x1;
	p0 =	seq.s32 s7, s2  }
0x1e: {  	s7 =	smul.u32 @!p0 $0xF7A, s2;
	p2 =	seq.s32 @!p0 s5, $0x0  }
0x1f: {  	s9 =	smul.u32 $0xF7A, s1;
	s8 =	simm.s32 @!p0 $0x1BF5;
	p2 =	por !p2, p0  }
0x20: {  	[sflag:s8] =	ssyncset.s32 @!p0 $0xFFFFF086;
	s6 =	sadd.s32 @!p0 s3, s7;
	s7 =	simm.s32 @!p0 $0x108  }
0x21: {  	s3 =	sadd.s32 s3, s9;
	s6 =	sadd.s32 @!p0 $0x88, s6;
	s7 =	simm.s32 @p2 $0x1082  }
0x22: {  	[simem:s7], [sflag:s8] =	dma.local @!p0 [hbm:s6], $0xF7A  }
0x23: {  	s9 =	sor.u32 $0xD0000000, s2;
	s6 =	simm.s32 $0x108;
	_ =	swait.ge @!p0 [sflag:s8], $0x0  }
0x24: {  	s3 =	sadd.s32 $0x88, s3;
	s6 =	simm.s32 @!p1 $0x1082;
	[sflag:s4] =	ssyncset.s32 $0xFFFFF086  }
0x25: {  	[simem:s6], [sflag:s4] =	dma.local [hbm:s3], $0xF7A  }
0x26: {  	[smem:$0x3F9F] =	sst s1;
	(tag) =	ssettag s2;
	_ =	strace s9  }
0x27: {  	s1 =	sld [smem:$0x3FAF]  }
0x28: {  	s2 =	sld [smem:$0x3FB0]  }
0x29: {  	s4 =	sld [smem:$0x3FB2]  }
0x2a: {  	p0 =	seq.s32 s5, $0x0;
	s5 =	sld [smem:$0x3FB3]  }
0x2b: {  	s6 =	sld [smem:$0x3FB4]  }
0x2c: {  	s7 =	sld [smem:$0x3FB5]  }
0x2d: {  	s3 =	simm.s32 $0x108;
	s8 =	sld [smem:$0x3FB6]  }
0x2e: {  	s3 =	simm.s32 @!p0 $0x1082;
	s9 =	sld [smem:$0x3FB7]  }
0x2f: {  	lr =	sadd.s32 s0, s3;
	s0 =	sld [smem:$0x3FAE]  }
0x30: {  	s3 =	sld [smem:$0x3FB1]  }
0x31: {  	[smem:$0x3FBA] =	sst s10  }
0x32: {  	s10 =	sld [smem:$0x3FB8];
	_ =	sdelay $0x3  }
0x33: {  	p0 =	seq.s32 s10, $0x1;
	s10 =	sld [smem:$0x3FBA];
	_ =	sdelay $0x3  }
0x34: {  	[smem:$0x3FBA] =	sst s10  }
0x35: {  	s10 =	sld [smem:$0x3FB9];
	_ =	sdelay $0x3  }
0x36: {  	p1 =	seq.s32 s10, $0x1;
	s10 =	sld [smem:$0x3FBA];
	_ =	sdelay $0x3  }
0x37: {  	[smem:$0x3FBA] =	sst s10  }
0x38: {  	s10 =	sld [smem:$0x3FBB]  }
0x39: {  	_ = 	snop;
	(pc) =	sbr.ind lr, $3  }
0x3a: {  	_ = 	snop  }
0x3b: {  	_ = 	snop  }
0x3c: {  	p2 =	seq.s32 s10, $0x1;
	s10 =	sld [smem:$0x3FBA]  }
0x3d: {  	_ =	shalt  }
0x3e: {  	_ =	shalt  }
0x3f: {  	_ =	shalt  }
0x40: {  	_ =	shalt  }
0x41: {  	_ =	shalt  }
0x42: {  	_ =	shalt  }
0x43: {  	_ =	shalt  }
0x44: {  	_ =	shalt  }
0x45: {  	_ =	shalt  }
0x46: {  	_ =	shalt  }
0x47: {  	_ =	shalt  }
0x48: {  	_ =	shalt  }
0x49: {  	_ =	shalt  }
0x4a: {  	_ =	shalt  }
0x4b: {  	_ =	shalt  }
0x4c: {  	_ =	shalt  }
0x4d: {  	_ =	shalt  }
0x4e: {  	_ =	shalt  }
0x4f: {  	_ =	shalt  }
0x50: {  	_ =	shalt  }
0x51: {  	_ =	shalt  }
0x52: {  	_ =	shalt  }
0x53: {  	_ =	shalt  }
0x54: {  	_ =	shalt  }
0x55: {  	_ =	shalt  }
0x56: {  	_ =	shalt  }
0x57: {  	_ =	shalt  }
0x58: {  	_ =	shalt  }
0x59: {  	_ =	shalt  }
0x5a: {  	_ =	shalt  }
0x5b: {  	_ =	shalt  }
0x5c: {  	_ =	shalt  }
0x5d: {  	_ =	shalt  }
0x5e: {  	_ =	shalt  }
0x5f: {  	_ =	shalt  }
0x60: {  	_ =	shalt  }
0x61: {  	_ =	shalt  }
0x62: {  	_ =	shalt  }
0x63: {  	_ =	shalt  }
0x64: {  	_ =	shalt  }
0x65: {  	_ =	shalt  }
0x66: {  	_ =	shalt  }
0x67: {  	_ =	shalt  }
0x68: {  	_ =	shalt  }
0x69: {  	_ =	shalt  }
0x6a: {  	_ =	shalt  }
0x6b: {  	_ =	shalt  }
0x6c: {  	_ =	shalt  }
0x6d: {  	_ =	shalt  }
0x6e: {  	_ =	shalt  }
0x6f: {  	_ =	shalt  }
0x70: {  	_ =	shalt  }
0x71: {  	_ =	shalt  }
0x72: {  	_ =	shalt  }
0x73: {  	_ =	shalt  }
0x74: {  	_ =	shalt  }
0x75: {  	_ =	shalt  }
0x76: {  	_ =	shalt  }
0x77: {  	_ =	shalt  }
0x78: {  	_ =	shalt  }
0x79: {  	_ =	shalt  }
0x7a: {  	_ =	shalt  }
0x7b: {  	_ =	shalt  }
0x7c: {  	_ =	shalt  }
0x7d: {  	_ =	shalt  }
0x7e: {  	_ =	shalt  }
0x7f: {  	_ =	shalt  }
0x80: {  	_ =	shalt  }
0x81: {  	_ =	shalt  }
0x82: {  	_ =	shalt  }
0x83: {  	_ =	shalt  }
0x84: {  	_ =	shalt  }
0x85: {  	_ =	shalt  }
0x86: {  	_ =	shalt  }
0x87: {  	_ =	shalt  }
.Lfunc_end0:
.L_simem_size_0:
called_computation_lowered:
.L_overlay_start_0:
0x88: {  	s2 =	sld [smem:$0x3FD9]  }
0x89: {  	s3 =	sld [smem:$0x3FFE];
	_ =	sdelay $0x1  }
0x8a: {  	s1 =	srdreg.scid  }
0x8b: {  	s0 =	sand.u32 $0x1, s1  }
0x8c: {  	s17 =	sshll.u32 s0, $0xA;
	s2 =	sadd.s32 s3, s2  }
0x8d: {  	s2 =	sadd.s32 s2, s17  }
0x8e: {  	[smem:$0x3FC6] =	sst s2  }
0x8f: {  	_ = 	snop  }
0x90: {  	s2 =	sld [smem:$0x3FD0];
	(tm) =	ssettm $0x1  }
0x91: {  	s18 =	sld [smem:$0x3FFB];
	_ =	sdelay $0x3  }
0x92: {  	_ =	strace s18  }
0x93: {  	s3 =	sld [smem:$0x3FFC];
	_ =	sdelay $0x3  }
0x94: {  	_ =	strace s3  }
0x95: {  	s3 =	sld [smem:$0x3FFD];
	_ =	sdelay $0x3  }
0x96: {  	_ =	strace s3  }
0x97: {  	_ =	strace $0x8FFFFFFF  }
0x98: {  	s19 =	sld [smem:$0x3FDB];
	_ =	sdelay $0x1  }
0x99: {  	s4 =	simm.s32 $_scs_section_size  }
0x9a: {  	s5 =	simm.s32 $_size__tile_overlayer_lowered;
	s6 =	simm.s32 $_tile_overlayer_lowered  }
0x9b: {  	s22 =	simm.s32 $0x1BFF;
	s21 =	sshll.u32 s6, $0x1;
	s3 =	sadd.s32 s4, s19  }
0x9c: {  	s7 =	simm.s32 $0x0;
	s20 =	sshll.u32 s5, $0x1;
	s5 =	sadd.s32 s21, s3  }
0x9d: {  	[timem:s7], [sflag:s22] =	dma.local [hbm:s5], s20  }
0x9e: {  	_ =	swait.ge [sflag:s22], s20  }
0x9f: {  	s4 =	ssub.s32 $0x0, s20;
	[sflag:s22] =	ssyncset.done $0x0  }
0xa0: {  	[sflag:s22] =	ssyncadd.s32 s4;
	_ =	sdelay $0x1  }
0xa1: {  	s23 =	simm.s32 $0x1B8B  }
0xa2: {  	_ =	swait.ge [sflag:s23], $0x1  }
0xa3: {  	[sflag:s23] =	ssyncset.done $0x0  }
0xa4: {  	s25 =	simm.s32 $0x1B8E;
	s24 =	sld [smem:$0x3FFE];
	[sflag:s23] =	ssyncadd.s32 $0xFFFFFFFF  }
0xa5: {  	s26 =	simm.s32 $execute0_lowered;
	[smem:$0x3FD2] =	sst s25  }
0xa6: {  	s5 =	sshll.u32 s26, $0x1;
	_ =	strace $0x80000046;
	[dreg:$0x1] =	wrdreg $0xFFFFFFFF  }
0xa7: {  	s28 =	simm.s32 $_size_execute0_lowered;
	s3 =	sadd.s32 s3, s5;
	[dreg:$0x0] =	wrdreg $0x0  }
0xa8: {  	s5 =	sshll.u32 s28, $0x1;
	[dreg:$0x2] =	wrdreg s3  }
0xa9: {  	[dreg:$0x3] =	wrdreg s5  }
0xaa: {  	[dreg:$0x4] =	wrdreg $0xC0  }
0xab: {  	_ =	task [dreg:s7], $0x5FFFF  }
0xac: {  	[dreg:$0x1] =	wrdreg $0xFFFFFFFF  }
0xad: {  	[dreg:$0x0] =	wrdreg $0x60  }
0xae: {  	[dreg:$0x2] =	wrdreg s2  }
0xaf: {  	[dreg:$0x3] =	wrdreg s24  }
0xb0: {  	[dreg:$0x4] =	wrdreg $0x9  }
0xb1: {  	_ =	task.clear_ibuf [dreg:s7], $0x5FFFF;
	_ =	strace $0x90000046  }
0xb2: {  	s29 =	simm.s32 $0x9;
	_ =	strace $0x80000048  }
0xb3: {  	_ =	swait.ge [sflag:s29], $0x1  }
0xb4: {  	[sflag:s29] =	ssyncadd.s32 $0xFFFFFFFF  }
0xb5: {  	_ =	strace $0x90000048  }
0xb6: {  	_ =	sfence  }
0xb7: {  	s30 =	sld [smem:$0x0];
	_ =	sdelay $0x2  }
0xb8: {  	s31 =	sshll.u32 s1, $0xD;
	s1 =	sshrl.u32 s1, $0x2  }
0xb9: {  	s3 =	sand.u32 $0x4000, s31;
	s1 =	sadd.s32 s1, s30  }
0xba: {  	s0 =	sor.u32 s3, s0;
	s1 =	sshll.u32 s1, $0x11  }
0xbb: {  	s0 =	sor.u32 s1, s0  }
0xbc: {  	s0 =	sadd.s32 $0x8F2B, s0  }
0xbd: {  	[sflag:s0] =	ssyncadd.remote.s32 $0x1  }
0xbe: {  	_ =	sfence.sel $0xFFFF  }
0xbf: {  	[dreg:$0x0] =	wrdreg $0xFFFFFFFF;
	(pc) =	sbr.abs _section_cstart, $3  }
0xc0: {  	[dreg:$0x1] =	wrdreg $0xFFFFFFFF  }
0xc1: {  	_ =	task.clear_ibuf [dreg:s7], $0x2FFFF;
	_ =	strace $0x9FFFFFFF  }
0xc2: {  	(tm) =	ssettm $0x7FFFFFFF  }
0xc3: {  	_ =	shalt  }
tec
execute0_lowered:
.L_overlay_start_1:
0x0: {  	(tag) =	ssettag $0x1  }
0x1: {  	s0 =	rddreg [dreg:$0x0]  }
0x2: {  	s1 =	rddreg [dreg:$0x1]  }
0x3: {  	s3 =	srdreg.scid;
	s4 =	stileid.u32;
	s2 =	simm.s32 $0x0  }
0x4: {  	s9 =	simm.s32 $0x80;
	s12 =	simm.s32 $0x48;
	s16 =	simm.s32 $0xCA80  }
0x5: {  	s17 =	simm.s32 $0x6600;
	s18 =	simm.s32 $0x10A80;
	s19 =	simm.s32 $0x1  }
0x6: {  	s20 =	simm.s32 $0x12E80;
	s3 =	sand.u32 $0x1, s3;
	s4 =	sshll.u32 s4, $0x1  }
0x7: {  	s21 =	simm.s32 $0x3;
	s22 =	simm.s32 $0x2;
	s6 =	sor.u32 s3, s4  }
0x8: {  	[smem:$0x7FF] =	sst s2;
	s5 =	ssub.s32 $0x2, s3;
	s8 =	smul.u32 $0xC80, s6  }
0x9: {  	s23 =	simm.s32 $0x19280;
	_ =	strace $0x80000047;
	s7 =	sshrl.u32 s5, $0x1  }
0xa: {  	s3 =	sadd.s32 $0xF42A00, s1;
	s30 =	ssub.s32 s5, s7;
	s0 =	sadd.s32 s0, s8  }
0xb: {  	s4 =	sadd.s32 $0x600, s1;
	s31 =	smax.u32 s30, $0x1;
	[dreg:$0x3] =	wrdreg s0  }
0xc: {  	s5 =	sshll.u32 s6, $0x7;
	s6 =	simm.s32 $0x0;
	[dreg:$0x4] =	wrdreg s31  }
.LBB2_1:
0xd: {  	[dreg:$0x5] =	wrdreg s6  }
0xe: {  	s0 =	rddreg [dreg:$0x3];
	s26 =	simm.s32 $0x5  }
0xf: {  	[tilespmem:s2], [sflag:$0x5] =	stream.linear.gather [hbm4b:s0+s2], $0x6400, $0x38;
	[tilespmem:$0x1F680] =	vst v63  }
0x10: {  	_ =	swait.ge [sflag:s26], $0x6400  }
0x11: {  	[sflag:s26] =	ssyncset.done $0x0  }
0x12: {  	[sflag:s26] =	ssyncadd.s32 $0xFFFF9C00  }
0x13: {  	v0 =	vld [tilespmem:$0x0]  }
0x14: {  	v1 =	vld [tilespmem:$0x10]  }
0x15: {  	v2 =	vld [tilespmem:$0x20]  }
0x16: {  	v3 =	vld [tilespmem:$0x30]  }
0x17: {  	v4 =	vld [tilespmem:$0x40]  }
0x18: {  	v5 =	vld [tilespmem:$0x50];
	v0 =	vshrl.u32 v0, $0x1  }
0x19: {  	v46 =	vld [tilespmem:$0x60];
	v45 =	vshrl.u32 v1, $0x1;
	[tilespmem:$0x6480] =	vst v0  }
0x1a: {  	v48 =	vld [tilespmem:$0x70];
	v47 =	vshrl.u32 v2, $0x1;
	[tilespmem:$0x6490] =	vst v45  }
0x1b: {  	v50 =	vld [tilespmem:$0x80];
	v49 =	vshrl.u32 v3, $0x1;
	[tilespmem:$0x64A0] =	vst v47  }
0x1c: {  	v52 =	vld [tilespmem:$0x90];
	v51 =	vshrl.u32 v4, $0x1;
	[tilespmem:$0x64B0] =	vst v49  }
0x1d: {  	v54 =	vld [tilespmem:$0xA0];
	v53 =	vshrl.u32 v5, $0x1;
	[tilespmem:$0x64C0] =	vst v51  }
0x1e: {  	v56 =	vld [tilespmem:$0xB0];
	v55 =	vshrl.u32 v46, $0x1;
	[tilespmem:$0x64D0] =	vst v53  }
0x1f: {  	v58 =	vld [tilespmem:$0xC0];
	v57 =	vshrl.u32 v48, $0x1;
	[tilespmem:$0x64E0] =	vst v55  }
0x20: {  	v59 =	vshrl.u32 v50, $0x1;
	[tilespmem:$0x64F0] =	vst v57  }
0x21: {  	v60 =	vshrl.u32 v52, $0x1;
	[tilespmem:$0x6500] =	vst v59  }
0x22: {  	v61 =	vshrl.u32 v54, $0x1;
	[tilespmem:$0x6510] =	vst v60  }
0x23: {  	v62 =	vshrl.u32 v56, $0x1;
	[tilespmem:$0x6520] =	vst v61  }
0x24: {  	s28 =	simm.s32 $0x6480;
	v63 =	vshrl.u32 v58, $0x1;
	[tilespmem:$0x6530] =	vst v62  }
0x25: {  	s1 =	simm.s32 $0x6680;
	s30 =	simm.s32 $0x6500;
	s31 =	simm.s32 $0xA680;
	[tilespmem:$0x6540] =	vst v63  }
0x26: {  	[tilespmem:s1], [sflag:$0x1] =	stream.indirect.gather [hbm4b:s3+s9], $0x80, s28, s9, $0xb8;
	[tilespmem:$0x1F680] =	vst v63  }
0x27: {  	s10 =	simm.s32 $0x0;
	s29 =	simm.s32 $0x0;
	s26 =	simm.s32 $0xC8  }
0x28: {  	[tilespmem:s31], [sflag:$0x1] =	stream.indirect.gather [hbm4b:s3+s12], $0x80, s30, s12, $0xb8;
	[tilespmem:$0x1F680] =	vst v63  }
.LBB2_2:
0x29: {  	p0 =	seq.s32 s29, $0x0  }
0x2a: {  	s31 =	sshll.u32 s29, $0x1;
	s0 =	simm.s32 @!p0 $0x4  }
0x2b: {  	s30 =	sor.u32 $0x1, s31;
	_ =	swait.ge @!p0 [sflag:s0], $0x6400  }
0x2c: {  	s1 =	smul.u32 $0xC8, s30;
	[sflag:s0] =	ssyncset.done @!p0 $0x0  }
0x2d: {  	[sflag:s0] =	ssyncadd.s32 @!p0 $0xFFFF9C00  }
0x2e: {  	v0 =	vld [tilespmem:s1+$0x0];
	_ =	sdelay $0x4  }
0x2f: {  	v0 =	vshrl.u32 v0, $0x1  }
0x30: {  	[tilespmem:$0x6580] =	vst v0  }
0x31: {  	v0 =	vld [tilespmem:s1+$0x10];
	_ =	sdelay $0x4  }
0x32: {  	v0 =	vshrl.u32 v0, $0x1  }
0x33: {  	[tilespmem:$0x6590] =	vst v0  }
0x34: {  	v0 =	vld [tilespmem:s1+$0x20];
	_ =	sdelay $0x4  }
0x35: {  	v0 =	vshrl.u32 v0, $0x1  }
0x36: {  	[tilespmem:$0x65A0] =	vst v0  }
0x37: {  	v0 =	vld [tilespmem:s1+$0x30];
	_ =	sdelay $0x4  }
0x38: {  	v0 =	vshrl.u32 v0, $0x1  }
0x39: {  	[tilespmem:$0x65B0] =	vst v0  }
0x3a: {  	v0 =	vld [tilespmem:s1+$0x40];
	_ =	sdelay $0x4  }
0x3b: {  	v0 =	vshrl.u32 v0, $0x1  }
0x3c: {  	[tilespmem:$0x65C0] =	vst v0  }
0x3d: {  	v0 =	vld [tilespmem:s1+$0x50];
	_ =	sdelay $0x4  }
0x3e: {  	v0 =	vshrl.u32 v0, $0x1  }
0x3f: {  	[tilespmem:$0x65D0] =	vst v0  }
0x40: {  	v0 =	vld [tilespmem:s1+$0x60];
	_ =	sdelay $0x4  }
0x41: {  	v0 =	vshrl.u32 v0, $0x1  }
0x42: {  	[tilespmem:$0x65E0] =	vst v0  }
0x43: {  	v0 =	vld [tilespmem:s1+$0x70];
	_ =	sdelay $0x4  }
0x44: {  	v0 =	vshrl.u32 v0, $0x1  }
0x45: {  	s24 =	sand.u32 $0x7FF8, s1;
	[tilespmem:$0x65F0] =	vst v0  }
0x46: {  	v0 =	vld [tilespmem:s24+$0x80];
	_ =	sdelay $0x4  }
0x47: {  	v0 =	vshrl.u32 v0, $0x1  }
0x48: {  	[tilespmem:$0x6600] =	vst v0  }
0x49: {  	v0 =	vld [tilespmem:s1+$0x90];
	_ =	sdelay $0x4  }
0x4a: {  	v0 =	vshrl.u32 v0, $0x1  }
0x4b: {  	[tilespmem:$0x6610] =	vst v0  }
0x4c: {  	v0 =	vld [tilespmem:s1+$0xA0];
	_ =	sdelay $0x4  }
0x4d: {  	v0 =	vshrl.u32 v0, $0x1  }
0x4e: {  	[tilespmem:$0x6620] =	vst v0  }
0x4f: {  	v0 =	vld [tilespmem:s1+$0xB0];
	_ =	sdelay $0x4  }
0x50: {  	v0 =	vshrl.u32 v0, $0x1  }
0x51: {  	[tilespmem:$0x6630] =	vst v0  }
0x52: {  	v0 =	vld [tilespmem:s1+$0xC0];
	_ =	sdelay $0x4  }
0x53: {  	v0 =	vshrl.u32 v0, $0x1  }
0x54: {  	s25 =	simm.s32 $0x6580;
	[tilespmem:$0x6640] =	vst v0  }
0x55: {  	[tilespmem:s16], [sflag:$0x2] =	stream.indirect.gather [hbm4b:s3+s9], $0x80, s25, s9, $0xb8;
	[tilespmem:$0x1F680] =	vst v63  }
0x56: {  	_ = 	snop  }
0x57: {  	[tilespmem:s18], [sflag:$0x2] =	stream.indirect.gather [hbm4b:s3+s12], $0x80, s17, s12, $0xb8;
	[tilespmem:$0x1F680] =	vst v63  }
0x58: {  	_ =	swait.ge [sflag:s19], $0x4000  }
0x59: {  	[sflag:s19] =	ssyncset.done $0x0  }
0x5a: {  	[sflag:s19] =	ssyncadd.s32 $0xFFFFC000  }
0x5b: {  	_ =	swait.ge [sflag:s19], $0x2400  }
0x5c: {  	[sflag:s19] =	ssyncset.done $0x0  }
0x5d: {  	[sflag:s19] =	ssyncadd.s32 $0xFFFFDC00  }
0x5e: {  	s28 =	smov.u32 s10;
	s0 =	simm.s32 $0x0;
	s1 =	simm.s32 $0x1000;
	v0 =	vld [tilespmem:s10+$0x0]  }
.LBB2_3:
0x5f: {  	p0 =	sne.s32 s1, $0x18000;
	_ =	sdelay $0x3  }
0x60: {  	v0 =	vshll.u32 v0, $0x6  }
0x61: {  	s11 =	sshra.s32 s0, $0x2;
	s0 =	smov.u32 s1;
	v0 =	vand.u32 $0x40, v0  }
0x62: {  	v0 =	vadd.s32 s11, v0  }
0x63: {  	(v2sf) =	vpush v0, $0x0  }
0x64: {  	(v2sf) =	vpush v0, $0x1  }
0x65: {  	(v2sf) =	vpush v0, $0x2  }
0x66: {  	(v2sf) =	vpush v0, $0x3  }
0x67: {  	(v2sf) =	vpush v0, $0x4  }
0x68: {  	(v2sf) =	vpush v0, $0x6  }
0x69: {  	(v2sf) =	vpush v0, $0x5  }
0x6a: {  	(v2sf) =	vpush v0, $0x7;
	_ =	sdelay $0x7  }
0x6b: {  	s15 =	spop (v2sf)  }
0x6c: {  	v0 =	vld [tilespmem:s15+$0x6680];
	s25 =	spop (v2sf)  }
0x6d: {  	s24 =	spop (v2sf)  }
0x6e: {  	s8 =	spop (v2sf)  }
0x6f: {  	s7 =	spop (v2sf)  }
0x70: {  	s14 =	spop (v2sf)  }
0x71: {  	v0 =	vmul.f32 $8.000000000e+00, v0;
	s6 =	spop (v2sf)  }
0x72: {  	s13 =	spop (v2sf)  }
0x73: {  	[tilespmem:s11+$0x12E80] =	vst v0  }
0x74: {  	v0 =	vld [tilespmem:s15+$0x6690];
	_ =	sdelay $0x4  }
0x75: {  	v0 =	vmul.f32 $8.000000000e+00, v0;
	_ =	sdelay $0x1  }
0x76: {  	[tilespmem:s11+$0x12E90] =	vst v0  }
0x77: {  	v0 =	vld [tilespmem:s15+$0x66A0];
	_ =	sdelay $0x4  }
0x78: {  	v0 =	vmul.f32 $8.000000000e+00, v0;
	_ =	sdelay $0x1  }
0x79: {  	[tilespmem:s11+$0x12EA0] =	vst v0  }
0x7a: {  	v0 =	vld [tilespmem:s15+$0x66B0];
	_ =	sdelay $0x4  }
0x7b: {  	v0 =	vmul.f32 $8.000000000e+00, v0;
	_ =	sdelay $0x1  }
0x7c: {  	[tilespmem:s11+$0x12EB0] =	vst v0  }
0x7d: {  	v0 =	vld [tilespmem:s25+$0x6700];
	_ =	sdelay $0x4  }
0x7e: {  	v0 =	vmul.f32 $8.000000000e+00, v0;
	_ =	sdelay $0x1  }
0x7f: {  	[tilespmem:s11+$0x12F00] =	vst v0  }
0x80: {  	v0 =	vld [tilespmem:s25+$0x6710];
	_ =	sdelay $0x4  }
0x81: {  	v0 =	vmul.f32 $8.000000000e+00, v0;
	_ =	sdelay $0x1  }
0x82: {  	[tilespmem:s11+$0x12F10] =	vst v0  }
0x83: {  	v0 =	vld [tilespmem:s25+$0x6720];
	_ =	sdelay $0x4  }
0x84: {  	v0 =	vmul.f32 $8.000000000e+00, v0;
	_ =	sdelay $0x1  }
0x85: {  	[tilespmem:s11+$0x12F20] =	vst v0  }
0x86: {  	v0 =	vld [tilespmem:s25+$0x6730];
	_ =	sdelay $0x4  }
0x87: {  	v0 =	vmul.f32 $8.000000000e+00, v0;
	_ =	sdelay $0x1  }
0x88: {  	[tilespmem:s11+$0x12F30] =	vst v0  }
0x89: {  	v0 =	vld [tilespmem:s24+$0x6780];
	_ =	sdelay $0x4  }
0x8a: {  	v0 =	vmul.f32 $8.000000000e+00, v0;
	_ =	sdelay $0x1  }
0x8b: {  	[tilespmem:s11+$0x12F80] =	vst v0  }
0x8c: {  	v0 =	vld [tilespmem:s24+$0x6790];
	_ =	sdelay $0x4  }
0x8d: {  	v0 =	vmul.f32 $8.000000000e+00, v0;
	_ =	sdelay $0x1  }
0x8e: {  	[tilespmem:s11+$0x12F90] =	vst v0  }
0x8f: {  	v0 =	vld [tilespmem:s24+$0x67A0];
	_ =	sdelay $0x4  }
0x90: {  	v0 =	vmul.f32 $8.000000000e+00, v0;
	_ =	sdelay $0x1  }
0x91: {  	[tilespmem:s11+$0x12FA0] =	vst v0  }
0x92: {  	v0 =	vld [tilespmem:s24+$0x67B0];
	_ =	sdelay $0x4  }
0x93: {  	v0 =	vmul.f32 $8.000000000e+00, v0;
	_ =	sdelay $0x1  }
0x94: {  	[tilespmem:s11+$0x12FB0] =	vst v0  }
0x95: {  	v0 =	vld [tilespmem:s8+$0x6800];
	_ =	sdelay $0x4  }
0x96: {  	v0 =	vmul.f32 $8.000000000e+00, v0;
	_ =	sdelay $0x1  }
0x97: {  	[tilespmem:s11+$0x13000] =	vst v0  }
0x98: {  	v0 =	vld [tilespmem:s8+$0x6810];
	_ =	sdelay $0x4  }
0x99: {  	v0 =	vmul.f32 $8.000000000e+00, v0;
	_ =	sdelay $0x1  }
0x9a: {  	[tilespmem:s11+$0x13010] =	vst v0  }
0x9b: {  	v0 =	vld [tilespmem:s8+$0x6820];
	_ =	sdelay $0x4  }
0x9c: {  	v0 =	vmul.f32 $8.000000000e+00, v0;
	_ =	sdelay $0x1  }
0x9d: {  	[tilespmem:s11+$0x13020] =	vst v0  }
0x9e: {  	v0 =	vld [tilespmem:s8+$0x6830];
	_ =	sdelay $0x4  }
0x9f: {  	v0 =	vmul.f32 $8.000000000e+00, v0;
	_ =	sdelay $0x1  }
0xa0: {  	[tilespmem:s11+$0x13030] =	vst v0  }
0xa1: {  	v0 =	vld [tilespmem:s7+$0x6880];
	_ =	sdelay $0x4  }
0xa2: {  	v0 =	vmul.f32 $8.000000000e+00, v0;
	_ =	sdelay $0x1  }
0xa3: {  	[tilespmem:s11+$0x13080] =	vst v0  }
0xa4: {  	v0 =	vld [tilespmem:s7+$0x6890];
	_ =	sdelay $0x4  }
0xa5: {  	v0 =	vmul.f32 $8.000000000e+00, v0;
	_ =	sdelay $0x1  }
0xa6: {  	[tilespmem:s11+$0x13090] =	vst v0  }
0xa7: {  	v0 =	vld [tilespmem:s7+$0x68A0];
	_ =	sdelay $0x4  }
0xa8: {  	v0 =	vmul.f32 $8.000000000e+00, v0;
	_ =	sdelay $0x1  }
0xa9: {  	[tilespmem:s11+$0x130A0] =	vst v0  }
0xaa: {  	v0 =	vld [tilespmem:s7+$0x68B0];
	_ =	sdelay $0x4  }
0xab: {  	v0 =	vmul.f32 $8.000000000e+00, v0;
	_ =	sdelay $0x1  }
0xac: {  	[tilespmem:s11+$0x130B0] =	vst v0  }
0xad: {  	v0 =	vld [tilespmem:s6+$0x6900];
	_ =	sdelay $0x4  }
0xae: {  	v0 =	vmul.f32 $8.000000000e+00, v0;
	_ =	sdelay $0x1  }
0xaf: {  	[tilespmem:s11+$0x13100] =	vst v0  }
0xb0: {  	v0 =	vld [tilespmem:s6+$0x6910];
	_ =	sdelay $0x4  }
0xb1: {  	v0 =	vmul.f32 $8.000000000e+00, v0;
	_ =	sdelay $0x1  }
0xb2: {  	[tilespmem:s11+$0x13110] =	vst v0  }
0xb3: {  	v0 =	vld [tilespmem:s6+$0x6920];
	_ =	sdelay $0x4  }
0xb4: {  	v0 =	vmul.f32 $8.000000000e+00, v0;
	_ =	sdelay $0x1  }
0xb5: {  	[tilespmem:s11+$0x13120] =	vst v0  }
0xb6: {  	v0 =	vld [tilespmem:s6+$0x6930];
	_ =	sdelay $0x4  }
0xb7: {  	v0 =	vmul.f32 $8.000000000e+00, v0;
	_ =	sdelay $0x1  }
0xb8: {  	[tilespmem:s11+$0x13130] =	vst v0  }
0xb9: {  	v0 =	vld [tilespmem:s14+$0x6980];
	_ =	sdelay $0x4  }
0xba: {  	v0 =	vmul.f32 $8.000000000e+00, v0;
	_ =	sdelay $0x1  }
0xbb: {  	[tilespmem:s11+$0x13180] =	vst v0  }
0xbc: {  	v0 =	vld [tilespmem:s14+$0x6990];
	_ =	sdelay $0x4  }
0xbd: {  	v0 =	vmul.f32 $8.000000000e+00, v0;
	_ =	sdelay $0x1  }
0xbe: {  	[tilespmem:s11+$0x13190] =	vst v0  }
0xbf: {  	v0 =	vld [tilespmem:s14+$0x69A0];
	_ =	sdelay $0x4  }
0xc0: {  	v0 =	vmul.f32 $8.000000000e+00, v0;
	_ =	sdelay $0x1  }
0xc1: {  	[tilespmem:s11+$0x131A0] =	vst v0  }
0xc2: {  	v0 =	vld [tilespmem:s14+$0x69B0];
	_ =	sdelay $0x4  }
0xc3: {  	v0 =	vmul.f32 $8.000000000e+00, v0;
	_ =	sdelay $0x1  }
0xc4: {  	[tilespmem:s11+$0x131B0] =	vst v0  }
0xc5: {  	v0 =	vld [tilespmem:s13+$0x6A00];
	_ =	sdelay $0x4  }
0xc6: {  	v0 =	vmul.f32 $8.000000000e+00, v0;
	_ =	sdelay $0x1  }
0xc7: {  	[tilespmem:s11+$0x13200] =	vst v0  }
0xc8: {  	v0 =	vld [tilespmem:s13+$0x6A10];
	_ =	sdelay $0x4  }
0xc9: {  	v0 =	vmul.f32 $8.000000000e+00, v0;
	_ =	sdelay $0x1  }
0xca: {  	[tilespmem:s11+$0x13210] =	vst v0  }
0xcb: {  	v0 =	vld [tilespmem:s13+$0x6A20];
	_ =	sdelay $0x4  }
0xcc: {  	v0 =	vmul.f32 $8.000000000e+00, v0;
	_ =	sdelay $0x1  }
0xcd: {  	[tilespmem:s11+$0x13220] =	vst v0  }
0xce: {  	v0 =	vld [tilespmem:s13+$0x6A30];
	_ =	sdelay $0x3  }
.Ltmp0:
0xcf: {  	(pc) =	sbr.rel @p0 .LBB2_3-.Ltmp0, $3  }
0xd0: {  	v0 =	vmul.f32 $8.000000000e+00, v0;
	_ =	sdelay $0x1  }
0xd1: {  	s28 =	sadd.s32 $0x8, s28;
	[tilespmem:s11+$0x13230] =	vst v0  }
0xd2: {  	s1 =	sadd.s32 $0x1000, s1;
	v0 =	vld [tilespmem:s28+$0x0]  }
0xd3: {  	_ =	sdelay $0x3  }
0xd4: {  	v0 =	vshll.u32 v0, $0x6  }
0xd5: {  	s0 =	sshra.s32 s0, $0x2;
	v0 =	vand.u32 $0x40, v0  }
0xd6: {  	v0 =	vadd.s32 s0, v0  }
0xd7: {  	(v2sf) =	vpush v0, $0x0;
	_ =	sdelay $0xe  }
0xd8: {  	s1 =	spop (v2sf)  }
0xd9: {  	v1 =	vld [tilespmem:s1+$0x6680];
	_ =	sdelay $0x4  }
0xda: {  	v1 =	vmul.f32 $8.000000000e+00, v1;
	_ =	sdelay $0x1  }
0xdb: {  	[tilespmem:s0+$0x12E80] =	vst v1  }
0xdc: {  	v1 =	vld [tilespmem:s1+$0x6690];
	_ =	sdelay $0x4  }
0xdd: {  	v1 =	vmul.f32 $8.000000000e+00, v1;
	_ =	sdelay $0x1  }
0xde: {  	[tilespmem:s0+$0x12E90] =	vst v1  }
0xdf: {  	(v2sf) =	vpush v0, $0x1;
	v1 =	vld [tilespmem:s1+$0x66A0];
	_ =	sdelay $0x4  }
0xe0: {  	v1 =	vmul.f32 $8.000000000e+00, v1;
	_ =	sdelay $0x1  }
0xe1: {  	[tilespmem:s0+$0x12EA0] =	vst v1  }
0xe2: {  	v1 =	vld [tilespmem:s1+$0x66B0];
	_ =	sdelay $0x4  }
0xe3: {  	v1 =	vmul.f32 $8.000000000e+00, v1;
	_ =	sdelay $0x1  }
0xe4: {  	s8 =	spop (v2sf);
	[tilespmem:s0+$0x12EB0] =	vst v1  }
0xe5: {  	v1 =	vld [tilespmem:s8+$0x6700];
	_ =	sdelay $0x4  }
0xe6: {  	v1 =	vmul.f32 $8.000000000e+00, v1;
	_ =	sdelay $0x1  }
0xe7: {  	[tilespmem:s0+$0x12F00] =	vst v1  }
0xe8: {  	v1 =	vld [tilespmem:s8+$0x6710];
	_ =	sdelay $0x4  }
0xe9: {  	v1 =	vmul.f32 $8.000000000e+00, v1;
	_ =	sdelay $0x1  }
0xea: {  	[tilespmem:s0+$0x12F10] =	vst v1  }
0xeb: {  	(v2sf) =	vpush v0, $0x2;
	v1 =	vld [tilespmem:s8+$0x6720];
	_ =	sdelay $0x4  }
0xec: {  	v1 =	vmul.f32 $8.000000000e+00, v1;
	_ =	sdelay $0x1  }
0xed: {  	[tilespmem:s0+$0x12F20] =	vst v1  }
0xee: {  	v1 =	vld [tilespmem:s8+$0x6730];
	_ =	sdelay $0x4  }
0xef: {  	v1 =	vmul.f32 $8.000000000e+00, v1;
	_ =	sdelay $0x1  }
0xf0: {  	s11 =	spop (v2sf);
	[tilespmem:s0+$0x12F30] =	vst v1  }
0xf1: {  	v1 =	vld [tilespmem:s11+$0x6780];
	_ =	sdelay $0x4  }
0xf2: {  	v1 =	vmul.f32 $8.000000000e+00, v1;
	_ =	sdelay $0x1  }
0xf3: {  	[tilespmem:s0+$0x12F80] =	vst v1  }
0xf4: {  	v1 =	vld [tilespmem:s11+$0x6790];
	_ =	sdelay $0x4  }
0xf5: {  	v1 =	vmul.f32 $8.000000000e+00, v1;
	_ =	sdelay $0x1  }
0xf6: {  	[tilespmem:s0+$0x12F90] =	vst v1  }
0xf7: {  	(v2sf) =	vpush v0, $0x3;
	v1 =	vld [tilespmem:s11+$0x67A0];
	_ =	sdelay $0x4  }
0xf8: {  	v1 =	vmul.f32 $8.000000000e+00, v1;
	_ =	sdelay $0x1  }
0xf9: {  	[tilespmem:s0+$0x12FA0] =	vst v1  }
0xfa: {  	v1 =	vld [tilespmem:s11+$0x67B0];
	_ =	sdelay $0x4  }
0xfb: {  	v1 =	vmul.f32 $8.000000000e+00, v1;
	_ =	sdelay $0x1  }
0xfc: {  	s13 =	spop (v2sf);
	[tilespmem:s0+$0x12FB0] =	vst v1  }
0xfd: {  	v1 =	vld [tilespmem:s13+$0x6800];
	_ =	sdelay $0x4  }
0xfe: {  	v1 =	vmul.f32 $8.000000000e+00, v1;
	_ =	sdelay $0x1  }
0xff: {  	[tilespmem:s0+$0x13000] =	vst v1  }
0x100: {  	v1 =	vld [tilespmem:s13+$0x6810];
	_ =	sdelay $0x4  }
0x101: {  	v1 =	vmul.f32 $8.000000000e+00, v1;
	_ =	sdelay $0x1  }
0x102: {  	[tilespmem:s0+$0x13010] =	vst v1  }
0x103: {  	(v2sf) =	vpush v0, $0x4;
	v1 =	vld [tilespmem:s13+$0x6820];
	_ =	sdelay $0x4  }
0x104: {  	v1 =	vmul.f32 $8.000000000e+00, v1;
	_ =	sdelay $0x1  }
0x105: {  	[tilespmem:s0+$0x13020] =	vst v1  }
0x106: {  	v1 =	vld [tilespmem:s13+$0x6830];
	_ =	sdelay $0x4  }
0x107: {  	v1 =	vmul.f32 $8.000000000e+00, v1;
	_ =	sdelay $0x1  }
0x108: {  	s14 =	spop (v2sf);
	[tilespmem:s0+$0x13030] =	vst v1  }
0x109: {  	v1 =	vld [tilespmem:s14+$0x6880];
	_ =	sdelay $0x4  }
0x10a: {  	v1 =	vmul.f32 $8.000000000e+00, v1;
	_ =	sdelay $0x1  }
0x10b: {  	[tilespmem:s0+$0x13080] =	vst v1  }
0x10c: {  	v1 =	vld [tilespmem:s14+$0x6890];
	_ =	sdelay $0x4  }
0x10d: {  	v1 =	vmul.f32 $8.000000000e+00, v1;
	_ =	sdelay $0x1  }
0x10e: {  	(v2sf) =	vpush v0, $0x6;
	[tilespmem:s0+$0x13090] =	vst v1  }
0x10f: {  	(v2sf) =	vpush v0, $0x5;
	v1 =	vld [tilespmem:s14+$0x68A0];
	_ =	sdelay $0x4  }
0x110: {  	v1 =	vmul.f32 $8.000000000e+00, v1;
	_ =	sdelay $0x1  }
0x111: {  	[tilespmem:s0+$0x130A0] =	vst v1  }
0x112: {  	v1 =	vld [tilespmem:s14+$0x68B0];
	_ =	sdelay $0x4  }
0x113: {  	v1 =	vmul.f32 $8.000000000e+00, v1  }
0x114: {  	s15 =	spop (v2sf)  }
0x115: {  	s6 =	spop (v2sf);
	[tilespmem:s0+$0x130B0] =	vst v1  }
0x116: {  	v1 =	vld [tilespmem:s6+$0x6900];
	_ =	sdelay $0x4  }
0x117: {  	v1 =	vmul.f32 $8.000000000e+00, v1;
	_ =	sdelay $0x1  }
0x118: {  	[tilespmem:s0+$0x13100] =	vst v1  }
0x119: {  	v1 =	vld [tilespmem:s6+$0x6910];
	_ =	sdelay $0x4  }
0x11a: {  	v1 =	vmul.f32 $8.000000000e+00, v1;
	_ =	sdelay $0x1  }
0x11b: {  	[tilespmem:s0+$0x13110] =	vst v1  }
0x11c: {  	v1 =	vld [tilespmem:s6+$0x6920];
	_ =	sdelay $0x4  }
0x11d: {  	v1 =	vmul.f32 $8.000000000e+00, v1;
	_ =	sdelay $0x1  }
0x11e: {  	[tilespmem:s0+$0x13120] =	vst v1  }
0x11f: {  	v1 =	vld [tilespmem:s6+$0x6930];
	_ =	sdelay $0x4  }
0x120: {  	v1 =	vmul.f32 $8.000000000e+00, v1;
	_ =	sdelay $0x1  }
0x121: {  	[tilespmem:s0+$0x13130] =	vst v1  }
0x122: {  	v1 =	vld [tilespmem:s15+$0x6980];
	_ =	sdelay $0x4  }
0x123: {  	v1 =	vmul.f32 $8.000000000e+00, v1;
	_ =	sdelay $0x1  }
0x124: {  	[tilespmem:s0+$0x13180] =	vst v1  }
0x125: {  	v1 =	vld [tilespmem:s15+$0x6990];
	_ =	sdelay $0x4  }
0x126: {  	v1 =	vmul.f32 $8.000000000e+00, v1;
	_ =	sdelay $0x1  }
0x127: {  	[tilespmem:s0+$0x13190] =	vst v1  }
0x128: {  	(v2sf) =	vpush v0, $0x7;
	v0 =	vld [tilespmem:s15+$0x69A0];
	_ =	sdelay $0x4  }
0x129: {  	v0 =	vmul.f32 $8.000000000e+00, v0;
	_ =	sdelay $0x1  }
0x12a: {  	[tilespmem:s0+$0x131A0] =	vst v0  }
0x12b: {  	v0 =	vld [tilespmem:s15+$0x69B0];
	_ =	sdelay $0x4  }
0x12c: {  	v0 =	vmul.f32 $8.000000000e+00, v0;
	_ =	sdelay $0x1  }
0x12d: {  	s24 =	spop (v2sf);
	[tilespmem:s0+$0x131B0] =	vst v0  }
0x12e: {  	v0 =	vld [tilespmem:s24+$0x6A00];
	_ =	sdelay $0x4  }
0x12f: {  	v0 =	vmul.f32 $8.000000000e+00, v0;
	_ =	sdelay $0x1  }
0x130: {  	[tilespmem:s0+$0x13200] =	vst v0  }
0x131: {  	v0 =	vld [tilespmem:s24+$0x6A10];
	_ =	sdelay $0x4  }
0x132: {  	v0 =	vmul.f32 $8.000000000e+00, v0;
	_ =	sdelay $0x1  }
0x133: {  	[tilespmem:s0+$0x13210] =	vst v0  }
0x134: {  	v0 =	vld [tilespmem:s24+$0x6A20];
	_ =	sdelay $0x4  }
0x135: {  	v0 =	vmul.f32 $8.000000000e+00, v0;
	_ =	sdelay $0x1  }
0x136: {  	[tilespmem:s0+$0x13220] =	vst v0  }
0x137: {  	v0 =	vld [tilespmem:s24+$0x6A30];
	_ =	sdelay $0x3  }
0x138: {  	s25 =	sadd.s32 s5, s31  }
0x139: {  	s1 =	smul.u32 $0xC80, s25;
	v0 =	vmul.f32 $8.000000000e+00, v0;
	_ =	sdelay $0x1  }
0x13a: {  	s31 =	sadd.s32 s4, s1;
	[tilespmem:s0+$0x13230] =	vst v0  }
0x13b: {  	[hbm4b:s31+s2] =	stream.linear.scatter [tilespmem:s20], [sflag:$0x3], $0x6400, $0x38;
	[tilespmem:$0x1F680] =	vst v63  }
0x13c: {  	p0 =	seq.s32 s29, $0x3F;
	_ =	swait.ge [sflag:s21], $0x6400  }
0x13d: {  	s0 =	smul.u32 @!p0 $0x190, s29;
	[sflag:s21] =	ssyncset.done $0x0  }
0x13e: {  	[sflag:s21] =	ssyncadd.s32 $0xFFFF9C00  }
0x13f: {  	v0 =	vld @!p0 [tilespmem:s0+$0x190];
	_ =	sdelay $0x4  }
0x140: {  	v0 =	vshrl.u32 @!p0 v0, $0x1  }
0x141: {  	[tilespmem:$0x6480] =	vst @!p0 v0  }
0x142: {  	v0 =	vld @!p0 [tilespmem:s0+$0x1A0];
	_ =	sdelay $0x4  }
0x143: {  	v0 =	vshrl.u32 @!p0 v0, $0x1  }
0x144: {  	[tilespmem:$0x6490] =	vst @!p0 v0  }
0x145: {  	v0 =	vld @!p0 [tilespmem:s0+$0x1B0];
	_ =	sdelay $0x4  }
0x146: {  	v0 =	vshrl.u32 @!p0 v0, $0x1  }
0x147: {  	[tilespmem:$0x64A0] =	vst @!p0 v0  }
0x148: {  	v0 =	vld @!p0 [tilespmem:s0+$0x1C0];
	_ =	sdelay $0x4  }
0x149: {  	v0 =	vshrl.u32 @!p0 v0, $0x1  }
0x14a: {  	[tilespmem:$0x64B0] =	vst @!p0 v0  }
0x14b: {  	v0 =	vld @!p0 [tilespmem:s0+$0x1D0];
	_ =	sdelay $0x4  }
0x14c: {  	v0 =	vshrl.u32 @!p0 v0, $0x1  }
0x14d: {  	[tilespmem:$0x64C0] =	vst @!p0 v0  }
0x14e: {  	v0 =	vld @!p0 [tilespmem:s0+$0x1E0];
	_ =	sdelay $0x4  }
0x14f: {  	v0 =	vshrl.u32 @!p0 v0, $0x1  }
0x150: {  	[tilespmem:$0x64D0] =	vst @!p0 v0  }
0x151: {  	v0 =	vld @!p0 [tilespmem:s0+$0x1F0];
	_ =	sdelay $0x4  }
0x152: {  	v0 =	vshrl.u32 @!p0 v0, $0x1  }
0x153: {  	[tilespmem:$0x64E0] =	vst @!p0 v0  }
0x154: {  	v0 =	vld @!p0 [tilespmem:s0+$0x200];
	_ =	sdelay $0x4  }
0x155: {  	s1 =	sadd.s32 @!p0 $0x190, s0;
	v0 =	vshrl.u32 @!p0 v0, $0x1  }
0x156: {  	s1 =	sand.u32 @!p0 $0xFFF0, s1;
	[tilespmem:$0x64F0] =	vst @!p0 v0  }
0x157: {  	v0 =	vld @!p0 [tilespmem:s1+$0x80];
	_ =	sdelay $0x4  }
0x158: {  	v0 =	vshrl.u32 @!p0 v0, $0x1  }
0x159: {  	[tilespmem:$0x6500] =	vst @!p0 v0  }
0x15a: {  	v0 =	vld @!p0 [tilespmem:s0+$0x220];
	_ =	sdelay $0x4  }
0x15b: {  	v0 =	vshrl.u32 @!p0 v0, $0x1  }
0x15c: {  	[tilespmem:$0x6510] =	vst @!p0 v0  }
0x15d: {  	v0 =	vld @!p0 [tilespmem:s0+$0x230];
	_ =	sdelay $0x4  }
0x15e: {  	v0 =	vshrl.u32 @!p0 v0, $0x1  }
0x15f: {  	[tilespmem:$0x6520] =	vst @!p0 v0  }
0x160: {  	v0 =	vld @!p0 [tilespmem:s0+$0x240];
	_ =	sdelay $0x4  }
0x161: {  	v0 =	vshrl.u32 @!p0 v0, $0x1  }
0x162: {  	[tilespmem:$0x6530] =	vst @!p0 v0  }
0x163: {  	v0 =	vld @!p0 [tilespmem:s0+$0x250];
	_ =	sdelay $0x4  }
0x164: {  	v0 =	vshrl.u32 @!p0 v0, $0x1  }
0x165: {  	s6 =	simm.s32 @!p0 $0x6680;
	s1 =	simm.s32 @!p0 $0x6480;
	s0 =	simm.s32 @!p0 $0x80;
	[tilespmem:$0x6540] =	vst @!p0 v0  }
0x166: {  	[tilespmem:s6], [sflag:$0x1] =	stream.indirect.gather @!p0 [hbm4b:s3+s0], $0x80, s1, s0, $0xb8;
	[tilespmem:$0x1F680] =	vst v63  }
0x167: {  	s0 =	simm.s32 @!p0 $0x48;
	s1 =	simm.s32 @!p0 $0x6500;
	s6 =	simm.s32 @!p0 $0xA680  }
0x168: {  	[tilespmem:s6], [sflag:$0x1] =	stream.indirect.gather @!p0 [hbm4b:s3+s0], $0x80, s1, s0, $0xb8;
	[tilespmem:$0x1F680] =	vst v63  }
0x169: {  	_ =	swait.ge [sflag:s22], $0x4000  }
0x16a: {  	[sflag:s22] =	ssyncset.done $0x0  }
0x16b: {  	[sflag:s22] =	ssyncadd.s32 $0xFFFFC000  }
0x16c: {  	_ =	swait.ge [sflag:s22], $0x2400  }
0x16d: {  	[sflag:s22] =	ssyncset.done $0x0  }
0x16e: {  	[sflag:s22] =	ssyncadd.s32 $0xFFFFDC00  }
0x16f: {  	s28 =	smov.u32 s26;
	s0 =	simm.s32 $0x0;
	s1 =	simm.s32 $0x1000;
	v0 =	vld [tilespmem:s26+$0x0]  }
.LBB2_5:
0x170: {  	p0 =	sne.s32 s1, $0x18000;
	_ =	sdelay $0x3  }
0x171: {  	v0 =	vshll.u32 v0, $0x6  }
0x172: {  	s11 =	sshra.s32 s0, $0x2;
	s0 =	smov.u32 s1;
	v0 =	vand.u32 $0x40, v0  }
0x173: {  	v0 =	vadd.s32 s11, v0  }
0x174: {  	(v2sf) =	vpush v0, $0x0  }
0x175: {  	(v2sf) =	vpush v0, $0x1  }
0x176: {  	(v2sf) =	vpush v0, $0x2  }
0x177: {  	(v2sf) =	vpush v0, $0x3  }
0x178: {  	(v2sf) =	vpush v0, $0x4  }
0x179: {  	(v2sf) =	vpush v0, $0x6  }
0x17a: {  	(v2sf) =	vpush v0, $0x5  }
0x17b: {  	(v2sf) =	vpush v0, $0x7;
	_ =	sdelay $0x7  }
0x17c: {  	s15 =	spop (v2sf)  }
0x17d: {  	v0 =	vld [tilespmem:s15+$0xCA80];
	s25 =	spop (v2sf)  }
0x17e: {  	s24 =	spop (v2sf)  }
0x17f: {  	s8 =	spop (v2sf)  }
0x180: {  	s7 =	spop (v2sf)  }
0x181: {  	s14 =	spop (v2sf)  }
0x182: {  	v0 =	vmul.f32 $8.000000000e+00, v0;
	s6 =	spop (v2sf)  }
0x183: {  	s13 =	spop (v2sf)  }
0x184: {  	[tilespmem:s11+$0x19280] =	vst v0  }
0x185: {  	v0 =	vld [tilespmem:s15+$0xCA90];
	_ =	sdelay $0x4  }
0x186: {  	v0 =	vmul.f32 $8.000000000e+00, v0;
	_ =	sdelay $0x1  }
0x187: {  	[tilespmem:s11+$0x19290] =	vst v0  }
0x188: {  	v0 =	vld [tilespmem:s15+$0xCAA0];
	_ =	sdelay $0x4  }
0x189: {  	v0 =	vmul.f32 $8.000000000e+00, v0;
	_ =	sdelay $0x1  }
0x18a: {  	[tilespmem:s11+$0x192A0] =	vst v0  }
0x18b: {  	v0 =	vld [tilespmem:s15+$0xCAB0];
	_ =	sdelay $0x4  }
0x18c: {  	v0 =	vmul.f32 $8.000000000e+00, v0;
	_ =	sdelay $0x1  }
0x18d: {  	[tilespmem:s11+$0x192B0] =	vst v0  }
0x18e: {  	v0 =	vld [tilespmem:s25+$0xCB00];
	_ =	sdelay $0x4  }
0x18f: {  	v0 =	vmul.f32 $8.000000000e+00, v0;
	_ =	sdelay $0x1  }
0x190: {  	[tilespmem:s11+$0x19300] =	vst v0  }
0x191: {  	v0 =	vld [tilespmem:s25+$0xCB10];
	_ =	sdelay $0x4  }
0x192: {  	v0 =	vmul.f32 $8.000000000e+00, v0;
	_ =	sdelay $0x1  }
0x193: {  	[tilespmem:s11+$0x19310] =	vst v0  }
0x194: {  	v0 =	vld [tilespmem:s25+$0xCB20];
	_ =	sdelay $0x4  }
0x195: {  	v0 =	vmul.f32 $8.000000000e+00, v0;
	_ =	sdelay $0x1  }
0x196: {  	[tilespmem:s11+$0x19320] =	vst v0  }
0x197: {  	v0 =	vld [tilespmem:s25+$0xCB30];
	_ =	sdelay $0x4  }
0x198: {  	v0 =	vmul.f32 $8.000000000e+00, v0;
	_ =	sdelay $0x1  }
0x199: {  	[tilespmem:s11+$0x19330] =	vst v0  }
0x19a: {  	v0 =	vld [tilespmem:s24+$0xCB80];
	_ =	sdelay $0x4  }
0x19b: {  	v0 =	vmul.f32 $8.000000000e+00, v0;
	_ =	sdelay $0x1  }
0x19c: {  	[tilespmem:s11+$0x19380] =	vst v0  }
0x19d: {  	v0 =	vld [tilespmem:s24+$0xCB90];
	_ =	sdelay $0x4  }
0x19e: {  	v0 =	vmul.f32 $8.000000000e+00, v0;
	_ =	sdelay $0x1  }
0x19f: {  	[tilespmem:s11+$0x19390] =	vst v0  }
0x1a0: {  	v0 =	vld [tilespmem:s24+$0xCBA0];
	_ =	sdelay $0x4  }
0x1a1: {  	v0 =	vmul.f32 $8.000000000e+00, v0;
	_ =	sdelay $0x1  }
0x1a2: {  	[tilespmem:s11+$0x193A0] =	vst v0  }
0x1a3: {  	v0 =	vld [tilespmem:s24+$0xCBB0];
	_ =	sdelay $0x4  }
0x1a4: {  	v0 =	vmul.f32 $8.000000000e+00, v0;
	_ =	sdelay $0x1  }
0x1a5: {  	[tilespmem:s11+$0x193B0] =	vst v0  }
0x1a6: {  	v0 =	vld [tilespmem:s8+$0xCC00];
	_ =	sdelay $0x4  }
0x1a7: {  	v0 =	vmul.f32 $8.000000000e+00, v0;
	_ =	sdelay $0x1  }
0x1a8: {  	[tilespmem:s11+$0x19400] =	vst v0  }
0x1a9: {  	v0 =	vld [tilespmem:s8+$0xCC10];
	_ =	sdelay $0x4  }
0x1aa: {  	v0 =	vmul.f32 $8.000000000e+00, v0;
	_ =	sdelay $0x1  }
0x1ab: {  	[tilespmem:s11+$0x19410] =	vst v0  }
0x1ac: {  	v0 =	vld [tilespmem:s8+$0xCC20];
	_ =	sdelay $0x4  }
0x1ad: {  	v0 =	vmul.f32 $8.000000000e+00, v0;
	_ =	sdelay $0x1  }
0x1ae: {  	[tilespmem:s11+$0x19420] =	vst v0  }
0x1af: {  	v0 =	vld [tilespmem:s8+$0xCC30];
	_ =	sdelay $0x4  }
0x1b0: {  	v0 =	vmul.f32 $8.000000000e+00, v0;
	_ =	sdelay $0x1  }
0x1b1: {  	[tilespmem:s11+$0x19430] =	vst v0  }
0x1b2: {  	v0 =	vld [tilespmem:s7+$0xCC80];
	_ =	sdelay $0x4  }
0x1b3: {  	v0 =	vmul.f32 $8.000000000e+00, v0;
	_ =	sdelay $0x1  }
0x1b4: {  	[tilespmem:s11+$0x19480] =	vst v0  }
0x1b5: {  	v0 =	vld [tilespmem:s7+$0xCC90];
	_ =	sdelay $0x4  }
0x1b6: {  	v0 =	vmul.f32 $8.000000000e+00, v0;
	_ =	sdelay $0x1  }
0x1b7: {  	[tilespmem:s11+$0x19490] =	vst v0  }
0x1b8: {  	v0 =	vld [tilespmem:s7+$0xCCA0];
	_ =	sdelay $0x4  }
0x1b9: {  	v0 =	vmul.f32 $8.000000000e+00, v0;
	_ =	sdelay $0x1  }
0x1ba: {  	[tilespmem:s11+$0x194A0] =	vst v0  }
0x1bb: {  	v0 =	vld [tilespmem:s7+$0xCCB0];
	_ =	sdelay $0x4  }
0x1bc: {  	v0 =	vmul.f32 $8.000000000e+00, v0;
	_ =	sdelay $0x1  }
0x1bd: {  	[tilespmem:s11+$0x194B0] =	vst v0  }
0x1be: {  	v0 =	vld [tilespmem:s6+$0xCD00];
	_ =	sdelay $0x4  }
0x1bf: {  	v0 =	vmul.f32 $8.000000000e+00, v0;
	_ =	sdelay $0x1  }
0x1c0: {  	[tilespmem:s11+$0x19500] =	vst v0  }
0x1c1: {  	v0 =	vld [tilespmem:s6+$0xCD10];
	_ =	sdelay $0x4  }
0x1c2: {  	v0 =	vmul.f32 $8.000000000e+00, v0;
	_ =	sdelay $0x1  }
0x1c3: {  	[tilespmem:s11+$0x19510] =	vst v0  }
0x1c4: {  	v0 =	vld [tilespmem:s6+$0xCD20];
	_ =	sdelay $0x4  }
0x1c5: {  	v0 =	vmul.f32 $8.000000000e+00, v0;
	_ =	sdelay $0x1  }
0x1c6: {  	[tilespmem:s11+$0x19520] =	vst v0  }
0x1c7: {  	v0 =	vld [tilespmem:s6+$0xCD30];
	_ =	sdelay $0x4  }
0x1c8: {  	v0 =	vmul.f32 $8.000000000e+00, v0;
	_ =	sdelay $0x1  }
0x1c9: {  	[tilespmem:s11+$0x19530] =	vst v0  }
0x1ca: {  	v0 =	vld [tilespmem:s14+$0xCD80];
	_ =	sdelay $0x4  }
0x1cb: {  	v0 =	vmul.f32 $8.000000000e+00, v0;
	_ =	sdelay $0x1  }
0x1cc: {  	[tilespmem:s11+$0x19580] =	vst v0  }
0x1cd: {  	v0 =	vld [tilespmem:s14+$0xCD90];
	_ =	sdelay $0x4  }
0x1ce: {  	v0 =	vmul.f32 $8.000000000e+00, v0;
	_ =	sdelay $0x1  }
0x1cf: {  	[tilespmem:s11+$0x19590] =	vst v0  }
0x1d0: {  	v0 =	vld [tilespmem:s14+$0xCDA0];
	_ =	sdelay $0x4  }
0x1d1: {  	v0 =	vmul.f32 $8.000000000e+00, v0;
	_ =	sdelay $0x1  }
0x1d2: {  	[tilespmem:s11+$0x195A0] =	vst v0  }
0x1d3: {  	v0 =	vld [tilespmem:s14+$0xCDB0];
	_ =	sdelay $0x4  }
0x1d4: {  	v0 =	vmul.f32 $8.000000000e+00, v0;
	_ =	sdelay $0x1  }
0x1d5: {  	[tilespmem:s11+$0x195B0] =	vst v0  }
0x1d6: {  	v0 =	vld [tilespmem:s13+$0xCE00];
	_ =	sdelay $0x4  }
0x1d7: {  	v0 =	vmul.f32 $8.000000000e+00, v0;
	_ =	sdelay $0x1  }
0x1d8: {  	[tilespmem:s11+$0x19600] =	vst v0  }
0x1d9: {  	v0 =	vld [tilespmem:s13+$0xCE10];
	_ =	sdelay $0x4  }
0x1da: {  	v0 =	vmul.f32 $8.000000000e+00, v0;
	_ =	sdelay $0x1  }
0x1db: {  	[tilespmem:s11+$0x19610] =	vst v0  }
0x1dc: {  	v0 =	vld [tilespmem:s13+$0xCE20];
	_ =	sdelay $0x4  }
0x1dd: {  	v0 =	vmul.f32 $8.000000000e+00, v0;
	_ =	sdelay $0x1  }
0x1de: {  	[tilespmem:s11+$0x19620] =	vst v0  }
0x1df: {  	v0 =	vld [tilespmem:s13+$0xCE30];
	_ =	sdelay $0x3  }
.Ltmp1:
0x1e0: {  	(pc) =	sbr.rel @p0 .LBB2_5-.Ltmp1, $3  }
0x1e1: {  	v0 =	vmul.f32 $8.000000000e+00, v0;
	_ =	sdelay $0x1  }
0x1e2: {  	s28 =	sadd.s32 $0x8, s28;
	[tilespmem:s11+$0x19630] =	vst v0  }
0x1e3: {  	s1 =	sadd.s32 $0x1000, s1;
	v0 =	vld [tilespmem:s28+$0x0]  }
0x1e4: {  	_ =	sdelay $0x3  }
0x1e5: {  	v0 =	vshll.u32 v0, $0x6  }
0x1e6: {  	s0 =	sshra.s32 s0, $0x2;
	v0 =	vand.u32 $0x40, v0  }
0x1e7: {  	v0 =	vadd.s32 s0, v0  }
0x1e8: {  	(v2sf) =	vpush v0, $0x0;
	_ =	sdelay $0xe  }
0x1e9: {  	s1 =	spop (v2sf)  }
0x1ea: {  	v1 =	vld [tilespmem:s1+$0xCA80];
	_ =	sdelay $0x4  }
0x1eb: {  	v1 =	vmul.f32 $8.000000000e+00, v1;
	_ =	sdelay $0x1  }
0x1ec: {  	[tilespmem:s0+$0x19280] =	vst v1  }
0x1ed: {  	v1 =	vld [tilespmem:s1+$0xCA90];
	_ =	sdelay $0x4  }
0x1ee: {  	v1 =	vmul.f32 $8.000000000e+00, v1;
	_ =	sdelay $0x1  }
0x1ef: {  	[tilespmem:s0+$0x19290] =	vst v1  }
0x1f0: {  	(v2sf) =	vpush v0, $0x1;
	v1 =	vld [tilespmem:s1+$0xCAA0];
	_ =	sdelay $0x4  }
0x1f1: {  	v1 =	vmul.f32 $8.000000000e+00, v1;
	_ =	sdelay $0x1  }
0x1f2: {  	[tilespmem:s0+$0x192A0] =	vst v1  }
0x1f3: {  	v1 =	vld [tilespmem:s1+$0xCAB0];
	_ =	sdelay $0x4  }
0x1f4: {  	v1 =	vmul.f32 $8.000000000e+00, v1;
	_ =	sdelay $0x1  }
0x1f5: {  	s13 =	spop (v2sf);
	[tilespmem:s0+$0x192B0] =	vst v1  }
0x1f6: {  	v1 =	vld [tilespmem:s13+$0xCB00];
	_ =	sdelay $0x4  }
0x1f7: {  	v1 =	vmul.f32 $8.000000000e+00, v1;
	_ =	sdelay $0x1  }
0x1f8: {  	[tilespmem:s0+$0x19300] =	vst v1  }
0x1f9: {  	v1 =	vld [tilespmem:s13+$0xCB10];
	_ =	sdelay $0x4  }
0x1fa: {  	v1 =	vmul.f32 $8.000000000e+00, v1;
	_ =	sdelay $0x1  }
0x1fb: {  	[tilespmem:s0+$0x19310] =	vst v1  }
0x1fc: {  	(v2sf) =	vpush v0, $0x2;
	v1 =	vld [tilespmem:s13+$0xCB20];
	_ =	sdelay $0x4  }
0x1fd: {  	v1 =	vmul.f32 $8.000000000e+00, v1;
	_ =	sdelay $0x1  }
0x1fe: {  	[tilespmem:s0+$0x19320] =	vst v1  }
0x1ff: {  	v1 =	vld [tilespmem:s13+$0xCB30];
	_ =	sdelay $0x4  }
0x200: {  	v1 =	vmul.f32 $8.000000000e+00, v1;
	_ =	sdelay $0x1  }
0x201: {  	s14 =	spop (v2sf);
	[tilespmem:s0+$0x19330] =	vst v1  }
0x202: {  	v1 =	vld [tilespmem:s14+$0xCB80];
	_ =	sdelay $0x4  }
0x203: {  	v1 =	vmul.f32 $8.000000000e+00, v1;
	_ =	sdelay $0x1  }
0x204: {  	[tilespmem:s0+$0x19380] =	vst v1  }
0x205: {  	v1 =	vld [tilespmem:s14+$0xCB90];
	_ =	sdelay $0x4  }
0x206: {  	v1 =	vmul.f32 $8.000000000e+00, v1;
	_ =	sdelay $0x1  }
0x207: {  	[tilespmem:s0+$0x19390] =	vst v1  }
0x208: {  	(v2sf) =	vpush v0, $0x3;
	v1 =	vld [tilespmem:s14+$0xCBA0];
	_ =	sdelay $0x4  }
0x209: {  	v1 =	vmul.f32 $8.000000000e+00, v1;
	_ =	sdelay $0x1  }
0x20a: {  	[tilespmem:s0+$0x193A0] =	vst v1  }
0x20b: {  	v1 =	vld [tilespmem:s14+$0xCBB0];
	_ =	sdelay $0x4  }
0x20c: {  	v1 =	vmul.f32 $8.000000000e+00, v1;
	_ =	sdelay $0x1  }
0x20d: {  	s15 =	spop (v2sf);
	[tilespmem:s0+$0x193B0] =	vst v1  }
0x20e: {  	v1 =	vld [tilespmem:s15+$0xCC00];
	_ =	sdelay $0x4  }
0x20f: {  	v1 =	vmul.f32 $8.000000000e+00, v1;
	_ =	sdelay $0x1  }
0x210: {  	[tilespmem:s0+$0x19400] =	vst v1  }
0x211: {  	v1 =	vld [tilespmem:s15+$0xCC10];
	_ =	sdelay $0x4  }
0x212: {  	v1 =	vmul.f32 $8.000000000e+00, v1;
	_ =	sdelay $0x1  }
0x213: {  	[tilespmem:s0+$0x19410] =	vst v1  }
0x214: {  	(v2sf) =	vpush v0, $0x4;
	v1 =	vld [tilespmem:s15+$0xCC20];
	_ =	sdelay $0x4  }
0x215: {  	v1 =	vmul.f32 $8.000000000e+00, v1;
	_ =	sdelay $0x1  }
0x216: {  	[tilespmem:s0+$0x19420] =	vst v1  }
0x217: {  	v1 =	vld [tilespmem:s15+$0xCC30];
	_ =	sdelay $0x4  }
0x218: {  	v1 =	vmul.f32 $8.000000000e+00, v1;
	_ =	sdelay $0x1  }
0x219: {  	s24 =	spop (v2sf);
	[tilespmem:s0+$0x19430] =	vst v1  }
0x21a: {  	v1 =	vld [tilespmem:s24+$0xCC80];
	_ =	sdelay $0x4  }
0x21b: {  	v1 =	vmul.f32 $8.000000000e+00, v1;
	_ =	sdelay $0x1  }
0x21c: {  	[tilespmem:s0+$0x19480] =	vst v1  }
0x21d: {  	v1 =	vld [tilespmem:s24+$0xCC90];
	_ =	sdelay $0x4  }
0x21e: {  	v1 =	vmul.f32 $8.000000000e+00, v1;
	_ =	sdelay $0x1  }
0x21f: {  	(v2sf) =	vpush v0, $0x6;
	[tilespmem:s0+$0x19490] =	vst v1  }
0x220: {  	(v2sf) =	vpush v0, $0x5;
	v1 =	vld [tilespmem:s24+$0xCCA0];
	_ =	sdelay $0x4  }
0x221: {  	v1 =	vmul.f32 $8.000000000e+00, v1;
	_ =	sdelay $0x1  }
0x222: {  	[tilespmem:s0+$0x194A0] =	vst v1  }
0x223: {  	v1 =	vld [tilespmem:s24+$0xCCB0];
	_ =	sdelay $0x4  }
0x224: {  	v1 =	vmul.f32 $8.000000000e+00, v1  }
0x225: {  	s25 =	spop (v2sf)  }
0x226: {  	s6 =	spop (v2sf);
	[tilespmem:s0+$0x194B0] =	vst v1  }
0x227: {  	v1 =	vld [tilespmem:s6+$0xCD00];
	_ =	sdelay $0x4  }
0x228: {  	v1 =	vmul.f32 $8.000000000e+00, v1;
	_ =	sdelay $0x1  }
0x229: {  	[tilespmem:s0+$0x19500] =	vst v1  }
0x22a: {  	v1 =	vld [tilespmem:s6+$0xCD10];
	_ =	sdelay $0x4  }
0x22b: {  	v1 =	vmul.f32 $8.000000000e+00, v1;
	_ =	sdelay $0x1  }
0x22c: {  	[tilespmem:s0+$0x19510] =	vst v1  }
0x22d: {  	v1 =	vld [tilespmem:s6+$0xCD20];
	_ =	sdelay $0x4  }
0x22e: {  	v1 =	vmul.f32 $8.000000000e+00, v1;
	_ =	sdelay $0x1  }
0x22f: {  	[tilespmem:s0+$0x19520] =	vst v1  }
0x230: {  	v1 =	vld [tilespmem:s6+$0xCD30];
	_ =	sdelay $0x4  }
0x231: {  	v1 =	vmul.f32 $8.000000000e+00, v1;
	_ =	sdelay $0x1  }
0x232: {  	[tilespmem:s0+$0x19530] =	vst v1  }
0x233: {  	v1 =	vld [tilespmem:s25+$0xCD80];
	_ =	sdelay $0x4  }
0x234: {  	v1 =	vmul.f32 $8.000000000e+00, v1;
	_ =	sdelay $0x1  }
0x235: {  	[tilespmem:s0+$0x19580] =	vst v1  }
0x236: {  	v1 =	vld [tilespmem:s25+$0xCD90];
	_ =	sdelay $0x4  }
0x237: {  	v1 =	vmul.f32 $8.000000000e+00, v1;
	_ =	sdelay $0x1  }
0x238: {  	[tilespmem:s0+$0x19590] =	vst v1  }
0x239: {  	(v2sf) =	vpush v0, $0x7;
	v63 =	vld [tilespmem:s25+$0xCDA0];
	_ =	sdelay $0x4  }
0x23a: {  	v0 =	vmul.f32 $8.000000000e+00, v63;
	_ =	sdelay $0x1  }
0x23b: {  	[tilespmem:s0+$0x195A0] =	vst v0  }
0x23c: {  	v0 =	vld [tilespmem:s25+$0xCDB0];
	_ =	sdelay $0x4  }
0x23d: {  	v0 =	vmul.f32 $8.000000000e+00, v0;
	_ =	sdelay $0x1  }
0x23e: {  	s28 =	spop (v2sf);
	[tilespmem:s0+$0x195B0] =	vst v0  }
0x23f: {  	v0 =	vld [tilespmem:s28+$0xCE00];
	_ =	sdelay $0x4  }
0x240: {  	v0 =	vmul.f32 $8.000000000e+00, v0;
	_ =	sdelay $0x1  }
0x241: {  	[tilespmem:s0+$0x19600] =	vst v0  }
0x242: {  	v0 =	vld [tilespmem:s28+$0xCE10];
	_ =	sdelay $0x4  }
0x243: {  	v0 =	vmul.f32 $8.000000000e+00, v0;
	_ =	sdelay $0x1  }
0x244: {  	[tilespmem:s0+$0x19610] =	vst v0  }
0x245: {  	v0 =	vld [tilespmem:s28+$0xCE20];
	_ =	sdelay $0x4  }
0x246: {  	v0 =	vmul.f32 $8.000000000e+00, v0;
	_ =	sdelay $0x1  }
0x247: {  	[tilespmem:s0+$0x19620] =	vst v0  }
0x248: {  	v0 =	vld [tilespmem:s28+$0xCE30];
	_ =	sdelay $0x1  }
0x249: {  	s29 =	sadd.s32 $0x1, s29  }
0x24a: {  	p0 =	sne.s32 s29, $0x40  }
.Ltmp2:
0x24b: {  	s30 =	sadd.s32 s5, s30;
	(pc) =	sbr.rel @p0 .LBB2_2-.Ltmp2, $3  }
0x24c: {  	s1 =	smul.u32 $0xC80, s30;
	v0 =	vmul.f32 $8.000000000e+00, v0;
	_ =	sdelay $0x1  }
0x24d: {  	s10 =	sadd.s32 $0x190, s10;
	s26 =	sadd.s32 $0x190, s26;
	s31 =	sadd.s32 s4, s1;
	[tilespmem:s0+$0x19630] =	vst v0  }
0x24e: {  	[hbm4b:s31+s2] =	stream.linear.scatter [tilespmem:s23], [sflag:$0x4], $0x6400, $0x38;
	[tilespmem:$0x1F680] =	vst v63  }
0x24f: {  	s1 =	simm.s32 $0x4  }
0x250: {  	_ =	swait.ge [sflag:s1], $0x6400  }
0x251: {  	s6 =	rddreg [dreg:$0x5]  }
0x252: {  	s0 =	rddreg [dreg:$0x4];
	s6 =	sadd.s32 $0x1, s6  }
0x253: {  	p0 =	sne.s32 s6, s0  }
.Ltmp3:
0x254: {  	_ = 	snop;
	(pc) =	sbr.rel @p0 .LBB2_1-.Ltmp3, $3  }
0x255: {  	_ =	sdelay $0x1  }
0x256: {  	[sflag:s1] =	ssyncset.done $0x0  }
0x257: {  	[sflag:s1] =	ssyncadd.s32 $0xFFFF9C00  }
0x258: {  	_ =	sfence.sel $0x180000  }
0x259: {  	[bflag:$0x0] =	sbarrier.arrive $0xFFFF  }
0x25a: {  	_ =	strace $0x90000047  }
0x25b: {  	s0 =	stileid.u32;
	[bflag:$0x2] =	sbarrier.arrive $0xFFFF  }
0x25c: {  	p0 =	sne.s32 s0, $0x0;
	s0 =	rddreg [dreg:$0x2]  }
0x25d: {  	s0 =	sadd.s32 @!p0 $0x100000, s0  }
0x25e: {  	[sflag:s0] =	ssyncadd.tile.s32 @!p0 $0x1;
	_ =	shalt  }
.Lfunc_end2:
_tile_overlayer_lowered:
.L_overlay_start_2:
0x25f: {  	(tag) =	ssettag $0x2  }
0x260: {  	s0 =	rddreg [dreg:$0x0];
	s2 =	stileid.u32  }
0x261: {  	s1 =	rddreg [dreg:$0x1];
	p0 =	sne.s32 s2, $0x0  }
0x262: {  	s3 =	rddreg [dreg:$0x2];
	[bflag:$0x3] =	sbarrier.arrive $0xFFFF;
	s2 =	simm.s32 @!p0 $0x1C05  }
0x263: {  	[timem:s3], [sflag:s2] =	dma.local @!p0 [hbm:s0], s1  }
0x264: {  	s0 =	simm.s32 @!p0 $0x5  }
0x265: {  	_ =	swait.ge @!p0 [sflag:s0], s1  }
0x266: {  	s1 =	ssub.s32 @!p0 $0x0, s1;
	[sflag:s0] =	ssyncset.done @!p0 $0x0  }
0x267: {  	[sflag:s0] =	ssyncadd.s32 @!p0 s1  }
0x268: {  	[bflag:$0x3] =	sbarrier.arrive $0xFFFF  }
0x269: {  	_ =	shalt  }

</sc_bundles>
